<compile_context>
chip_gen: v7x
topology: tpu7x:2x2x1
jax: 0.10.2.dev20260603
libtpu: 0.0.44.dev20260713+nightly
codegen_flags: <defaults>
</compile_context>

<pallas_src>
import functools

import jax
import jax.numpy as jnp
from jax import lax
from jax.experimental import pallas as pl
from jax.experimental.pallas import tpu as pltpu
from jax.experimental.pallas import tpu_sc as plsc

_SEQ = 2048
_B = 4
_EMB = 1024
_HID = 1024
_TAGS = 64
_M = _SEQ * _B

_GATHER_CHUNK = 32
_PROJ_BM = 1024
_TPB = 32
_TAG_BM = 1024

_F8 = jnp.float8_e4m3fn
_W_SCALE = 64.0
_X_SCALE = 256.0


def _sc_gather(table, idx):
    info = plsc.get_sparse_core_info()
    nw = info.num_cores * info.num_subcores
    (b_total,) = idx.shape
    d = table.shape[1]
    b_per_w = b_total // nw
    n_chunks = b_per_w // _GATHER_CHUNK
    mesh = plsc.VectorSubcoreMesh(core_axis_name="c", subcore_axis_name="s")

    @functools.partial(
        pl.kernel,
        mesh=mesh,
        out_type=jax.ShapeDtypeStruct((b_total, d), jnp.float32),
        scratch_types=[
            pltpu.VMEM((b_per_w,), jnp.int32),
            pltpu.VMEM((_GATHER_CHUNK, d), jnp.float32),
            pltpu.VMEM((_GATHER_CHUNK, d), jnp.float32),
            pltpu.SemaphoreType.DMA,
            pltpu.SemaphoreType.DMA,
            pltpu.SemaphoreType.DMA,
            pltpu.SemaphoreType.DMA,
        ],
    )
    def gather_k(table_hbm, idx_hbm, out_hbm, idx_v, rows_a, rows_b, ga, gb, wa, wb):
        wid = lax.axis_index("s") * info.num_cores + lax.axis_index("c")
        base = wid * b_per_w
        pltpu.sync_copy(idx_hbm.at[pl.ds(base, b_per_w)], idx_v)

        rows = (rows_a, rows_b)
        gsem = (ga, gb)
        wsem = (wa, wb)
        gcp = [None] * n_chunks
        wcp = [None] * n_chunks
        for g in range(n_chunks):
            b = g % 2
            if g >= 2:
                wcp[g - 2].wait()
            gcp[g] = pltpu.async_copy(
                table_hbm.at[idx_v.at[pl.ds(g * _GATHER_CHUNK, _GATHER_CHUNK)]],
                rows[b],
                gsem[b],
            )
            if g >= 1:
                gcp[g - 1].wait()
                wcp[g - 1] = pltpu.async_copy(
                    rows[1 - b],
                    out_hbm.at[pl.ds(base + (g - 1) * _GATHER_CHUNK, _GATHER_CHUNK)],
                    wsem[1 - b],
                )
        g = n_chunks - 1
        gcp[g].wait()
        wcp[g] = pltpu.async_copy(
            rows[g % 2],
            out_hbm.at[pl.ds(base + g * _GATHER_CHUNK, _GATHER_CHUNK)],
            wsem[g % 2],
        )
        wcp[n_chunks - 2].wait()
        wcp[n_chunks - 1].wait()

    return gather_k(table, idx)


def _proj_body(x_ref, w_ref, b_ref, o_ref):
    x8 = (x_ref[...] * _X_SCALE).astype(_F8)
    o_ref[...] = (
        jnp.dot(x8, w_ref[...], preferred_element_type=jnp.float32)
        * (1.0 / (_W_SCALE * _X_SCALE))
        + b_ref[...]
    ).astype(jnp.bfloat16)


def _input_proj(embeds, w_ih_t_f8, bias2d):
    return pl.pallas_call(
        _proj_body,
        grid=(_M // _PROJ_BM,),
        in_specs=[
            pl.BlockSpec((_PROJ_BM, _EMB), lambda i: (i, 0)),
            pl.BlockSpec((_EMB, 4 * _HID), lambda i: (0, 0)),
            pl.BlockSpec((1, 4 * _HID), lambda i: (0, 0)),
        ],
        out_specs=pl.BlockSpec((_PROJ_BM, 4 * _HID), lambda i: (i, 0)),
        out_shape=jax.ShapeDtypeStruct((_M, 4 * _HID), jnp.bfloat16),
    )(embeds, w_ih_t_f8, bias2d)


def _lstm_body(xw_ref, whh_hbm, out_ref, h_ref, c_ref, whh_v, sem):
    @pl.when(pl.program_id(0) == 0)
    def _init():
        h_ref[...] = jnp.zeros_like(h_ref)
        c_ref[...] = jnp.zeros_like(c_ref)
        cp = pltpu.make_async_copy(whh_hbm, whh_v, sem)
        cp.start()
        cp.wait()

    h = h_ref[...]
    c = c_ref[...]
    w = whh_v[...]
    for k in range(_TPB):
        h8 = (h * _X_SCALE).astype(_F8)
        gates = xw_ref[pl.ds(_B * k, _B), :].astype(jnp.float32) + jnp.dot(
            h8, w, preferred_element_type=jnp.float32
        ) * (1.0 / (_W_SCALE * _X_SCALE))
        i_g = jax.nn.sigmoid(gates[:, :_HID])
        f_g = jax.nn.sigmoid(gates[:, _HID : 2 * _HID])
        g_g = jnp.tanh(gates[:, 2 * _HID : 3 * _HID])
        o_g = jax.nn.sigmoid(gates[:, 3 * _HID :])
        c = f_g * c + i_g * g_g
        h = o_g * jnp.tanh(c)
        out_ref[pl.ds(_B * k, _B), :] = h.astype(jnp.bfloat16)
    h_ref[...] = h
    c_ref[...] = c


def _lstm(xw, w_hh_t_f8):
    return pl.pallas_call(
        _lstm_body,
        grid=(_SEQ // _TPB,),
        in_specs=[
            pl.BlockSpec((_B * _TPB, 4 * _HID), lambda i: (i, 0)),
            pl.BlockSpec(memory_space=pl.ANY),
        ],
        out_specs=pl.BlockSpec((_B * _TPB, _HID), lambda i: (i, 0)),
        out_shape=jax.ShapeDtypeStruct((_M, _HID), jnp.bfloat16),
        scratch_shapes=[
            pltpu.VMEM((_B, _HID), jnp.float32),
            pltpu.VMEM((_B, _HID), jnp.float32),
            pltpu.VMEM((_HID, 4 * _HID), _F8),
            pltpu.SemaphoreType.DMA,
        ],
    )(xw, w_hh_t_f8)


def _tag_body(h_ref, wt_ref, bt_ref, o_ref):
    logits = (
        jnp.dot(
            h_ref[...],
            wt_ref[...],
            preferred_element_type=jnp.float32,
        )
        + bt_ref[...]
    )
    m = jnp.max(logits, axis=-1, keepdims=True)
    s = logits - m
    lse = jnp.log(jnp.sum(jnp.exp(s), axis=-1, keepdims=True))
    o_ref[...] = s - lse


def _tag_head(lstm_out, w_tag_t_bf, bt2d):
    return pl.pallas_call(
        _tag_body,
        grid=(_M // _TAG_BM,),
        in_specs=[
            pl.BlockSpec((_TAG_BM, _HID), lambda i: (i, 0)),
            pl.BlockSpec((_HID, _TAGS), lambda i: (0, 0)),
            pl.BlockSpec((1, _TAGS), lambda i: (0, 0)),
        ],
        out_specs=pl.BlockSpec((_TAG_BM, _TAGS), lambda i: (i, 0)),
        out_shape=jax.ShapeDtypeStruct((_M, _TAGS), jnp.float32),
    )(lstm_out, w_tag_t_bf, bt2d)


def kernel(sentence, emb_table, W_ih, W_hh, b_ih, b_hh, W_tag, b_tag):
    seq, batch = sentence.shape
    idx = sentence.reshape(-1)
    embeds = _sc_gather(emb_table, idx)

    w_ih_t_f8 = (W_ih.T * _W_SCALE).astype(_F8)
    w_hh_t_f8 = (W_hh.T * _W_SCALE).astype(_F8)
    w_tag_t_bf = W_tag.T.astype(jnp.bfloat16)
    bias2d = (b_ih + b_hh).reshape(1, 4 * _HID)

    xw = _input_proj(embeds, w_ih_t_f8, bias2d)
    lstm_out = _lstm(xw, w_hh_t_f8)
    logp = _tag_head(lstm_out, w_tag_t_bf, b_tag.reshape(1, _TAGS))
    return logp.reshape(seq, batch, _TAGS)

# --- scband reference (transcript-rebuilt; emitter-appended) ---
"""Pipeline reference for scband-qlstmhybrid-65481071398078 (READ-ONLY COPY).

The authoritative reference and input builder live on the scoring server;
editing this copy changes nothing except your own understanding.
"""

import jax, jax.numpy as jnp
import numpy as np

SEQ = 2048
BATCH = 4
EMB = 1024
HID = 1024
VOCAB = 100000
TAGS = 64


def setup_inputs(seed: int = 0) -> dict:
    key = jax.random.key(seed)
    ks = jax.random.split(key, 8)
    sentence = jax.random.randint(ks[0], (SEQ, BATCH), 0, VOCAB, dtype=jnp.int32)
    emb_table = jax.random.normal(ks[1], (VOCAB, EMB), dtype=jnp.float32) * 0.02
    W_ih = jax.random.normal(ks[2], (4 * HID, EMB), dtype=jnp.float32) * 0.02
    W_hh = jax.random.normal(ks[3], (4 * HID, HID), dtype=jnp.float32) * 0.02
    b_ih = jnp.zeros((4 * HID,), dtype=jnp.float32)
    b_hh = jnp.zeros((4 * HID,), dtype=jnp.float32)
    W_tag = jax.random.normal(ks[4], (TAGS, HID), dtype=jnp.float32) * 0.02
    b_tag = jnp.zeros((TAGS,), dtype=jnp.float32)
    return {
        'sentence': sentence,
        'emb_table': emb_table,
        'W_ih': W_ih,
        'W_hh': W_hh,
        'b_ih': b_ih,
        'b_hh': b_hh,
        'W_tag': W_tag,
        'b_tag': b_tag,
    }


def reference(sentence, emb_table, W_ih, W_hh, b_ih, b_hh, W_tag, b_tag):
    # embedding lookup: (seq_len, batch, embedding_dim)
    embeds = jnp.take(emb_table, sentence, axis=0)
    bias = b_ih + b_hh

    def step(carry, x_t):
        h, c = carry
        gates = x_t @ W_ih.T + h @ W_hh.T + bias
        i, f, g, o = jnp.split(gates, 4, axis=-1)
        i = jax.nn.sigmoid(i)
        f = jax.nn.sigmoid(f)
        g = jnp.tanh(g)
        o = jax.nn.sigmoid(o)
        c_new = f * c + i * g
        h_new = o * jnp.tanh(c_new)
        return (h_new, c_new), h_new

    h0 = jnp.zeros((BATCH, HID), dtype=jnp.float32)
    c0 = jnp.zeros((BATCH, HID), dtype=jnp.float32)
    _, lstm_out = jax.lax.scan(step, (h0, c0), embeds)
    tag_logits = lstm_out @ W_tag.T + b_tag
    return jax.nn.log_softmax(tag_logits, axis=2)

if __name__ == "__main__":
    import jax
    _d = setup_inputs()
    print(jax.jit(kernel)(*tuple(_d.values())))

</pallas_src>

<mosaic_0001>
#map = affine_map<(d0, d1) -> (0, 0)>
#map1 = affine_map<(d0, d1) -> (0)>
module attributes {stable_mosaic.version = 14 : i64} {
  func.func @gather_k(%arg0: i32, %arg1: i32, %arg2: memref<100000x1024xf32, #tpu.memory_space<hbm>>, %arg3: memref<8192xi32, #tpu.memory_space<hbm>>, %arg4: memref<8192x1024xf32, #tpu.memory_space<hbm>>, %arg5: memref<256xi32, #tpu.memory_space<vmem>>, %arg6: memref<32x1024xf32, #tpu.memory_space<vmem>>, %arg7: memref<32x1024xf32, #tpu.memory_space<vmem>>, %arg8: memref<!tpu.dma_semaphore, #tpu.memory_space<semaphore_mem>>, %arg9: memref<!tpu.dma_semaphore, #tpu.memory_space<semaphore_mem>>, %arg10: memref<!tpu.dma_semaphore, #tpu.memory_space<semaphore_mem>>, %arg11: memref<!tpu.dma_semaphore, #tpu.memory_space<semaphore_mem>>) attributes {dimension_semantics = [#tpu.dimension_semantics<core_parallel>, #tpu.dimension_semantics<subcore_parallel>], iteration_bounds = array<i64: 2, 16>, scalar_prefetch = 0 : i64, scratch_operands = 7 : i64, tpu.core_type = #tpu.core_type<sc_vector_subcore>, window_params = [{transform_indices = #map}, {transform_indices = #map1}, {transform_indices = #map}]} {
    %mul3A = arith.constant 2 : i32
    %mul3A_0 = arith.muli %arg1, %mul3A : i32
    %add3A = arith.addi %mul3A_0, %arg0 : i32
    %mul3A_1 = arith.constant 256 : i32
    %mul3A_2 = arith.muli %add3A, %mul3A_1 : i32
    "tpu.region"() ({
      %run_scoped3A = tpu.sem_alloc : memref<!tpu.dma_semaphore, #tpu.memory_space<semaphore_mem>>
      %dma_start3A_161 = tpu.memref_slice %arg3[%mul3A_2] : memref<8192xi32, #tpu.memory_space<hbm>> -> memref<256xi32, #tpu.memory_space<hbm>>
      %dma_start3A_162 = tpu.memref_slice %arg3[%mul3A_2] : memref<8192xi32, #tpu.memory_space<hbm>> -> memref<256xi32, #tpu.memory_space<hbm>>
      tpu.enqueue_dma source(%dma_start3A_162 : memref<256xi32, #tpu.memory_space<hbm>>) target(%arg5 : memref<256xi32, #tpu.memory_space<vmem>>) target_semaphore(%run_scoped3A : memref<!tpu.dma_semaphore, #tpu.memory_space<semaphore_mem>>)
      %dma_wait3A_163 = tpu.memref_slice %arg3[%mul3A_2] : memref<8192xi32, #tpu.memory_space<hbm>> -> memref<256xi32, #tpu.memory_space<hbm>>
      %dma_wait3A_164 = tpu.memref_slice %arg3[%mul3A_2] : memref<8192xi32, #tpu.memory_space<hbm>> -> memref<256xi32, #tpu.memory_space<hbm>>
      tpu.wait_dma2 semaphore(%run_scoped3A : memref<!tpu.dma_semaphore, #tpu.memory_space<semaphore_mem>>) src(%dma_wait3A_164 : memref<256xi32, #tpu.memory_space<hbm>>) dst(%arg5 : memref<256xi32, #tpu.memory_space<vmem>>)
      tpu.yield
    }) : () -> ()
    %dma_start3A = arith.constant 0 : i32
    %dma_start3A_3 = tpu.memref_slice %arg5[%dma_start3A] : memref<256xi32, #tpu.memory_space<vmem>> -> memref<32xi32, #tpu.memory_space<vmem>>
    %dma_start3A_4 = arith.constant 0 : i32
    %dma_start3A_5 = arith.constant 0 : i32
    %dma_start3A_6 = tpu.memref_slice %arg2[%dma_start3A_4, %dma_start3A_5] : memref<100000x1024xf32, #tpu.memory_space<hbm>> -> memref<100000x1024xf32, #tpu.memory_space<hbm>>
    tpu.enqueue_indirect_dma source(%dma_start3A_6 : memref<100000x1024xf32, #tpu.memory_space<hbm>>) target(%arg6 : memref<32x1024xf32, #tpu.memory_space<vmem>>) offsets(%dma_start3A_3 : memref<32xi32, #tpu.memory_space<vmem>>) semaphore(%arg8 : memref<!tpu.dma_semaphore, #tpu.memory_space<semaphore_mem>>)
    %dma_start3A_7 = arith.constant 32 : i32
    %dma_start3A_8 = tpu.memref_slice %arg5[%dma_start3A_7] : memref<256xi32, #tpu.memory_space<vmem>> -> memref<32xi32, #tpu.memory_space<vmem>>
    %dma_start3A_9 = arith.constant 0 : i32
    %dma_start3A_10 = arith.constant 0 : i32
    %dma_start3A_11 = tpu.memref_slice %arg2[%dma_start3A_9, %dma_start3A_10] : memref<100000x1024xf32, #tpu.memory_space<hbm>> -> memref<100000x1024xf32, #tpu.memory_space<hbm>>
    tpu.enqueue_indirect_dma source(%dma_start3A_11 : memref<100000x1024xf32, #tpu.memory_space<hbm>>) target(%arg7 : memref<32x1024xf32, #tpu.memory_space<vmem>>) offsets(%dma_start3A_8 : memref<32xi32, #tpu.memory_space<vmem>>) semaphore(%arg9 : memref<!tpu.dma_semaphore, #tpu.memory_space<semaphore_mem>>)
    %dma_wait3A = arith.constant 0 : i32
    %dma_wait3A_12 = tpu.memref_slice %arg5[%dma_wait3A] : memref<256xi32, #tpu.memory_space<vmem>> -> memref<32xi32, #tpu.memory_space<vmem>>
    %dma_wait3A_13 = arith.constant 0 : i32
    %dma_wait3A_14 = arith.constant 0 : i32
    %dma_wait3A_15 = tpu.memref_slice %arg2[%dma_wait3A_13, %dma_wait3A_14] : memref<100000x1024xf32, #tpu.memory_space<hbm>> -> memref<100000x1024xf32, #tpu.memory_space<hbm>>
    tpu.wait_indirect_dma semaphore(%arg8 : memref<!tpu.dma_semaphore, #tpu.memory_space<semaphore_mem>>) src(%dma_wait3A_15 : memref<100000x1024xf32, #tpu.memory_space<hbm>>) dst(%arg6 : memref<32x1024xf32, #tpu.memory_space<vmem>>)
    %add3A_16 = arith.constant 0 : i32
    %add3A_17 = arith.addi %mul3A_2, %add3A_16 : i32
    %dma_start3A_18 = arith.constant 0 : i32
    %dma_start3A_19 = tpu.memref_slice %arg4[%add3A_17, %dma_start3A_18] : memref<8192x1024xf32, #tpu.memory_space<hbm>> -> memref<32x1024xf32, #tpu.memory_space<hbm>>
    %dma_start3A_20 = arith.constant 0 : i32
    %dma_start3A_21 = tpu.memref_slice %arg4[%add3A_17, %dma_start3A_20] : memref<8192x1024xf32, #tpu.memory_space<hbm>> -> memref<32x1024xf32, #tpu.memory_space<hbm>>
    tpu.enqueue_dma source(%arg6 : memref<32x1024xf32, #tpu.memory_space<vmem>>) target(%dma_start3A_21 : memref<32x1024xf32, #tpu.memory_space<hbm>>) target_semaphore(%arg10 : memref<!tpu.dma_semaphore, #tpu.memory_space<semaphore_mem>>)
    %dma_wait3A_22 = arith.constant 0 : i32
    %dma_wait3A_23 = tpu.memref_slice %arg4[%add3A_17, %dma_wait3A_22] : memref<8192x1024xf32, #tpu.memory_space<hbm>> -> memref<32x1024xf32, #tpu.memory_space<hbm>>
    %dma_wait3A_24 = arith.constant 0 : i32
    %dma_wait3A_25 = tpu.memref_slice %arg4[%add3A_17, %dma_wait3A_24] : memref<8192x1024xf32, #tpu.memory_space<hbm>> -> memref<32x1024xf32, #tpu.memory_space<hbm>>
    tpu.wait_dma2 semaphore(%arg10 : memref<!tpu.dma_semaphore, #tpu.memory_space<semaphore_mem>>) src(%arg6 : memref<32x1024xf32, #tpu.memory_space<vmem>>) dst(%dma_wait3A_25 : memref<32x1024xf32, #tpu.memory_space<hbm>>)
    %dma_start3A_26 = arith.constant 64 : i32
    %dma_start3A_27 = tpu.memref_slice %arg5[%dma_start3A_26] : memref<256xi32, #tpu.memory_space<vmem>> -> memref<32xi32, #tpu.memory_space<vmem>>
    %dma_start3A_28 = arith.constant 0 : i32
    %dma_start3A_29 = arith.constant 0 : i32
    %dma_start3A_30 = tpu.memref_slice %arg2[%dma_start3A_28, %dma_start3A_29] : memref<100000x1024xf32, #tpu.memory_space<hbm>> -> memref<100000x1024xf32, #tpu.memory_space<hbm>>
    tpu.enqueue_indirect_dma source(%dma_start3A_30 : memref<100000x1024xf32, #tpu.memory_space<hbm>>) target(%arg6 : memref<32x1024xf32, #tpu.memory_space<vmem>>) offsets(%dma_start3A_27 : memref<32xi32, #tpu.memory_space<vmem>>) semaphore(%arg8 : memref<!tpu.dma_semaphore, #tpu.memory_space<semaphore_mem>>)
    %dma_wait3A_31 = arith.constant 32 : i32
    %dma_wait3A_32 = tpu.memref_slice %arg5[%dma_wait3A_31] : memref<256xi32, #tpu.memory_space<vmem>> -> memref<32xi32, #tpu.memory_space<vmem>>
    %dma_wait3A_33 = arith.constant 0 : i32
    %dma_wait3A_34 = arith.constant 0 : i32
    %dma_wait3A_35 = tpu.memref_slice %arg2[%dma_wait3A_33, %dma_wait3A_34] : memref<100000x1024xf32, #tpu.memory_space<hbm>> -> memref<100000x1024xf32, #tpu.memory_space<hbm>>
    tpu.wait_indirect_dma semaphore(%arg9 : memref<!tpu.dma_semaphore, #tpu.memory_space<semaphore_mem>>) src(%dma_wait3A_35 : memref<100000x1024xf32, #tpu.memory_space<hbm>>) dst(%arg7 : memref<32x1024xf32, #tpu.memory_space<vmem>>)
    %add3A_36 = arith.constant 32 : i32
    %add3A_37 = arith.addi %mul3A_2, %add3A_36 : i32
    %dma_start3A_38 = arith.constant 0 : i32
    %dma_start3A_39 = tpu.memref_slice %arg4[%add3A_37, %dma_start3A_38] : memref<8192x1024xf32, #tpu.memory_space<hbm>> -> memref<32x1024xf32, #tpu.memory_space<hbm>>
    %dma_start3A_40 = arith.constant 0 : i32
    %dma_start3A_41 = tpu.memref_slice %arg4[%add3A_37, %dma_start3A_40] : memref<8192x1024xf32, #tpu.memory_space<hbm>> -> memref<32x1024xf32, #tpu.memory_space<hbm>>
    tpu.enqueue_dma source(%arg7 : memref<32x1024xf32, #tpu.memory_space<vmem>>) target(%dma_start3A_41 : memref<32x1024xf32, #tpu.memory_space<hbm>>) target_semaphore(%arg11 : memref<!tpu.dma_semaphore, #tpu.memory_space<semaphore_mem>>)
    %dma_wait3A_42 = arith.constant 0 : i32
    %dma_wait3A_43 = tpu.memref_slice %arg4[%add3A_37, %dma_wait3A_42] : memref<8192x1024xf32, #tpu.memory_space<hbm>> -> memref<32x1024xf32, #tpu.memory_space<hbm>>
    %dma_wait3A_44 = arith.constant 0 : i32
    %dma_wait3A_45 = tpu.memref_slice %arg4[%add3A_37, %dma_wait3A_44] : memref<8192x1024xf32, #tpu.memory_space<hbm>> -> memref<32x1024xf32, #tpu.memory_space<hbm>>
    tpu.wait_dma2 semaphore(%arg11 : memref<!tpu.dma_semaphore, #tpu.memory_space<semaphore_mem>>) src(%arg7 : memref<32x1024xf32, #tpu.memory_space<vmem>>) dst(%dma_wait3A_45 : memref<32x1024xf32, #tpu.memory_space<hbm>>)
    %dma_start3A_46 = arith.constant 96 : i32
    %dma_start3A_47 = tpu.memref_slice %arg5[%dma_start3A_46] : memref<256xi32, #tpu.memory_space<vmem>> -> memref<32xi32, #tpu.memory_space<vmem>>
    %dma_start3A_48 = arith.constant 0 : i32
    %dma_start3A_49 = arith.constant 0 : i32
    %dma_start3A_50 = tpu.memref_slice %arg2[%dma_start3A_48, %dma_start3A_49] : memref<100000x1024xf32, #tpu.memory_space<hbm>> -> memref<100000x1024xf32, #tpu.memory_space<hbm>>
    tpu.enqueue_indirect_dma source(%dma_start3A_50 : memref<100000x1024xf32, #tpu.memory_space<hbm>>) target(%arg7 : memref<32x1024xf32, #tpu.memory_space<vmem>>) offsets(%dma_start3A_47 : memref<32xi32, #tpu.memory_space<vmem>>) semaphore(%arg9 : memref<!tpu.dma_semaphore, #tpu.memory_space<semaphore_mem>>)
    %dma_wait3A_51 = arith.constant 64 : i32
    %dma_wait3A_52 = tpu.memref_slice %arg5[%dma_wait3A_51] : memref<256xi32, #tpu.memory_space<vmem>> -> memref<32xi32, #tpu.memory_space<vmem>>
    %dma_wait3A_53 = arith.constant 0 : i32
    %dma_wait3A_54 = arith.constant 0 : i32
    %dma_wait3A_55 = tpu.memref_slice %arg2[%dma_wait3A_53, %dma_wait3A_54] : memref<100000x1024xf32, #tpu.memory_space<hbm>> -> memref<100000x1024xf32, #tpu.memory_space<hbm>>
    tpu.wait_indirect_dma semaphore(%arg8 : memref<!tpu.dma_semaphore, #tpu.memory_space<semaphore_mem>>) src(%dma_wait3A_55 : memref<100000x1024xf32, #tpu.memory_space<hbm>>) dst(%arg6 : memref<32x1024xf32, #tpu.memory_space<vmem>>)
    %add3A_56 = arith.constant 64 : i32
    %add3A_57 = arith.addi %mul3A_2, %add3A_56 : i32
    %dma_start3A_58 = arith.constant 0 : i32
    %dma_start3A_59 = tpu.memref_slice %arg4[%add3A_57, %dma_start3A_58] : memref<8192x1024xf32, #tpu.memory_space<hbm>> -> memref<32x1024xf32, #tpu.memory_space<hbm>>
    %dma_start3A_60 = arith.constant 0 : i32
    %dma_start3A_61 = tpu.memref_slice %arg4[%add3A_57, %dma_start3A_60] : memref<8192x1024xf32, #tpu.memory_space<hbm>> -> memref<32x1024xf32, #tpu.memory_space<hbm>>
    tpu.enqueue_dma source(%arg6 : memref<32x1024xf32, #tpu.memory_space<vmem>>) target(%dma_start3A_61 : memref<32x1024xf32, #tpu.memory_space<hbm>>) target_semaphore(%arg10 : memref<!tpu.dma_semaphore, #tpu.memory_space<semaphore_mem>>)
    %dma_wait3A_62 = arith.constant 0 : i32
    %dma_wait3A_63 = tpu.memref_slice %arg4[%add3A_57, %dma_wait3A_62] : memref<8192x1024xf32, #tpu.memory_space<hbm>> -> memref<32x1024xf32, #tpu.memory_space<hbm>>
    %dma_wait3A_64 = arith.constant 0 : i32
    %dma_wait3A_65 = tpu.memref_slice %arg4[%add3A_57, %dma_wait3A_64] : memref<8192x1024xf32, #tpu.memory_space<hbm>> -> memref<32x1024xf32, #tpu.memory_space<hbm>>
    tpu.wait_dma2 semaphore(%arg10 : memref<!tpu.dma_semaphore, #tpu.memory_space<semaphore_mem>>) src(%arg6 : memref<32x1024xf32, #tpu.memory_space<vmem>>) dst(%dma_wait3A_65 : memref<32x1024xf32, #tpu.memory_space<hbm>>)
    %dma_start3A_66 = arith.constant 128 : i32
    %dma_start3A_67 = tpu.memref_slice %arg5[%dma_start3A_66] : memref<256xi32, #tpu.memory_space<vmem>> -> memref<32xi32, #tpu.memory_space<vmem>>
    %dma_start3A_68 = arith.constant 0 : i32
    %dma_start3A_69 = arith.constant 0 : i32
    %dma_start3A_70 = tpu.memref_slice %arg2[%dma_start3A_68, %dma_start3A_69] : memref<100000x1024xf32, #tpu.memory_space<hbm>> -> memref<100000x1024xf32, #tpu.memory_space<hbm>>
    tpu.enqueue_indirect_dma source(%dma_start3A_70 : memref<100000x1024xf32, #tpu.memory_space<hbm>>) target(%arg6 : memref<32x1024xf32, #tpu.memory_space<vmem>>) offsets(%dma_start3A_67 : memref<32xi32, #tpu.memory_space<vmem>>) semaphore(%arg8 : memref<!tpu.dma_semaphore, #tpu.memory_space<semaphore_mem>>)
    %dma_wait3A_71 = arith.constant 96 : i32
    %dma_wait3A_72 = tpu.memref_slice %arg5[%dma_wait3A_71] : memref<256xi32, #tpu.memory_space<vmem>> -> memref<32xi32, #tpu.memory_space<vmem>>
    %dma_wait3A_73 = arith.constant 0 : i32
    %dma_wait3A_74 = arith.constant 0 : i32
    %dma_wait3A_75 = tpu.memref_slice %arg2[%dma_wait3A_73, %dma_wait3A_74] : memref<100000x1024xf32, #tpu.memory_space<hbm>> -> memref<100000x1024xf32, #tpu.memory_space<hbm>>
    tpu.wait_indirect_dma semaphore(%arg9 : memref<!tpu.dma_semaphore, #tpu.memory_space<semaphore_mem>>) src(%dma_wait3A_75 : memref<100000x1024xf32, #tpu.memory_space<hbm>>) dst(%arg7 : memref<32x1024xf32, #tpu.memory_space<vmem>>)
    %add3A_76 = arith.constant 96 : i32
    %add3A_77 = arith.addi %mul3A_2, %add3A_76 : i32
    %dma_start3A_78 = arith.constant 0 : i32
    %dma_start3A_79 = tpu.memref_slice %arg4[%add3A_77, %dma_start3A_78] : memref<8192x1024xf32, #tpu.memory_space<hbm>> -> memref<32x1024xf32, #tpu.memory_space<hbm>>
    %dma_start3A_80 = arith.constant 0 : i32
    %dma_start3A_81 = tpu.memref_slice %arg4[%add3A_77, %dma_start3A_80] : memref<8192x1024xf32, #tpu.memory_space<hbm>> -> memref<32x1024xf32, #tpu.memory_space<hbm>>
    tpu.enqueue_dma source(%arg7 : memref<32x1024xf32, #tpu.memory_space<vmem>>) target(%dma_start3A_81 : memref<32x1024xf32, #tpu.memory_space<hbm>>) target_semaphore(%arg11 : memref<!tpu.dma_semaphore, #tpu.memory_space<semaphore_mem>>)
    %dma_wait3A_82 = arith.constant 0 : i32
    %dma_wait3A_83 = tpu.memref_slice %arg4[%add3A_77, %dma_wait3A_82] : memref<8192x1024xf32, #tpu.memory_space<hbm>> -> memref<32x1024xf32, #tpu.memory_space<hbm>>
    %dma_wait3A_84 = arith.constant 0 : i32
    %dma_wait3A_85 = tpu.memref_slice %arg4[%add3A_77, %dma_wait3A_84] : memref<8192x1024xf32, #tpu.memory_space<hbm>> -> memref<32x1024xf32, #tpu.memory_space<hbm>>
    tpu.wait_dma2 semaphore(%arg11 : memref<!tpu.dma_semaphore, #tpu.memory_space<semaphore_mem>>) src(%arg7 : memref<32x1024xf32, #tpu.memory_space<vmem>>) dst(%dma_wait3A_85 : memref<32x1024xf32, #tpu.memory_space<hbm>>)
    %dma_start3A_86 = arith.constant 160 : i32
    %dma_start3A_87 = tpu.memref_slice %arg5[%dma_start3A_86] : memref<256xi32, #tpu.memory_space<vmem>> -> memref<32xi32, #tpu.memory_space<vmem>>
    %dma_start3A_88 = arith.constant 0 : i32
    %dma_start3A_89 = arith.constant 0 : i32
    %dma_start3A_90 = tpu.memref_slice %arg2[%dma_start3A_88, %dma_start3A_89] : memref<100000x1024xf32, #tpu.memory_space<hbm>> -> memref<100000x1024xf32, #tpu.memory_space<hbm>>
    tpu.enqueue_indirect_dma source(%dma_start3A_90 : memref<100000x1024xf32, #tpu.memory_space<hbm>>) target(%arg7 : memref<32x1024xf32, #tpu.memory_space<vmem>>) offsets(%dma_start3A_87 : memref<32xi32, #tpu.memory_space<vmem>>) semaphore(%arg9 : memref<!tpu.dma_semaphore, #tpu.memory_space<semaphore_mem>>)
    %dma_wait3A_91 = arith.constant 128 : i32
    %dma_wait3A_92 = tpu.memref_slice %arg5[%dma_wait3A_91] : memref<256xi32, #tpu.memory_space<vmem>> -> memref<32xi32, #tpu.memory_space<vmem>>
    %dma_wait3A_93 = arith.constant 0 : i32
    %dma_wait3A_94 = arith.constant 0 : i32
    %dma_wait3A_95 = tpu.memref_slice %arg2[%dma_wait3A_93, %dma_wait3A_94] : memref<100000x1024xf32, #tpu.memory_space<hbm>> -> memref<100000x1024xf32, #tpu.memory_space<hbm>>
    tpu.wait_indirect_dma semaphore(%arg8 : memref<!tpu.dma_semaphore, #tpu.memory_space<semaphore_mem>>) src(%dma_wait3A_95 : memref<100000x1024xf32, #tpu.memory_space<hbm>>) dst(%arg6 : memref<32x1024xf32, #tpu.memory_space<vmem>>)
    %add3A_96 = arith.constant 128 : i32
    %add3A_97 = arith.addi %mul3A_2, %add3A_96 : i32
    %dma_start3A_98 = arith.constant 0 : i32
    %dma_start3A_99 = tpu.memref_slice %arg4[%add3A_97, %dma_start3A_98] : memref<8192x1024xf32, #tpu.memory_space<hbm>> -> memref<32x1024xf32, #tpu.memory_space<hbm>>
    %dma_start3A_100 = arith.constant 0 : i32
    %dma_start3A_101 = tpu.memref_slice %arg4[%add3A_97, %dma_start3A_100] : memref<8192x1024xf32, #tpu.memory_space<hbm>> -> memref<32x1024xf32, #tpu.memory_space<hbm>>
    tpu.enqueue_dma source(%arg6 : memref<32x1024xf32, #tpu.memory_space<vmem>>) target(%dma_start3A_101 : memref<32x1024xf32, #tpu.memory_space<hbm>>) target_semaphore(%arg10 : memref<!tpu.dma_semaphore, #tpu.memory_space<semaphore_mem>>)
    %dma_wait3A_102 = arith.constant 0 : i32
    %dma_wait3A_103 = tpu.memref_slice %arg4[%add3A_97, %dma_wait3A_102] : memref<8192x1024xf32, #tpu.memory_space<hbm>> -> memref<32x1024xf32, #tpu.memory_space<hbm>>
    %dma_wait3A_104 = arith.constant 0 : i32
    %dma_wait3A_105 = tpu.memref_slice %arg4[%add3A_97, %dma_wait3A_104] : memref<8192x1024xf32, #tpu.memory_space<hbm>> -> memref<32x1024xf32, #tpu.memory_space<hbm>>
    tpu.wait_dma2 semaphore(%arg10 : memref<!tpu.dma_semaphore, #tpu.memory_space<semaphore_mem>>) src(%arg6 : memref<32x1024xf32, #tpu.memory_space<vmem>>) dst(%dma_wait3A_105 : memref<32x1024xf32, #tpu.memory_space<hbm>>)
    %dma_start3A_106 = arith.constant 192 : i32
    %dma_start3A_107 = tpu.memref_slice %arg5[%dma_start3A_106] : memref<256xi32, #tpu.memory_space<vmem>> -> memref<32xi32, #tpu.memory_space<vmem>>
    %dma_start3A_108 = arith.constant 0 : i32
    %dma_start3A_109 = arith.constant 0 : i32
    %dma_start3A_110 = tpu.memref_slice %arg2[%dma_start3A_108, %dma_start3A_109] : memref<100000x1024xf32, #tpu.memory_space<hbm>> -> memref<100000x1024xf32, #tpu.memory_space<hbm>>
    tpu.enqueue_indirect_dma source(%dma_start3A_110 : memref<100000x1024xf32, #tpu.memory_space<hbm>>) target(%arg6 : memref<32x1024xf32, #tpu.memory_space<vmem>>) offsets(%dma_start3A_107 : memref<32xi32, #tpu.memory_space<vmem>>) semaphore(%arg8 : memref<!tpu.dma_semaphore, #tpu.memory_space<semaphore_mem>>)
    %dma_wait3A_111 = arith.constant 160 : i32
    %dma_wait3A_112 = tpu.memref_slice %arg5[%dma_wait3A_111] : memref<256xi32, #tpu.memory_space<vmem>> -> memref<32xi32, #tpu.memory_space<vmem>>
    %dma_wait3A_113 = arith.constant 0 : i32
    %dma_wait3A_114 = arith.constant 0 : i32
    %dma_wait3A_115 = tpu.memref_slice %arg2[%dma_wait3A_113, %dma_wait3A_114] : memref<100000x1024xf32, #tpu.memory_space<hbm>> -> memref<100000x1024xf32, #tpu.memory_space<hbm>>
    tpu.wait_indirect_dma semaphore(%arg9 : memref<!tpu.dma_semaphore, #tpu.memory_space<semaphore_mem>>) src(%dma_wait3A_115 : memref<100000x1024xf32, #tpu.memory_space<hbm>>) dst(%arg7 : memref<32x1024xf32, #tpu.memory_space<vmem>>)
    %add3A_116 = arith.constant 160 : i32
    %add3A_117 = arith.addi %mul3A_2, %add3A_116 : i32
    %dma_start3A_118 = arith.constant 0 : i32
    %dma_start3A_119 = tpu.memref_slice %arg4[%add3A_117, %dma_start3A_118] : memref<8192x1024xf32, #tpu.memory_space<hbm>> -> memref<32x1024xf32, #tpu.memory_space<hbm>>
    %dma_start3A_120 = arith.constant 0 : i32
    %dma_start3A_121 = tpu.memref_slice %arg4[%add3A_117, %dma_start3A_120] : memref<8192x1024xf32, #tpu.memory_space<hbm>> -> memref<32x1024xf32, #tpu.memory_space<hbm>>
    tpu.enqueue_dma source(%arg7 : memref<32x1024xf32, #tpu.memory_space<vmem>>) target(%dma_start3A_121 : memref<32x1024xf32, #tpu.memory_space<hbm>>) target_semaphore(%arg11 : memref<!tpu.dma_semaphore, #tpu.memory_space<semaphore_mem>>)
    %dma_wait3A_122 = arith.constant 0 : i32
    %dma_wait3A_123 = tpu.memref_slice %arg4[%add3A_117, %dma_wait3A_122] : memref<8192x1024xf32, #tpu.memory_space<hbm>> -> memref<32x1024xf32, #tpu.memory_space<hbm>>
    %dma_wait3A_124 = arith.constant 0 : i32
    %dma_wait3A_125 = tpu.memref_slice %arg4[%add3A_117, %dma_wait3A_124] : memref<8192x1024xf32, #tpu.memory_space<hbm>> -> memref<32x1024xf32, #tpu.memory_space<hbm>>
    tpu.wait_dma2 semaphore(%arg11 : memref<!tpu.dma_semaphore, #tpu.memory_space<semaphore_mem>>) src(%arg7 : memref<32x1024xf32, #tpu.memory_space<vmem>>) dst(%dma_wait3A_125 : memref<32x1024xf32, #tpu.memory_space<hbm>>)
    %dma_start3A_126 = arith.constant 224 : i32
    %dma_start3A_127 = tpu.memref_slice %arg5[%dma_start3A_126] : memref<256xi32, #tpu.memory_space<vmem>> -> memref<32xi32, #tpu.memory_space<vmem>>
    %dma_start3A_128 = arith.constant 0 : i32
    %dma_start3A_129 = arith.constant 0 : i32
    %dma_start3A_130 = tpu.memref_slice %arg2[%dma_start3A_128, %dma_start3A_129] : memref<100000x1024xf32, #tpu.memory_space<hbm>> -> memref<100000x1024xf32, #tpu.memory_space<hbm>>
    tpu.enqueue_indirect_dma source(%dma_start3A_130 : memref<100000x1024xf32, #tpu.memory_space<hbm>>) target(%arg7 : memref<32x1024xf32, #tpu.memory_space<vmem>>) offsets(%dma_start3A_127 : memref<32xi32, #tpu.memory_space<vmem>>) semaphore(%arg9 : memref<!tpu.dma_semaphore, #tpu.memory_space<semaphore_mem>>)
    %dma_wait3A_131 = arith.constant 192 : i32
    %dma_wait3A_132 = tpu.memref_slice %arg5[%dma_wait3A_131] : memref<256xi32, #tpu.memory_space<vmem>> -> memref<32xi32, #tpu.memory_space<vmem>>
    %dma_wait3A_133 = arith.constant 0 : i32
    %dma_wait3A_134 = arith.constant 0 : i32
    %dma_wait3A_135 = tpu.memref_slice %arg2[%dma_wait3A_133, %dma_wait3A_134] : memref<100000x1024xf32, #tpu.memory_space<hbm>> -> memref<100000x1024xf32, #tpu.memory_space<hbm>>
    tpu.wait_indirect_dma semaphore(%arg8 : memref<!tpu.dma_semaphore, #tpu.memory_space<semaphore_mem>>) src(%dma_wait3A_135 : memref<100000x1024xf32, #tpu.memory_space<hbm>>) dst(%arg6 : memref<32x1024xf32, #tpu.memory_space<vmem>>)
    %add3A_136 = arith.constant 192 : i32
    %add3A_137 = arith.addi %mul3A_2, %add3A_136 : i32
    %dma_start3A_138 = arith.constant 0 : i32
    %dma_start3A_139 = tpu.memref_slice %arg4[%add3A_137, %dma_start3A_138] : memref<8192x1024xf32, #tpu.memory_space<hbm>> -> memref<32x1024xf32, #tpu.memory_space<hbm>>
    %dma_start3A_140 = arith.constant 0 : i32
    %dma_start3A_141 = tpu.memref_slice %arg4[%add3A_137, %dma_start3A_140] : memref<8192x1024xf32, #tpu.memory_space<hbm>> -> memref<32x1024xf32, #tpu.memory_space<hbm>>
    tpu.enqueue_dma source(%arg6 : memref<32x1024xf32, #tpu.memory_space<vmem>>) target(%dma_start3A_141 : memref<32x1024xf32, #tpu.memory_space<hbm>>) target_semaphore(%arg10 : memref<!tpu.dma_semaphore, #tpu.memory_space<semaphore_mem>>)
    %dma_wait3A_142 = arith.constant 224 : i32
    %dma_wait3A_143 = tpu.memref_slice %arg5[%dma_wait3A_142] : memref<256xi32, #tpu.memory_space<vmem>> -> memref<32xi32, #tpu.memory_space<vmem>>
    %dma_wait3A_144 = arith.constant 0 : i32
    %dma_wait3A_145 = arith.constant 0 : i32
    %dma_wait3A_146 = tpu.memref_slice %arg2[%dma_wait3A_144, %dma_wait3A_145] : memref<100000x1024xf32, #tpu.memory_space<hbm>> -> memref<100000x1024xf32, #tpu.memory_space<hbm>>
    tpu.wait_indirect_dma semaphore(%arg9 : memref<!tpu.dma_semaphore, #tpu.memory_space<semaphore_mem>>) src(%dma_wait3A_146 : memref<100000x1024xf32, #tpu.memory_space<hbm>>) dst(%arg7 : memref<32x1024xf32, #tpu.memory_space<vmem>>)
    %add3A_147 = arith.constant 224 : i32
    %add3A_148 = arith.addi %mul3A_2, %add3A_147 : i32
    %dma_start3A_149 = arith.constant 0 : i32
    %dma_start3A_150 = tpu.memref_slice %arg4[%add3A_148, %dma_start3A_149] : memref<8192x1024xf32, #tpu.memory_space<hbm>> -> memref<32x1024xf32, #tpu.memory_space<hbm>>
    %dma_start3A_151 = arith.constant 0 : i32
    %dma_start3A_152 = tpu.memref_slice %arg4[%add3A_148, %dma_start3A_151] : memref<8192x1024xf32, #tpu.memory_space<hbm>> -> memref<32x1024xf32, #tpu.memory_space<hbm>>
    tpu.enqueue_dma source(%arg7 : memref<32x1024xf32, #tpu.memory_space<vmem>>) target(%dma_start3A_152 : memref<32x1024xf32, #tpu.memory_space<hbm>>) target_semaphore(%arg11 : memref<!tpu.dma_semaphore, #tpu.memory_space<semaphore_mem>>)
    %dma_wait3A_153 = arith.constant 0 : i32
    %dma_wait3A_154 = tpu.memref_slice %arg4[%add3A_137, %dma_wait3A_153] : memref<8192x1024xf32, #tpu.memory_space<hbm>> -> memref<32x1024xf32, #tpu.memory_space<hbm>>
    %dma_wait3A_155 = arith.constant 0 : i32
    %dma_wait3A_156 = tpu.memref_slice %arg4[%add3A_137, %dma_wait3A_155] : memref<8192x1024xf32, #tpu.memory_space<hbm>> -> memref<32x1024xf32, #tpu.memory_space<hbm>>
    tpu.wait_dma2 semaphore(%arg10 : memref<!tpu.dma_semaphore, #tpu.memory_space<semaphore_mem>>) src(%arg6 : memref<32x1024xf32, #tpu.memory_space<vmem>>) dst(%dma_wait3A_156 : memref<32x1024xf32, #tpu.memory_space<hbm>>)
    %dma_wait3A_157 = arith.constant 0 : i32
    %dma_wait3A_158 = tpu.memref_slice %arg4[%add3A_148, %dma_wait3A_157] : memref<8192x1024xf32, #tpu.memory_space<hbm>> -> memref<32x1024xf32, #tpu.memory_space<hbm>>
    %dma_wait3A_159 = arith.constant 0 : i32
    %dma_wait3A_160 = tpu.memref_slice %arg4[%add3A_148, %dma_wait3A_159] : memref<8192x1024xf32, #tpu.memory_space<hbm>> -> memref<32x1024xf32, #tpu.memory_space<hbm>>
    tpu.wait_dma2 semaphore(%arg11 : memref<!tpu.dma_semaphore, #tpu.memory_space<semaphore_mem>>) src(%arg7 : memref<32x1024xf32, #tpu.memory_space<vmem>>) dst(%dma_wait3A_160 : memref<32x1024xf32, #tpu.memory_space<hbm>>)
    return
  }
}

module attributes {stable_mosaic.version = 14 : i64} {
  func.func @_proj_body(%arg0: i32, %arg1: memref<1024x1024xf32, #tpu.memory_space<vmem>>, %arg2: memref<1024x4096xf8E4M3FN, #tpu.memory_space<vmem>>, %arg3: memref<1x4096xf32, #tpu.memory_space<vmem>>, %arg4: memref<1024x4096xbf16, #tpu.memory_space<vmem>>) attributes {dimension_semantics = [#tpu.dimension_semantics<arbitrary>], iteration_bounds = array<i64: 8>, scalar_prefetch = 0 : i64, scratch_operands = 0 : i64, tpu.core_type = #tpu.core_type<tc>, window_params = [{transform_indices = @transform_0, window_bounds = array<i64: 1024, 1024>}, {pipeline_mode = #tpu.pipeline_mode<synchronous>, transform_indices = @transform_1, window_bounds = array<i64: 1024, 4096>}, {pipeline_mode = #tpu.pipeline_mode<synchronous>, transform_indices = @transform_2, window_bounds = array<i64: 1, 4096>}, {transform_indices = @transform_3, window_bounds = array<i64: 1024, 4096>}]} {
    %get3A = arith.constant 0 : index
    %get3A_0 = arith.constant 0 : index
    %get3A_1 = vector.load %arg1[%get3A, %get3A_0] : memref<1024x1024xf32, #tpu.memory_space<vmem>>, vector<1024x1024xf32>
    %mul3A = arith.constant 2.560000e+02 : f32
    %mul3A_2 = vector.broadcast %mul3A : f32 to vector<1024x1024xf32>
    %mul3A_3 = arith.mulf %get3A_1, %mul3A_2 : vector<1024x1024xf32>
    %convert_element_type3A = arith.truncf %mul3A_3 : vector<1024x1024xf32> to vector<1024x1024xf8E4M3FN>
    %get3A_4 = arith.constant 0 : index
    %get3A_5 = arith.constant 0 : index
    %get3A_6 = vector.load %arg2[%get3A_4, %get3A_5] : memref<1024x4096xf8E4M3FN, #tpu.memory_space<vmem>>, vector<1024x4096xf8E4M3FN>
    %dot_general3A = arith.constant dense<0.000000e+00> : vector<1024x4096xf32>
    %dot_general3A_7 = tpu.matmul %convert_element_type3A, %get3A_6, %dot_general3A {dimension_numbers = #tpu.dot_dimension_numbers<[1], [0], [0], [1], [0, 0, 1, 1], [], []>, transpose_lhs_hint = false} : vector<1024x1024xf8E4M3FN>, vector<1024x4096xf8E4M3FN>, vector<1024x4096xf32> -> vector<1024x4096xf32>
    %mul3A_8 = arith.constant 6.10351563E-5 : f32
    %mul3A_9 = vector.broadcast %mul3A_8 : f32 to vector<1024x4096xf32>
    %mul3A_10 = arith.mulf %dot_general3A_7, %mul3A_9 : vector<1024x4096xf32>
    %get3A_11 = arith.constant 0 : index
    %get3A_12 = arith.constant 0 : index
    %get3A_13 = vector.load %arg3[%get3A_11, %get3A_12] : memref<1x4096xf32, #tpu.memory_space<vmem>>, vector<1x4096xf32>
    %add3A = vector.broadcast %get3A_13 : vector<1x4096xf32> to vector<1024x4096xf32>
    %add3A_14 = arith.addf %mul3A_10, %add3A : vector<1024x4096xf32>
    %convert_element_type3A_15 = arith.truncf %add3A_14 : vector<1024x4096xf32> to vector<1024x4096xbf16>
    %swap3A = arith.constant 0 : index
    %swap3A_16 = arith.constant 0 : index
    %swap3A_17 = vector.load %arg4[%swap3A, %swap3A_16] : memref<1024x4096xbf16, #tpu.memory_space<vmem>>, vector<1024x4096xbf16>
    tpu.vector_store %arg4[%swap3A, %swap3A_16], %convert_element_type3A_15 {strides = array<i32>} : memref<1024x4096xbf16, #tpu.memory_space<vmem>>, vector<1024x4096xbf16>,
    return
  }
  func.func @transform_0(%arg0: i32) -> (i32, i32) {
    %c0_i32 = arith.constant 0 : i32
    %c0_i32_0 = arith.constant 0 : i32
    return %arg0, %c0_i32 : i32, i32
  }
  func.func @transform_1(%arg0: i32) -> (i32, i32) {
    %c0_i32 = arith.constant 0 : i32
    %c0_i32_0 = arith.constant 0 : i32
    %c0_i32_1 = arith.constant 0 : i32
    return %c0_i32, %c0_i32_0 : i32, i32
  }
  func.func @transform_2(%arg0: i32) -> (i32, i32) {
    %c0_i32 = arith.constant 0 : i32
    %c0_i32_0 = arith.constant 0 : i32
    %c0_i32_1 = arith.constant 0 : i32
    return %c0_i32, %c0_i32_0 : i32, i32
  }
  func.func @transform_3(%arg0: i32) -> (i32, i32) {
    %c0_i32 = arith.constant 0 : i32
    %c0_i32_0 = arith.constant 0 : i32
    return %arg0, %c0_i32 : i32, i32
  }
}

module attributes {stable_mosaic.version = 14 : i64} {
  func.func @_tag_body(%arg0: i32, %arg1: memref<1024x1024xbf16, #tpu.memory_space<vmem>>, %arg2: memref<1024x64xbf16, #tpu.memory_space<vmem>>, %arg3: memref<1x64xf32, #tpu.memory_space<vmem>>, %arg4: memref<1024x64xf32, #tpu.memory_space<vmem>>) attributes {dimension_semantics = [#tpu.dimension_semantics<arbitrary>], iteration_bounds = array<i64: 8>, scalar_prefetch = 0 : i64, scratch_operands = 0 : i64, tpu.core_type = #tpu.core_type<tc>, window_params = [{transform_indices = @transform_0, window_bounds = array<i64: 1024, 1024>}, {pipeline_mode = #tpu.pipeline_mode<synchronous>, transform_indices = @transform_1, window_bounds = array<i64: 1024, 64>}, {pipeline_mode = #tpu.pipeline_mode<synchronous>, transform_indices = @transform_2, window_bounds = array<i64: 1, 64>}, {transform_indices = @transform_3, window_bounds = array<i64: 1024, 64>}]} {
    %get3A = arith.constant 0 : index
    %get3A_0 = arith.constant 0 : index
    %get3A_1 = vector.load %arg1[%get3A, %get3A_0] : memref<1024x1024xbf16, #tpu.memory_space<vmem>>, vector<1024x1024xbf16>
    %get3A_2 = arith.constant 0 : index
    %get3A_3 = arith.constant 0 : index
    %get3A_4 = vector.load %arg2[%get3A_2, %get3A_3] : memref<1024x64xbf16, #tpu.memory_space<vmem>>, vector<1024x64xbf16>
    %dot_general3A = arith.constant dense<0.000000e+00> : vector<1024x64xf32>
    %dot_general3A_5 = tpu.matmul %get3A_1, %get3A_4, %dot_general3A {dimension_numbers = #tpu.dot_dimension_numbers<[1], [0], [0], [1], [0, 0, 1, 1], [], []>, transpose_lhs_hint = false} : vector<1024x1024xbf16>, vector<1024x64xbf16>, vector<1024x64xf32> -> vector<1024x64xf32>
    %get3A_6 = arith.constant 0 : index
    %get3A_7 = arith.constant 0 : index
    %get3A_8 = vector.load %arg3[%get3A_6, %get3A_7] : memref<1x64xf32, #tpu.memory_space<vmem>>, vector<1x64xf32>
    %add3A = vector.broadcast %get3A_8 : vector<1x64xf32> to vector<1024x64xf32>
    %add3A_9 = arith.addf %dot_general3A_5, %add3A : vector<1024x64xf32>
    %reduce_max3A = arith.constant dense<0xFF800000> : vector<1024xf32>
    %reduce_max3A_10 = vector.multi_reduction <maximumf>, %add3A_9, %reduce_max3A [1] : vector<1024x64xf32> to vector<1024xf32>
    %broadcast_in_dim3A = vector.shape_cast %reduce_max3A_10 : vector<1024xf32> to vector<1024x1xf32>
    %sub3A = vector.broadcast %broadcast_in_dim3A : vector<1024x1xf32> to vector<1024x64xf32>
    %sub3A_11 = arith.subf %add3A_9, %sub3A : vector<1024x64xf32>
    %exp3A = math.exp %sub3A_11 : vector<1024x64xf32>
    %reduce_sum3A = arith.constant dense<0.000000e+00> : vector<1024xf32>
    %reduce_sum3A_12 = vector.multi_reduction <add>, %exp3A, %reduce_sum3A [1] : vector<1024x64xf32> to vector<1024xf32>
    %broadcast_in_dim3A_13 = vector.shape_cast %reduce_sum3A_12 : vector<1024xf32> to vector<1024x1xf32>
    %log3A = math.log %broadcast_in_dim3A_13 : vector<1024x1xf32>
    %sub3A_14 = vector.broadcast %log3A : vector<1024x1xf32> to vector<1024x64xf32>
    %sub3A_15 = arith.subf %sub3A_11, %sub3A_14 : vector<1024x64xf32>
    %swap3A = arith.constant 0 : index
    %swap3A_16 = arith.constant 0 : index
    %swap3A_17 = vector.load %arg4[%swap3A, %swap3A_16] : memref<1024x64xf32, #tpu.memory_space<vmem>>, vector<1024x64xf32>
    tpu.vector_store %arg4[%swap3A, %swap3A_16], %sub3A_15 {strides = array<i32>} : memref<1024x64xf32, #tpu.memory_space<vmem>>, vector<1024x64xf32>,
    return
  }
  func.func @transform_0(%arg0: i32) -> (i32, i32) {
    %c0_i32 = arith.constant 0 : i32
    %c0_i32_0 = arith.constant 0 : i32
    return %arg0, %c0_i32 : i32, i32
  }
  func.func @transform_1(%arg0: i32) -> (i32, i32) {
    %c0_i32 = arith.constant 0 : i32
    %c0_i32_0 = arith.constant 0 : i32
    %c0_i32_1 = arith.constant 0 : i32
    return %c0_i32, %c0_i32_0 : i32, i32
  }
  func.func @transform_2(%arg0: i32) -> (i32, i32) {
    %c0_i32 = arith.constant 0 : i32
    %c0_i32_0 = arith.constant 0 : i32
    %c0_i32_1 = arith.constant 0 : i32
    return %c0_i32, %c0_i32_0 : i32, i32
  }
  func.func @transform_3(%arg0: i32) -> (i32, i32) {
    %c0_i32 = arith.constant 0 : i32
    %c0_i32_0 = arith.constant 0 : i32
    return %arg0, %c0_i32 : i32, i32
  }
}

module attributes {stable_mosaic.version = 14 : i64} {
  func.func @_lstm_body(%arg0: i32, %arg1: memref<128x4096xbf16, #tpu.memory_space<vmem>>, %arg2: memref<1024x4096xf8E4M3FN, #tpu.memory_space<any>>, %arg3: memref<128x1024xbf16, #tpu.memory_space<vmem>>, %arg4: memref<4x1024xf32, #tpu.memory_space<vmem>>, %arg5: memref<4x1024xf32, #tpu.memory_space<vmem>>, %arg6: memref<1024x4096xf8E4M3FN, #tpu.memory_space<vmem>>, %arg7: memref<!tpu.dma_semaphore, #tpu.memory_space<semaphore_mem>>) attributes {dimension_semantics = [#tpu.dimension_semantics<arbitrary>], iteration_bounds = array<i64: 64>, scalar_prefetch = 0 : i64, scratch_operands = 4 : i64, tpu.core_type = #tpu.core_type<tc>, window_params = [{transform_indices = @transform_0, window_bounds = array<i64: 128, 4096>}, {}, {transform_indices = @transform_2, window_bounds = array<i64: 128, 1024>}]} {
    %eq3A = arith.constant 0 : i32
    %eq3A_0 = arith.cmpi eq, %arg0, %eq3A : i32
    %convert_element_type3A = arith.extui %eq3A_0 : i1 to i32
    %cond3A = arith.constant 0 : i32
    %cond3A_1 = arith.cmpi ne, %convert_element_type3A, %cond3A : i32
    scf.if %cond3A_1 {
      %broadcast_in_dim3A = arith.constant 0.000000e+00 : f32
      %broadcast_in_dim3A_1481 = vector.broadcast %broadcast_in_dim3A : f32 to vector<4x1024xf32>
      %swap3A_1482 = arith.constant 0 : index
      %swap3A_1483 = arith.constant 0 : index
      %swap3A_1484 = vector.load %arg4[%swap3A_1482, %swap3A_1483] : memref<4x1024xf32, #tpu.memory_space<vmem>>, vector<4x1024xf32>
      tpu.vector_store %arg4[%swap3A_1482, %swap3A_1483], %broadcast_in_dim3A_1481 {strides = array<i32>} : memref<4x1024xf32, #tpu.memory_space<vmem>>, vector<4x1024xf32>,
      %broadcast_in_dim3A_1485 = arith.constant 0.000000e+00 : f32
      %broadcast_in_dim3A_1486 = vector.broadcast %broadcast_in_dim3A_1485 : f32 to vector<4x1024xf32>
      %swap3A_1487 = arith.constant 0 : index
      %swap3A_1488 = arith.constant 0 : index
      %swap3A_1489 = vector.load %arg5[%swap3A_1487, %swap3A_1488] : memref<4x1024xf32, #tpu.memory_space<vmem>>, vector<4x1024xf32>
      tpu.vector_store %arg5[%swap3A_1487, %swap3A_1488], %broadcast_in_dim3A_1486 {strides = array<i32>} : memref<4x1024xf32, #tpu.memory_space<vmem>>, vector<4x1024xf32>,
      tpu.enqueue_dma source(%arg2 : memref<1024x4096xf8E4M3FN, #tpu.memory_space<any>>) target(%arg6 : memref<1024x4096xf8E4M3FN, #tpu.memory_space<vmem>>) target_semaphore(%arg7 : memref<!tpu.dma_semaphore, #tpu.memory_space<semaphore_mem>>)
      tpu.wait_dma2 semaphore(%arg7 : memref<!tpu.dma_semaphore, #tpu.memory_space<semaphore_mem>>) src(%arg2 : memref<1024x4096xf8E4M3FN, #tpu.memory_space<any>>) dst(%arg6 : memref<1024x4096xf8E4M3FN, #tpu.memory_space<vmem>>)
    } else {
    }
    %get3A = arith.constant 0 : index
    %get3A_2 = arith.constant 0 : index
    %get3A_3 = vector.load %arg4[%get3A, %get3A_2] : memref<4x1024xf32, #tpu.memory_space<vmem>>, vector<4x1024xf32>
    %get3A_4 = arith.constant 0 : index
    %get3A_5 = arith.constant 0 : index
    %get3A_6 = vector.load %arg5[%get3A_4, %get3A_5] : memref<4x1024xf32, #tpu.memory_space<vmem>>, vector<4x1024xf32>
    %get3A_7 = arith.constant 0 : index
    %get3A_8 = arith.constant 0 : index
    %get3A_9 = vector.load %arg6[%get3A_7, %get3A_8] : memref<1024x4096xf8E4M3FN, #tpu.memory_space<vmem>>, vector<1024x4096xf8E4M3FN>
    %mul3A = arith.constant 2.560000e+02 : f32
    %mul3A_10 = vector.broadcast %mul3A : f32 to vector<4x1024xf32>
    %mul3A_11 = arith.mulf %get3A_3, %mul3A_10 : vector<4x1024xf32>
    %convert_element_type3A_12 = arith.truncf %mul3A_11 : vector<4x1024xf32> to vector<4x1024xf8E4M3FN>
    %get3A_13 = arith.constant 0 : index
    %get3A_14 = arith.constant 0 : index
    %get3A_15 = vector.load %arg1[%get3A_13, %get3A_14] : memref<128x4096xbf16, #tpu.memory_space<vmem>>, vector<4x4096xbf16>
    %convert_element_type3A_16 = arith.extf %get3A_15 : vector<4x4096xbf16> to vector<4x4096xf32>
    %dot_general3A = arith.constant dense<0.000000e+00> : vector<4x4096xf32>
    %dot_general3A_17 = tpu.matmul %convert_element_type3A_12, %get3A_9, %dot_general3A {dimension_numbers = #tpu.dot_dimension_numbers<[1], [0], [0], [1], [0, 0, 1, 1], [], []>, transpose_lhs_hint = false} : vector<4x1024xf8E4M3FN>, vector<1024x4096xf8E4M3FN>, vector<4x4096xf32> -> vector<4x4096xf32>
    %mul3A_18 = arith.constant 6.10351563E-5 : f32
    %mul3A_19 = vector.broadcast %mul3A_18 : f32 to vector<4x4096xf32>
    %mul3A_20 = arith.mulf %dot_general3A_17, %mul3A_19 : vector<4x4096xf32>
    %add3A = arith.addf %convert_element_type3A_16, %mul3A_20 : vector<4x4096xf32>
    %slice3A = vector.extract_strided_slice %add3A {offsets = [0, 0], sizes = [4, 1024], strides = [1, 1]} : vector<4x4096xf32> to vector<4x1024xf32>
    %logistic3A = arith.negf %slice3A : vector<4x1024xf32>
    %logistic3A_21 = math.exp %logistic3A : vector<4x1024xf32>
    %logistic3A_22 = arith.constant 1.000000e+00 : f32
    %logistic3A_23 = vector.broadcast %logistic3A_22 : f32 to vector<4x1024xf32>
    %logistic3A_24 = arith.addf %logistic3A_23, %logistic3A_21 : vector<4x1024xf32>
    %logistic3A_25 = arith.divf %logistic3A_23, %logistic3A_24 : vector<4x1024xf32>
    %slice3A_26 = vector.extract_strided_slice %add3A {offsets = [0, 1024], sizes = [4, 1024], strides = [1, 1]} : vector<4x4096xf32> to vector<4x1024xf32>
    %logistic3A_27 = arith.negf %slice3A_26 : vector<4x1024xf32>
    %logistic3A_28 = math.exp %logistic3A_27 : vector<4x1024xf32>
    %logistic3A_29 = arith.constant 1.000000e+00 : f32
    %logistic3A_30 = vector.broadcast %logistic3A_29 : f32 to vector<4x1024xf32>
    %logistic3A_31 = arith.addf %logistic3A_30, %logistic3A_28 : vector<4x1024xf32>
    %logistic3A_32 = arith.divf %logistic3A_30, %logistic3A_31 : vector<4x1024xf32>
    %slice3A_33 = vector.extract_strided_slice %add3A {offsets = [0, 2048], sizes = [4, 1024], strides = [1, 1]} : vector<4x4096xf32> to vector<4x1024xf32>
    %tanh3A = math.tanh %slice3A_33 : vector<4x1024xf32>
    %slice3A_34 = vector.extract_strided_slice %add3A {offsets = [0, 3072], sizes = [4, 1024], strides = [1, 1]} : vector<4x4096xf32> to vector<4x1024xf32>
    %logistic3A_35 = arith.negf %slice3A_34 : vector<4x1024xf32>
    %logistic3A_36 = math.exp %logistic3A_35 : vector<4x1024xf32>
    %logistic3A_37 = arith.constant 1.000000e+00 : f32
    %logistic3A_38 = vector.broadcast %logistic3A_37 : f32 to vector<4x1024xf32>
    %logistic3A_39 = arith.addf %logistic3A_38, %logistic3A_36 : vector<4x1024xf32>
    %logistic3A_40 = arith.divf %logistic3A_38, %logistic3A_39 : vector<4x1024xf32>
    %mul3A_41 = arith.mulf %logistic3A_32, %get3A_6 : vector<4x1024xf32>
    %mul3A_42 = arith.mulf %logistic3A_25, %tanh3A : vector<4x1024xf32>
    %add3A_43 = arith.addf %mul3A_41, %mul3A_42 : vector<4x1024xf32>
    %tanh3A_44 = math.tanh %add3A_43 : vector<4x1024xf32>
    %mul3A_45 = arith.mulf %logistic3A_40, %tanh3A_44 : vector<4x1024xf32>
    %convert_element_type3A_46 = arith.truncf %mul3A_45 : vector<4x1024xf32> to vector<4x1024xbf16>
    %swap3A = arith.constant 0 : index
    %swap3A_47 = arith.constant 0 : index
    %swap3A_48 = vector.load %arg3[%swap3A, %swap3A_47] : memref<128x1024xbf16, #tpu.memory_space<vmem>>, vector<4x1024xbf16>
    tpu.vector_store %arg3[%swap3A, %swap3A_47], %convert_element_type3A_46 {strides = array<i32>} : memref<128x1024xbf16, #tpu.memory_space<vmem>>, vector<4x1024xbf16>,
    %mul3A_49 = arith.constant 2.560000e+02 : f32
    %mul3A_50 = vector.broadcast %mul3A_49 : f32 to vector<4x1024xf32>
    %mul3A_51 = arith.mulf %mul3A_45, %mul3A_50 : vector<4x1024xf32>
    %convert_element_type3A_52 = arith.truncf %mul3A_51 : vector<4x1024xf32> to vector<4x1024xf8E4M3FN>
    %get3A_53 = arith.constant 4 : index
    %get3A_54 = arith.constant 0 : index
    %get3A_55 = vector.load %arg1[%get3A_53, %get3A_54] : memref<128x4096xbf16, #tpu.memory_space<vmem>>, vector<4x4096xbf16>
    %convert_element_type3A_56 = arith.extf %get3A_55 : vector<4x4096xbf16> to vector<4x4096xf32>
    %dot_general3A_57 = arith.constant dense<0.000000e+00> : vector<4x4096xf32>
    %dot_general3A_58 = tpu.matmul %convert_element_type3A_52, %get3A_9, %dot_general3A_57 {dimension_numbers = #tpu.dot_dimension_numbers<[1], [0], [0], [1], [0, 0, 1, 1], [], []>, transpose_lhs_hint = false} : vector<4x1024xf8E4M3FN>, vector<1024x4096xf8E4M3FN>, vector<4x4096xf32> -> vector<4x4096xf32>
    %mul3A_59 = arith.constant 6.10351563E-5 : f32
    %mul3A_60 = vector.broadcast %mul3A_59 : f32 to vector<4x4096xf32>
    %mul3A_61 = arith.mulf %dot_general3A_58, %mul3A_60 : vector<4x4096xf32>
    %add3A_62 = arith.addf %convert_element_type3A_56, %mul3A_61 : vector<4x4096xf32>
    %slice3A_63 = vector.extract_strided_slice %add3A_62 {offsets = [0, 0], sizes = [4, 1024], strides = [1, 1]} : vector<4x4096xf32> to vector<4x1024xf32>
    %logistic3A_64 = arith.negf %slice3A_63 : vector<4x1024xf32>
    %logistic3A_65 = math.exp %logistic3A_64 : vector<4x1024xf32>
    %logistic3A_66 = arith.constant 1.000000e+00 : f32
    %logistic3A_67 = vector.broadcast %logistic3A_66 : f32 to vector<4x1024xf32>
    %logistic3A_68 = arith.addf %logistic3A_67, %logistic3A_65 : vector<4x1024xf32>
    %logistic3A_69 = arith.divf %logistic3A_67, %logistic3A_68 : vector<4x1024xf32>
    %slice3A_70 = vector.extract_strided_slice %add3A_62 {offsets = [0, 1024], sizes = [4, 1024], strides = [1, 1]} : vector<4x4096xf32> to vector<4x1024xf32>
    %logistic3A_71 = arith.negf %slice3A_70 : vector<4x1024xf32>
    %logistic3A_72 = math.exp %logistic3A_71 : vector<4x1024xf32>
    %logistic3A_73 = arith.constant 1.000000e+00 : f32
    %logistic3A_74 = vector.broadcast %logistic3A_73 : f32 to vector<4x1024xf32>
    %logistic3A_75 = arith.addf %logistic3A_74, %logistic3A_72 : vector<4x1024xf32>
    %logistic3A_76 = arith.divf %logistic3A_74, %logistic3A_75 : vector<4x1024xf32>
    %slice3A_77 = vector.extract_strided_slice %add3A_62 {offsets = [0, 2048], sizes = [4, 1024], strides = [1, 1]} : vector<4x4096xf32> to vector<4x1024xf32>
    %tanh3A_78 = math.tanh %slice3A_77 : vector<4x1024xf32>
    %slice3A_79 = vector.extract_strided_slice %add3A_62 {offsets = [0, 3072], sizes = [4, 1024], strides = [1, 1]} : vector<4x4096xf32> to vector<4x1024xf32>
    %logistic3A_80 = arith.negf %slice3A_79 : vector<4x1024xf32>
    %logistic3A_81 = math.exp %logistic3A_80 : vector<4x1024xf32>
    %logistic3A_82 = arith.constant 1.000000e+00 : f32
    %logistic3A_83 = vector.broadcast %logistic3A_82 : f32 to vector<4x1024xf32>
    %logistic3A_84 = arith.addf %logistic3A_83, %logistic3A_81 : vector<4x1024xf32>
    %logistic3A_85 = arith.divf %logistic3A_83, %logistic3A_84 : vector<4x1024xf32>
    %mul3A_86 = arith.mulf %logistic3A_76, %add3A_43 : vector<4x1024xf32>
    %mul3A_87 = arith.mulf %logistic3A_69, %tanh3A_78 : vector<4x1024xf32>
    %add3A_88 = arith.addf %mul3A_86, %mul3A_87 : vector<4x1024xf32>
    %tanh3A_89 = math.tanh %add3A_88 : vector<4x1024xf32>
    %mul3A_90 = arith.mulf %logistic3A_85, %tanh3A_89 : vector<4x1024xf32>
    %convert_element_type3A_91 = arith.truncf %mul3A_90 : vector<4x1024xf32> to vector<4x1024xbf16>
    %swap3A_92 = arith.constant 4 : index
    %swap3A_93 = arith.constant 0 : index
    %swap3A_94 = vector.load %arg3[%swap3A_92, %swap3A_93] : memref<128x1024xbf16, #tpu.memory_space<vmem>>, vector<4x1024xbf16>
    tpu.vector_store %arg3[%swap3A_92, %swap3A_93], %convert_element_type3A_91 {strides = array<i32>} : memref<128x1024xbf16, #tpu.memory_space<vmem>>, vector<4x1024xbf16>,
    %mul3A_95 = arith.constant 2.560000e+02 : f32
    %mul3A_96 = vector.broadcast %mul3A_95 : f32 to vector<4x1024xf32>
    %mul3A_97 = arith.mulf %mul3A_90, %mul3A_96 : vector<4x1024xf32>
    %convert_element_type3A_98 = arith.truncf %mul3A_97 : vector<4x1024xf32> to vector<4x1024xf8E4M3FN>
    %get3A_99 = arith.constant 8 : index
    %get3A_100 = arith.constant 0 : index
    %get3A_101 = vector.load %arg1[%get3A_99, %get3A_100] : memref<128x4096xbf16, #tpu.memory_space<vmem>>, vector<4x4096xbf16>
    %convert_element_type3A_102 = arith.extf %get3A_101 : vector<4x4096xbf16> to vector<4x4096xf32>
    %dot_general3A_103 = arith.constant dense<0.000000e+00> : vector<4x4096xf32>
    %dot_general3A_104 = tpu.matmul %convert_element_type3A_98, %get3A_9, %dot_general3A_103 {dimension_numbers = #tpu.dot_dimension_numbers<[1], [0], [0], [1], [0, 0, 1, 1], [], []>, transpose_lhs_hint = false} : vector<4x1024xf8E4M3FN>, vector<1024x4096xf8E4M3FN>, vector<4x4096xf32> -> vector<4x4096xf32>
    %mul3A_105 = arith.constant 6.10351563E-5 : f32
    %mul3A_106 = vector.broadcast %mul3A_105 : f32 to vector<4x4096xf32>
    %mul3A_107 = arith.mulf %dot_general3A_104, %mul3A_106 : vector<4x4096xf32>
    %add3A_108 = arith.addf %convert_element_type3A_102, %mul3A_107 : vector<4x4096xf32>
    %slice3A_109 = vector.extract_strided_slice %add3A_108 {offsets = [0, 0], sizes = [4, 1024], strides = [1, 1]} : vector<4x4096xf32> to vector<4x1024xf32>
    %logistic3A_110 = arith.negf %slice3A_109 : vector<4x1024xf32>
    %logistic3A_111 = math.exp %logistic3A_110 : vector<4x1024xf32>
    %logistic3A_112 = arith.constant 1.000000e+00 : f32
    %logistic3A_113 = vector.broadcast %logistic3A_112 : f32 to vector<4x1024xf32>
    %logistic3A_114 = arith.addf %logistic3A_113, %logistic3A_111 : vector<4x1024xf32>
    %logistic3A_115 = arith.divf %logistic3A_113, %logistic3A_114 : vector<4x1024xf32>
    %slice3A_116 = vector.extract_strided_slice %add3A_108 {offsets = [0, 1024], sizes = [4, 1024], strides = [1, 1]} : vector<4x4096xf32> to vector<4x1024xf32>
    %logistic3A_117 = arith.negf %slice3A_116 : vector<4x1024xf32>
    %logistic3A_118 = math.exp %logistic3A_117 : vector<4x1024xf32>
    %logistic3A_119 = arith.constant 1.000000e+00 : f32
    %logistic3A_120 = vector.broadcast %logistic3A_119 : f32 to vector<4x1024xf32>
    %logistic3A_121 = arith.addf %logistic3A_120, %logistic3A_118 : vector<4x1024xf32>
    %logistic3A_122 = arith.divf %logistic3A_120, %logistic3A_121 : vector<4x1024xf32>
    %slice3A_123 = vector.extract_strided_slice %add3A_108 {offsets = [0, 2048], sizes = [4, 1024], strides = [1, 1]} : vector<4x4096xf32> to vector<4x1024xf32>
    %tanh3A_124 = math.tanh %slice3A_123 : vector<4x1024xf32>
    %slice3A_125 = vector.extract_strided_slice %add3A_108 {offsets = [0, 3072], sizes = [4, 1024], strides = [1, 1]} : vector<4x4096xf32> to vector<4x1024xf32>
    %logistic3A_126 = arith.negf %slice3A_125 : vector<4x1024xf32>
    %logistic3A_127 = math.exp %logistic3A_126 : vector<4x1024xf32>
    %logistic3A_128 = arith.constant 1.000000e+00 : f32
    %logistic3A_129 = vector.broadcast %logistic3A_128 : f32 to vector<4x1024xf32>
    %logistic3A_130 = arith.addf %logistic3A_129, %logistic3A_127 : vector<4x1024xf32>
    %logistic3A_131 = arith.divf %logistic3A_129, %logistic3A_130 : vector<4x1024xf32>
    %mul3A_132 = arith.mulf %logistic3A_122, %add3A_88 : vector<4x1024xf32>
    %mul3A_133 = arith.mulf %logistic3A_115, %tanh3A_124 : vector<4x1024xf32>
    %add3A_134 = arith.addf %mul3A_132, %mul3A_133 : vector<4x1024xf32>
    %tanh3A_135 = math.tanh %add3A_134 : vector<4x1024xf32>
    %mul3A_136 = arith.mulf %logistic3A_131, %tanh3A_135 : vector<4x1024xf32>
    %convert_element_type3A_137 = arith.truncf %mul3A_136 : vector<4x1024xf32> to vector<4x1024xbf16>
    %swap3A_138 = arith.constant 8 : index
    %swap3A_139 = arith.constant 0 : index
    %swap3A_140 = vector.load %arg3[%swap3A_138, %swap3A_139] : memref<128x1024xbf16, #tpu.memory_space<vmem>>, vector<4x1024xbf16>
    tpu.vector_store %arg3[%swap3A_138, %swap3A_139], %convert_element_type3A_137 {strides = array<i32>} : memref<128x1024xbf16, #tpu.memory_space<vmem>>, vector<4x1024xbf16>,
    %mul3A_141 = arith.constant 2.560000e+02 : f32
    %mul3A_142 = vector.broadcast %mul3A_141 : f32 to vector<4x1024xf32>
    %mul3A_143 = arith.mulf %mul3A_136, %mul3A_142 : vector<4x1024xf32>
    %convert_element_type3A_144 = arith.truncf %mul3A_143 : vector<4x1024xf32> to vector<4x1024xf8E4M3FN>
    %get3A_145 = arith.constant 12 : index
    %get3A_146 = arith.constant 0 : index
    %get3A_147 = vector.load %arg1[%get3A_145, %get3A_146] : memref<128x4096xbf16, #tpu.memory_space<vmem>>, vector<4x4096xbf16>
    %convert_element_type3A_148 = arith.extf %get3A_147 : vector<4x4096xbf16> to vector<4x4096xf32>
    %dot_general3A_149 = arith.constant dense<0.000000e+00> : vector<4x4096xf32>
    %dot_general3A_150 = tpu.matmul %convert_element_type3A_144, %get3A_9, %dot_general3A_149 {dimension_numbers = #tpu.dot_dimension_numbers<[1], [0], [0], [1], [0, 0, 1, 1], [], []>, transpose_lhs_hint = false} : vector<4x1024xf8E4M3FN>, vector<1024x4096xf8E4M3FN>, vector<4x4096xf32> -> vector<4x4096xf32>
    %mul3A_151 = arith.constant 6.10351563E-5 : f32
    %mul3A_152 = vector.broadcast %mul3A_151 : f32 to vector<4x4096xf32>
    %mul3A_153 = arith.mulf %dot_general3A_150, %mul3A_152 : vector<4x4096xf32>
    %add3A_154 = arith.addf %convert_element_type3A_148, %mul3A_153 : vector<4x4096xf32>
    %slice3A_155 = vector.extract_strided_slice %add3A_154 {offsets = [0, 0], sizes = [4, 1024], strides = [1, 1]} : vector<4x4096xf32> to vector<4x1024xf32>
    %logistic3A_156 = arith.negf %slice3A_155 : vector<4x1024xf32>
    %logistic3A_157 = math.exp %logistic3A_156 : vector<4x1024xf32>
    %logistic3A_158 = arith.constant 1.000000e+00 : f32
    %logistic3A_159 = vector.broadcast %logistic3A_158 : f32 to vector<4x1024xf32>
    %logistic3A_160 = arith.addf %logistic3A_159, %logistic3A_157 : vector<4x1024xf32>
    %logistic3A_161 = arith.divf %logistic3A_159, %logistic3A_160 : vector<4x1024xf32>
    %slice3A_162 = vector.extract_strided_slice %add3A_154 {offsets = [0, 1024], sizes = [4, 1024], strides = [1, 1]} : vector<4x4096xf32> to vector<4x1024xf32>
    %logistic3A_163 = arith.negf %slice3A_162 : vector<4x1024xf32>
    %logistic3A_164 = math.exp %logistic3A_163 : vector<4x1024xf32>
    %logistic3A_165 = arith.constant 1.000000e+00 : f32
    %logistic3A_166 = vector.broadcast %logistic3A_165 : f32 to vector<4x1024xf32>
    %logistic3A_167 = arith.addf %logistic3A_166, %logistic3A_164 : vector<4x1024xf32>
    %logistic3A_168 = arith.divf %logistic3A_166, %logistic3A_167 : vector<4x1024xf32>
    %slice3A_169 = vector.extract_strided_slice %add3A_154 {offsets = [0, 2048], sizes = [4, 1024], strides = [1, 1]} : vector<4x4096xf32> to vector<4x1024xf32>
    %tanh3A_170 = math.tanh %slice3A_169 : vector<4x1024xf32>
    %slice3A_171 = vector.extract_strided_slice %add3A_154 {offsets = [0, 3072], sizes = [4, 1024], strides = [1, 1]} : vector<4x4096xf32> to vector<4x1024xf32>
    %logistic3A_172 = arith.negf %slice3A_171 : vector<4x1024xf32>
    %logistic3A_173 = math.exp %logistic3A_172 : vector<4x1024xf32>
    %logistic3A_174 = arith.constant 1.000000e+00 : f32
    %logistic3A_175 = vector.broadcast %logistic3A_174 : f32 to vector<4x1024xf32>
    %logistic3A_176 = arith.addf %logistic3A_175, %logistic3A_173 : vector<4x1024xf32>
    %logistic3A_177 = arith.divf %logistic3A_175, %logistic3A_176 : vector<4x1024xf32>
    %mul3A_178 = arith.mulf %logistic3A_168, %add3A_134 : vector<4x1024xf32>
    %mul3A_179 = arith.mulf %logistic3A_161, %tanh3A_170 : vector<4x1024xf32>
    %add3A_180 = arith.addf %mul3A_178, %mul3A_179 : vector<4x1024xf32>
    %tanh3A_181 = math.tanh %add3A_180 : vector<4x1024xf32>
    %mul3A_182 = arith.mulf %logistic3A_177, %tanh3A_181 : vector<4x1024xf32>
    %convert_element_type3A_183 = arith.truncf %mul3A_182 : vector<4x1024xf32> to vector<4x1024xbf16>
    %swap3A_184 = arith.constant 12 : index
    %swap3A_185 = arith.constant 0 : index
    %swap3A_186 = vector.load %arg3[%swap3A_184, %swap3A_185] : memref<128x1024xbf16, #tpu.memory_space<vmem>>, vector<4x1024xbf16>
    tpu.vector_store %arg3[%swap3A_184, %swap3A_185], %convert_element_type3A_183 {strides = array<i32>} : memref<128x1024xbf16, #tpu.memory_space<vmem>>, vector<4x1024xbf16>,
    %mul3A_187 = arith.constant 2.560000e+02 : f32
    %mul3A_188 = vector.broadcast %mul3A_187 : f32 to vector<4x1024xf32>
    %mul3A_189 = arith.mulf %mul3A_182, %mul3A_188 : vector<4x1024xf32>
    %convert_element_type3A_190 = arith.truncf %mul3A_189 : vector<4x1024xf32> to vector<4x1024xf8E4M3FN>
    %get3A_191 = arith.constant 16 : index
    %get3A_192 = arith.constant 0 : index
    %get3A_193 = vector.load %arg1[%get3A_191, %get3A_192] : memref<128x4096xbf16, #tpu.memory_space<vmem>>, vector<4x4096xbf16>
    %convert_element_type3A_194 = arith.extf %get3A_193 : vector<4x4096xbf16> to vector<4x4096xf32>
    %dot_general3A_195 = arith.constant dense<0.000000e+00> : vector<4x4096xf32>
    %dot_general3A_196 = tpu.matmul %convert_element_type3A_190, %get3A_9, %dot_general3A_195 {dimension_numbers = #tpu.dot_dimension_numbers<[1], [0], [0], [1], [0, 0, 1, 1], [], []>, transpose_lhs_hint = false} : vector<4x1024xf8E4M3FN>, vector<1024x4096xf8E4M3FN>, vector<4x4096xf32> -> vector<4x4096xf32>
    %mul3A_197 = arith.constant 6.10351563E-5 : f32
    %mul3A_198 = vector.broadcast %mul3A_197 : f32 to vector<4x4096xf32>
    %mul3A_199 = arith.mulf %dot_general3A_196, %mul3A_198 : vector<4x4096xf32>
    %add3A_200 = arith.addf %convert_element_type3A_194, %mul3A_199 : vector<4x4096xf32>
    %slice3A_201 = vector.extract_strided_slice %add3A_200 {offsets = [0, 0], sizes = [4, 1024], strides = [1, 1]} : vector<4x4096xf32> to vector<4x1024xf32>
    %logistic3A_202 = arith.negf %slice3A_201 : vector<4x1024xf32>
    %logistic3A_203 = math.exp %logistic3A_202 : vector<4x1024xf32>
    %logistic3A_204 = arith.constant 1.000000e+00 : f32
    %logistic3A_205 = vector.broadcast %logistic3A_204 : f32 to vector<4x1024xf32>
    %logistic3A_206 = arith.addf %logistic3A_205, %logistic3A_203 : vector<4x1024xf32>
    %logistic3A_207 = arith.divf %logistic3A_205, %logistic3A_206 : vector<4x1024xf32>
    %slice3A_208 = vector.extract_strided_slice %add3A_200 {offsets = [0, 1024], sizes = [4, 1024], strides = [1, 1]} : vector<4x4096xf32> to vector<4x1024xf32>
    %logistic3A_209 = arith.negf %slice3A_208 : vector<4x1024xf32>
    %logistic3A_210 = math.exp %logistic3A_209 : vector<4x1024xf32>
    %logistic3A_211 = arith.constant 1.000000e+00 : f32
    %logistic3A_212 = vector.broadcast %logistic3A_211 : f32 to vector<4x1024xf32>
    %logistic3A_213 = arith.addf %logistic3A_212, %logistic3A_210 : vector<4x1024xf32>
    %logistic3A_214 = arith.divf %logistic3A_212, %logistic3A_213 : vector<4x1024xf32>
    %slice3A_215 = vector.extract_strided_slice %add3A_200 {offsets = [0, 2048], sizes = [4, 1024], strides = [1, 1]} : vector<4x4096xf32> to vector<4x1024xf32>
    %tanh3A_216 = math.tanh %slice3A_215 : vector<4x1024xf32>
    %slice3A_217 = vector.extract_strided_slice %add3A_200 {offsets = [0, 3072], sizes = [4, 1024], strides = [1, 1]} : vector<4x4096xf32> to vector<4x1024xf32>
    %logistic3A_218 = arith.negf %slice3A_217 : vector<4x1024xf32>
    %logistic3A_219 = math.exp %logistic3A_218 : vector<4x1024xf32>
    %logistic3A_220 = arith.constant 1.000000e+00 : f32
    %logistic3A_221 = vector.broadcast %logistic3A_220 : f32 to vector<4x1024xf32>
    %logistic3A_222 = arith.addf %logistic3A_221, %logistic3A_219 : vector<4x1024xf32>
    %logistic3A_223 = arith.divf %logistic3A_221, %logistic3A_222 : vector<4x1024xf32>
    %mul3A_224 = arith.mulf %logistic3A_214, %add3A_180 : vector<4x1024xf32>
    %mul3A_225 = arith.mulf %logistic3A_207, %tanh3A_216 : vector<4x1024xf32>
    %add3A_226 = arith.addf %mul3A_224, %mul3A_225 : vector<4x1024xf32>
    %tanh3A_227 = math.tanh %add3A_226 : vector<4x1024xf32>
    %mul3A_228 = arith.mulf %logistic3A_223, %tanh3A_227 : vector<4x1024xf32>
    %convert_element_type3A_229 = arith.truncf %mul3A_228 : vector<4x1024xf32> to vector<4x1024xbf16>
    %swap3A_230 = arith.constant 16 : index
    %swap3A_231 = arith.constant 0 : index
    %swap3A_232 = vector.load %arg3[%swap3A_230, %swap3A_231] : memref<128x1024xbf16, #tpu.memory_space<vmem>>, vector<4x1024xbf16>
    tpu.vector_store %arg3[%swap3A_230, %swap3A_231], %convert_element_type3A_229 {strides = array<i32>} : memref<128x1024xbf16, #tpu.memory_space<vmem>>, vector<4x1024xbf16>,
    %mul3A_233 = arith.constant 2.560000e+02 : f32
    %mul3A_234 = vector.broadcast %mul3A_233 : f32 to vector<4x1024xf32>
    %mul3A_235 = arith.mulf %mul3A_228, %mul3A_234 : vector<4x1024xf32>
    %convert_element_type3A_236 = arith.truncf %mul3A_235 : vector<4x1024xf32> to vector<4x1024xf8E4M3FN>
    %get3A_237 = arith.constant 20 : index
    %get3A_238 = arith.constant 0 : index
    %get3A_239 = vector.load %arg1[%get3A_237, %get3A_238] : memref<128x4096xbf16, #tpu.memory_space<vmem>>, vector<4x4096xbf16>
    %convert_element_type3A_240 = arith.extf %get3A_239 : vector<4x4096xbf16> to vector<4x4096xf32>
    %dot_general3A_241 = arith.constant dense<0.000000e+00> : vector<4x4096xf32>
    %dot_general3A_242 = tpu.matmul %convert_element_type3A_236, %get3A_9, %dot_general3A_241 {dimension_numbers = #tpu.dot_dimension_numbers<[1], [0], [0], [1], [0, 0, 1, 1], [], []>, transpose_lhs_hint = false} : vector<4x1024xf8E4M3FN>, vector<1024x4096xf8E4M3FN>, vector<4x4096xf32> -> vector<4x4096xf32>
    %mul3A_243 = arith.constant 6.10351563E-5 : f32
    %mul3A_244 = vector.broadcast %mul3A_243 : f32 to vector<4x4096xf32>
    %mul3A_245 = arith.mulf %dot_general3A_242, %mul3A_244 : vector<4x4096xf32>
    %add3A_246 = arith.addf %convert_element_type3A_240, %mul3A_245 : vector<4x4096xf32>
    %slice3A_247 = vector.extract_strided_slice %add3A_246 {offsets = [0, 0], sizes = [4, 1024], strides = [1, 1]} : vector<4x4096xf32> to vector<4x1024xf32>
    %logistic3A_248 = arith.negf %slice3A_247 : vector<4x1024xf32>
    %logistic3A_249 = math.exp %logistic3A_248 : vector<4x1024xf32>
    %logistic3A_250 = arith.constant 1.000000e+00 : f32
    %logistic3A_251 = vector.broadcast %logistic3A_250 : f32 to vector<4x1024xf32>
    %logistic3A_252 = arith.addf %logistic3A_251, %logistic3A_249 : vector<4x1024xf32>
    %logistic3A_253 = arith.divf %logistic3A_251, %logistic3A_252 : vector<4x1024xf32>
    %slice3A_254 = vector.extract_strided_slice %add3A_246 {offsets = [0, 1024], sizes = [4, 1024], strides = [1, 1]} : vector<4x4096xf32> to vector<4x1024xf32>
    %logistic3A_255 = arith.negf %slice3A_254 : vector<4x1024xf32>
    %logistic3A_256 = math.exp %logistic3A_255 : vector<4x1024xf32>
    %logistic3A_257 = arith.constant 1.000000e+00 : f32
    %logistic3A_258 = vector.broadcast %logistic3A_257 : f32 to vector<4x1024xf32>
    %logistic3A_259 = arith.addf %logistic3A_258, %logistic3A_256 : vector<4x1024xf32>
    %logistic3A_260 = arith.divf %logistic3A_258, %logistic3A_259 : vector<4x1024xf32>
    %slice3A_261 = vector.extract_strided_slice %add3A_246 {offsets = [0, 2048], sizes = [4, 1024], strides = [1, 1]} : vector<4x4096xf32> to vector<4x1024xf32>
    %tanh3A_262 = math.tanh %slice3A_261 : vector<4x1024xf32>
    %slice3A_263 = vector.extract_strided_slice %add3A_246 {offsets = [0, 3072], sizes = [4, 1024], strides = [1, 1]} : vector<4x4096xf32> to vector<4x1024xf32>
    %logistic3A_264 = arith.negf %slice3A_263 : vector<4x1024xf32>
    %logistic3A_265 = math.exp %logistic3A_264 : vector<4x1024xf32>
    %logistic3A_266 = arith.constant 1.000000e+00 : f32
    %logistic3A_267 = vector.broadcast %logistic3A_266 : f32 to vector<4x1024xf32>
    %logistic3A_268 = arith.addf %logistic3A_267, %logistic3A_265 : vector<4x1024xf32>
    %logistic3A_269 = arith.divf %logistic3A_267, %logistic3A_268 : vector<4x1024xf32>
    %mul3A_270 = arith.mulf %logistic3A_260, %add3A_226 : vector<4x1024xf32>
    %mul3A_271 = arith.mulf %logistic3A_253, %tanh3A_262 : vector<4x1024xf32>
    %add3A_272 = arith.addf %mul3A_270, %mul3A_271 : vector<4x1024xf32>
    %tanh3A_273 = math.tanh %add3A_272 : vector<4x1024xf32>
    %mul3A_274 = arith.mulf %logistic3A_269, %tanh3A_273 : vector<4x1024xf32>
    %convert_element_type3A_275 = arith.truncf %mul3A_274 : vector<4x1024xf32> to vector<4x1024xbf16>
    %swap3A_276 = arith.constant 20 : index
    %swap3A_277 = arith.constant 0 : index
    %swap3A_278 = vector.load %arg3[%swap3A_276, %swap3A_277] : memref<128x1024xbf16, #tpu.memory_space<vmem>>, vector<4x1024xbf16>
    tpu.vector_store %arg3[%swap3A_276, %swap3A_277], %convert_element_type3A_275 {strides = array<i32>} : memref<128x1024xbf16, #tpu.memory_space<vmem>>, vector<4x1024xbf16>,
    %mul3A_279 = arith.constant 2.560000e+02 : f32
    %mul3A_280 = vector.broadcast %mul3A_279 : f32 to vector<4x1024xf32>
    %mul3A_281 = arith.mulf %mul3A_274, %mul3A_280 : vector<4x1024xf32>
    %convert_element_type3A_282 = arith.truncf %mul3A_281 : vector<4x1024xf32> to vector<4x1024xf8E4M3FN>
    %get3A_283 = arith.constant 24 : index
    %get3A_284 = arith.constant 0 : index
    %get3A_285 = vector.load %arg1[%get3A_283, %get3A_284] : memref<128x4096xbf16, #tpu.memory_space<vmem>>, vector<4x4096xbf16>
    %convert_element_type3A_286 = arith.extf %get3A_285 : vector<4x4096xbf16> to vector<4x4096xf32>
    %dot_general3A_287 = arith.constant dense<0.000000e+00> : vector<4x4096xf32>
    %dot_general3A_288 = tpu.matmul %convert_element_type3A_282, %get3A_9, %dot_general3A_287 {dimension_numbers = #tpu.dot_dimension_numbers<[1], [0], [0], [1], [0, 0, 1, 1], [], []>, transpose_lhs_hint = false} : vector<4x1024xf8E4M3FN>, vector<1024x4096xf8E4M3FN>, vector<4x4096xf32> -> vector<4x4096xf32>
    %mul3A_289 = arith.constant 6.10351563E-5 : f32
    %mul3A_290 = vector.broadcast %mul3A_289 : f32 to vector<4x4096xf32>
    %mul3A_291 = arith.mulf %dot_general3A_288, %mul3A_290 : vector<4x4096xf32>
    %add3A_292 = arith.addf %convert_element_type3A_286, %mul3A_291 : vector<4x4096xf32>
    %slice3A_293 = vector.extract_strided_slice %add3A_292 {offsets = [0, 0], sizes = [4, 1024], strides = [1, 1]} : vector<4x4096xf32> to vector<4x1024xf32>
    %logistic3A_294 = arith.negf %slice3A_293 : vector<4x1024xf32>
    %logistic3A_295 = math.exp %logistic3A_294 : vector<4x1024xf32>
    %logistic3A_296 = arith.constant 1.000000e+00 : f32
    %logistic3A_297 = vector.broadcast %logistic3A_296 : f32 to vector<4x1024xf32>
    %logistic3A_298 = arith.addf %logistic3A_297, %logistic3A_295 : vector<4x1024xf32>
    %logistic3A_299 = arith.divf %logistic3A_297, %logistic3A_298 : vector<4x1024xf32>
    %slice3A_300 = vector.extract_strided_slice %add3A_292 {offsets = [0, 1024], sizes = [4, 1024], strides = [1, 1]} : vector<4x4096xf32> to vector<4x1024xf32>
    %logistic3A_301 = arith.negf %slice3A_300 : vector<4x1024xf32>
    %logistic3A_302 = math.exp %logistic3A_301 : vector<4x1024xf32>
    %logistic3A_303 = arith.constant 1.000000e+00 : f32
    %logistic3A_304 = vector.broadcast %logistic3A_303 : f32 to vector<4x1024xf32>
    %logistic3A_305 = arith.addf %logistic3A_304, %logistic3A_302 : vector<4x1024xf32>
    %logistic3A_306 = arith.divf %logistic3A_304, %logistic3A_305 : vector<4x1024xf32>
    %slice3A_307 = vector.extract_strided_slice %add3A_292 {offsets = [0, 2048], sizes = [4, 1024], strides = [1, 1]} : vector<4x4096xf32> to vector<4x1024xf32>
    %tanh3A_308 = math.tanh %slice3A_307 : vector<4x1024xf32>
    %slice3A_309 = vector.extract_strided_slice %add3A_292 {offsets = [0, 3072], sizes = [4, 1024], strides = [1, 1]} : vector<4x4096xf32> to vector<4x1024xf32>
    %logistic3A_310 = arith.negf %slice3A_309 : vector<4x1024xf32>
    %logistic3A_311 = math.exp %logistic3A_310 : vector<4x1024xf32>
    %logistic3A_312 = arith.constant 1.000000e+00 : f32
    %logistic3A_313 = vector.broadcast %logistic3A_312 : f32 to vector<4x1024xf32>
    %logistic3A_314 = arith.addf %logistic3A_313, %logistic3A_311 : vector<4x1024xf32>
    %logistic3A_315 = arith.divf %logistic3A_313, %logistic3A_314 : vector<4x1024xf32>
    %mul3A_316 = arith.mulf %logistic3A_306, %add3A_272 : vector<4x1024xf32>
    %mul3A_317 = arith.mulf %logistic3A_299, %tanh3A_308 : vector<4x1024xf32>
    %add3A_318 = arith.addf %mul3A_316, %mul3A_317 : vector<4x1024xf32>
    %tanh3A_319 = math.tanh %add3A_318 : vector<4x1024xf32>
    %mul3A_320 = arith.mulf %logistic3A_315, %tanh3A_319 : vector<4x1024xf32>
    %convert_element_type3A_321 = arith.truncf %mul3A_320 : vector<4x1024xf32> to vector<4x1024xbf16>
    %swap3A_322 = arith.constant 24 : index
    %swap3A_323 = arith.constant 0 : index
    %swap3A_324 = vector.load %arg3[%swap3A_322, %swap3A_323] : memref<128x1024xbf16, #tpu.memory_space<vmem>>, vector<4x1024xbf16>
    tpu.vector_store %arg3[%swap3A_322, %swap3A_323], %convert_element_type3A_321 {strides = array<i32>} : memref<128x1024xbf16, #tpu.memory_space<vmem>>, vector<4x1024xbf16>,
    %mul3A_325 = arith.constant 2.560000e+02 : f32
    %mul3A_326 = vector.broadcast %mul3A_325 : f32 to vector<4x1024xf32>
    %mul3A_327 = arith.mulf %mul3A_320, %mul3A_326 : vector<4x1024xf32>
    %convert_element_type3A_328 = arith.truncf %mul3A_327 : vector<4x1024xf32> to vector<4x1024xf8E4M3FN>
    %get3A_329 = arith.constant 28 : index
    %get3A_330 = arith.constant 0 : index
    %get3A_331 = vector.load %arg1[%get3A_329, %get3A_330] : memref<128x4096xbf16, #tpu.memory_space<vmem>>, vector<4x4096xbf16>
    %convert_element_type3A_332 = arith.extf %get3A_331 : vector<4x4096xbf16> to vector<4x4096xf32>
    %dot_general3A_333 = arith.constant dense<0.000000e+00> : vector<4x4096xf32>
    %dot_general3A_334 = tpu.matmul %convert_element_type3A_328, %get3A_9, %dot_general3A_333 {dimension_numbers = #tpu.dot_dimension_numbers<[1], [0], [0], [1], [0, 0, 1, 1], [], []>, transpose_lhs_hint = false} : vector<4x1024xf8E4M3FN>, vector<1024x4096xf8E4M3FN>, vector<4x4096xf32> -> vector<4x4096xf32>
    %mul3A_335 = arith.constant 6.10351563E-5 : f32
    %mul3A_336 = vector.broadcast %mul3A_335 : f32 to vector<4x4096xf32>
    %mul3A_337 = arith.mulf %dot_general3A_334, %mul3A_336 : vector<4x4096xf32>
    %add3A_338 = arith.addf %convert_element_type3A_332, %mul3A_337 : vector<4x4096xf32>
    %slice3A_339 = vector.extract_strided_slice %add3A_338 {offsets = [0, 0], sizes = [4, 1024], strides = [1, 1]} : vector<4x4096xf32> to vector<4x1024xf32>
    %logistic3A_340 = arith.negf %slice3A_339 : vector<4x1024xf32>
    %logistic3A_341 = math.exp %logistic3A_340 : vector<4x1024xf32>
    %logistic3A_342 = arith.constant 1.000000e+00 : f32
    %logistic3A_343 = vector.broadcast %logistic3A_342 : f32 to vector<4x1024xf32>
    %logistic3A_344 = arith.addf %logistic3A_343, %logistic3A_341 : vector<4x1024xf32>
    %logistic3A_345 = arith.divf %logistic3A_343, %logistic3A_344 : vector<4x1024xf32>
    %slice3A_346 = vector.extract_strided_slice %add3A_338 {offsets = [0, 1024], sizes = [4, 1024], strides = [1, 1]} : vector<4x4096xf32> to vector<4x1024xf32>
    %logistic3A_347 = arith.negf %slice3A_346 : vector<4x1024xf32>
    %logistic3A_348 = math.exp %logistic3A_347 : vector<4x1024xf32>
    %logistic3A_349 = arith.constant 1.000000e+00 : f32
    %logistic3A_350 = vector.broadcast %logistic3A_349 : f32 to vector<4x1024xf32>
    %logistic3A_351 = arith.addf %logistic3A_350, %logistic3A_348 : vector<4x1024xf32>
    %logistic3A_352 = arith.divf %logistic3A_350, %logistic3A_351 : vector<4x1024xf32>
    %slice3A_353 = vector.extract_strided_slice %add3A_338 {offsets = [0, 2048], sizes = [4, 1024], strides = [1, 1]} : vector<4x4096xf32> to vector<4x1024xf32>
    %tanh3A_354 = math.tanh %slice3A_353 : vector<4x1024xf32>
    %slice3A_355 = vector.extract_strided_slice %add3A_338 {offsets = [0, 3072], sizes = [4, 1024], strides = [1, 1]} : vector<4x4096xf32> to vector<4x1024xf32>
    %logistic3A_356 = arith.negf %slice3A_355 : vector<4x1024xf32>
    %logistic3A_357 = math.exp %logistic3A_356 : vector<4x1024xf32>
    %logistic3A_358 = arith.constant 1.000000e+00 : f32
    %logistic3A_359 = vector.broadcast %logistic3A_358 : f32 to vector<4x1024xf32>
    %logistic3A_360 = arith.addf %logistic3A_359, %logistic3A_357 : vector<4x1024xf32>
    %logistic3A_361 = arith.divf %logistic3A_359, %logistic3A_360 : vector<4x1024xf32>
    %mul3A_362 = arith.mulf %logistic3A_352, %add3A_318 : vector<4x1024xf32>
    %mul3A_363 = arith.mulf %logistic3A_345, %tanh3A_354 : vector<4x1024xf32>
    %add3A_364 = arith.addf %mul3A_362, %mul3A_363 : vector<4x1024xf32>
    %tanh3A_365 = math.tanh %add3A_364 : vector<4x1024xf32>
    %mul3A_366 = arith.mulf %logistic3A_361, %tanh3A_365 : vector<4x1024xf32>
    %convert_element_type3A_367 = arith.truncf %mul3A_366 : vector<4x1024xf32> to vector<4x1024xbf16>
    %swap3A_368 = arith.constant 28 : index
    %swap3A_369 = arith.constant 0 : index
    %swap3A_370 = vector.load %arg3[%swap3A_368, %swap3A_369] : memref<128x1024xbf16, #tpu.memory_space<vmem>>, vector<4x1024xbf16>
    tpu.vector_store %arg3[%swap3A_368, %swap3A_369], %convert_element_type3A_367 {strides = array<i32>} : memref<128x1024xbf16, #tpu.memory_space<vmem>>, vector<4x1024xbf16>,
    %mul3A_371 = arith.constant 2.560000e+02 : f32
    %mul3A_372 = vector.broadcast %mul3A_371 : f32 to vector<4x1024xf32>
    %mul3A_373 = arith.mulf %mul3A_366, %mul3A_372 : vector<4x1024xf32>
    %convert_element_type3A_374 = arith.truncf %mul3A_373 : vector<4x1024xf32> to vector<4x1024xf8E4M3FN>
    %get3A_375 = arith.constant 32 : index
    %get3A_376 = arith.constant 0 : index
    %get3A_377 = vector.load %arg1[%get3A_375, %get3A_376] : memref<128x4096xbf16, #tpu.memory_space<vmem>>, vector<4x4096xbf16>
    %convert_element_type3A_378 = arith.extf %get3A_377 : vector<4x4096xbf16> to vector<4x4096xf32>
    %dot_general3A_379 = arith.constant dense<0.000000e+00> : vector<4x4096xf32>
    %dot_general3A_380 = tpu.matmul %convert_element_type3A_374, %get3A_9, %dot_general3A_379 {dimension_numbers = #tpu.dot_dimension_numbers<[1], [0], [0], [1], [0, 0, 1, 1], [], []>, transpose_lhs_hint = false} : vector<4x1024xf8E4M3FN>, vector<1024x4096xf8E4M3FN>, vector<4x4096xf32> -> vector<4x4096xf32>
    %mul3A_381 = arith.constant 6.10351563E-5 : f32
    %mul3A_382 = vector.broadcast %mul3A_381 : f32 to vector<4x4096xf32>
    %mul3A_383 = arith.mulf %dot_general3A_380, %mul3A_382 : vector<4x4096xf32>
    %add3A_384 = arith.addf %convert_element_type3A_378, %mul3A_383 : vector<4x4096xf32>
    %slice3A_385 = vector.extract_strided_slice %add3A_384 {offsets = [0, 0], sizes = [4, 1024], strides = [1, 1]} : vector<4x4096xf32> to vector<4x1024xf32>
    %logistic3A_386 = arith.negf %slice3A_385 : vector<4x1024xf32>
    %logistic3A_387 = math.exp %logistic3A_386 : vector<4x1024xf32>
    %logistic3A_388 = arith.constant 1.000000e+00 : f32
    %logistic3A_389 = vector.broadcast %logistic3A_388 : f32 to vector<4x1024xf32>
    %logistic3A_390 = arith.addf %logistic3A_389, %logistic3A_387 : vector<4x1024xf32>
    %logistic3A_391 = arith.divf %logistic3A_389, %logistic3A_390 : vector<4x1024xf32>
    %slice3A_392 = vector.extract_strided_slice %add3A_384 {offsets = [0, 1024], sizes = [4, 1024], strides = [1, 1]} : vector<4x4096xf32> to vector<4x1024xf32>
    %logistic3A_393 = arith.negf %slice3A_392 : vector<4x1024xf32>
    %logistic3A_394 = math.exp %logistic3A_393 : vector<4x1024xf32>
    %logistic3A_395 = arith.constant 1.000000e+00 : f32
    %logistic3A_396 = vector.broadcast %logistic3A_395 : f32 to vector<4x1024xf32>
    %logistic3A_397 = arith.addf %logistic3A_396, %logistic3A_394 : vector<4x1024xf32>
    %logistic3A_398 = arith.divf %logistic3A_396, %logistic3A_397 : vector<4x1024xf32>
    %slice3A_399 = vector.extract_strided_slice %add3A_384 {offsets = [0, 2048], sizes = [4, 1024], strides = [1, 1]} : vector<4x4096xf32> to vector<4x1024xf32>
    %tanh3A_400 = math.tanh %slice3A_399 : vector<4x1024xf32>
    %slice3A_401 = vector.extract_strided_slice %add3A_384 {offsets = [0, 3072], sizes = [4, 1024], strides = [1, 1]} : vector<4x4096xf32> to vector<4x1024xf32>
    %logistic3A_402 = arith.negf %slice3A_401 : vector<4x1024xf32>
    %logistic3A_403 = math.exp %logistic3A_402 : vector<4x1024xf32>
    %logistic3A_404 = arith.constant 1.000000e+00 : f32
    %logistic3A_405 = vector.broadcast %logistic3A_404 : f32 to vector<4x1024xf32>
    %logistic3A_406 = arith.addf %logistic3A_405, %logistic3A_403 : vector<4x1024xf32>
    %logistic3A_407 = arith.divf %logistic3A_405, %logistic3A_406 : vector<4x1024xf32>
    %mul3A_408 = arith.mulf %logistic3A_398, %add3A_364 : vector<4x1024xf32>
    %mul3A_409 = arith.mulf %logistic3A_391, %tanh3A_400 : vector<4x1024xf32>
    %add3A_410 = arith.addf %mul3A_408, %mul3A_409 : vector<4x1024xf32>
    %tanh3A_411 = math.tanh %add3A_410 : vector<4x1024xf32>
    %mul3A_412 = arith.mulf %logistic3A_407, %tanh3A_411 : vector<4x1024xf32>
    %convert_element_type3A_413 = arith.truncf %mul3A_412 : vector<4x1024xf32> to vector<4x1024xbf16>
    %swap3A_414 = arith.constant 32 : index
    %swap3A_415 = arith.constant 0 : index
    %swap3A_416 = vector.load %arg3[%swap3A_414, %swap3A_415] : memref<128x1024xbf16, #tpu.memory_space<vmem>>, vector<4x1024xbf16>
    tpu.vector_store %arg3[%swap3A_414, %swap3A_415], %convert_element_type3A_413 {strides = array<i32>} : memref<128x1024xbf16, #tpu.memory_space<vmem>>, vector<4x1024xbf16>,
    %mul3A_417 = arith.constant 2.560000e+02 : f32
    %mul3A_418 = vector.broadcast %mul3A_417 : f32 to vector<4x1024xf32>
    %mul3A_419 = arith.mulf %mul3A_412, %mul3A_418 : vector<4x1024xf32>
    %convert_element_type3A_420 = arith.truncf %mul3A_419 : vector<4x1024xf32> to vector<4x1024xf8E4M3FN>
    %get3A_421 = arith.constant 36 : index
    %get3A_422 = arith.constant 0 : index
    %get3A_423 = vector.load %arg1[%get3A_421, %get3A_422] : memref<128x4096xbf16, #tpu.memory_space<vmem>>, vector<4x4096xbf16>
    %convert_element_type3A_424 = arith.extf %get3A_423 : vector<4x4096xbf16> to vector<4x4096xf32>
    %dot_general3A_425 = arith.constant dense<0.000000e+00> : vector<4x4096xf32>
    %dot_general3A_426 = tpu.matmul %convert_element_type3A_420, %get3A_9, %dot_general3A_425 {dimension_numbers = #tpu.dot_dimension_numbers<[1], [0], [0], [1], [0, 0, 1, 1], [], []>, transpose_lhs_hint = false} : vector<4x1024xf8E4M3FN>, vector<1024x4096xf8E4M3FN>, vector<4x4096xf32> -> vector<4x4096xf32>
    %mul3A_427 = arith.constant 6.10351563E-5 : f32
    %mul3A_428 = vector.broadcast %mul3A_427 : f32 to vector<4x4096xf32>
    %mul3A_429 = arith.mulf %dot_general3A_426, %mul3A_428 : vector<4x4096xf32>
    %add3A_430 = arith.addf %convert_element_type3A_424, %mul3A_429 : vector<4x4096xf32>
    %slice3A_431 = vector.extract_strided_slice %add3A_430 {offsets = [0, 0], sizes = [4, 1024], strides = [1, 1]} : vector<4x4096xf32> to vector<4x1024xf32>
    %logistic3A_432 = arith.negf %slice3A_431 : vector<4x1024xf32>
    %logistic3A_433 = math.exp %logistic3A_432 : vector<4x1024xf32>
    %logistic3A_434 = arith.constant 1.000000e+00 : f32
    %logistic3A_435 = vector.broadcast %logistic3A_434 : f32 to vector<4x1024xf32>
    %logistic3A_436 = arith.addf %logistic3A_435, %logistic3A_433 : vector<4x1024xf32>
    %logistic3A_437 = arith.divf %logistic3A_435, %logistic3A_436 : vector<4x1024xf32>
    %slice3A_438 = vector.extract_strided_slice %add3A_430 {offsets = [0, 1024], sizes = [4, 1024], strides = [1, 1]} : vector<4x4096xf32> to vector<4x1024xf32>
    %logistic3A_439 = arith.negf %slice3A_438 : vector<4x1024xf32>
    %logistic3A_440 = math.exp %logistic3A_439 : vector<4x1024xf32>
    %logistic3A_441 = arith.constant 1.000000e+00 : f32
    %logistic3A_442 = vector.broadcast %logistic3A_441 : f32 to vector<4x1024xf32>
    %logistic3A_443 = arith.addf %logistic3A_442, %logistic3A_440 : vector<4x1024xf32>
    %logistic3A_444 = arith.divf %logistic3A_442, %logistic3A_443 : vector<4x1024xf32>
    %slice3A_445 = vector.extract_strided_slice %add3A_430 {offsets = [0, 2048], sizes = [4, 1024], strides = [1, 1]} : vector<4x4096xf32> to vector<4x1024xf32>
    %tanh3A_446 = math.tanh %slice3A_445 : vector<4x1024xf32>
    %slice3A_447 = vector.extract_strided_slice %add3A_430 {offsets = [0, 3072], sizes = [4, 1024], strides = [1, 1]} : vector<4x4096xf32> to vector<4x1024xf32>
    %logistic3A_448 = arith.negf %slice3A_447 : vector<4x1024xf32>
    %logistic3A_449 = math.exp %logistic3A_448 : vector<4x1024xf32>
    %logistic3A_450 = arith.constant 1.000000e+00 : f32
    %logistic3A_451 = vector.broadcast %logistic3A_450 : f32 to vector<4x1024xf32>
    %logistic3A_452 = arith.addf %logistic3A_451, %logistic3A_449 : vector<4x1024xf32>
    %logistic3A_453 = arith.divf %logistic3A_451, %logistic3A_452 : vector<4x1024xf32>
    %mul3A_454 = arith.mulf %logistic3A_444, %add3A_410 : vector<4x1024xf32>
    %mul3A_455 = arith.mulf %logistic3A_437, %tanh3A_446 : vector<4x1024xf32>
    %add3A_456 = arith.addf %mul3A_454, %mul3A_455 : vector<4x1024xf32>
    %tanh3A_457 = math.tanh %add3A_456 : vector<4x1024xf32>
    %mul3A_458 = arith.mulf %logistic3A_453, %tanh3A_457 : vector<4x1024xf32>
    %convert_element_type3A_459 = arith.truncf %mul3A_458 : vector<4x1024xf32> to vector<4x1024xbf16>
    %swap3A_460 = arith.constant 36 : index
    %swap3A_461 = arith.constant 0 : index
    %swap3A_462 = vector.load %arg3[%swap3A_460, %swap3A_461] : memref<128x1024xbf16, #tpu.memory_space<vmem>>, vector<4x1024xbf16>
    tpu.vector_store %arg3[%swap3A_460, %swap3A_461], %convert_element_type3A_459 {strides = array<i32>} : memref<128x1024xbf16, #tpu.memory_space<vmem>>, vector<4x1024xbf16>,
    %mul3A_463 = arith.constant 2.560000e+02 : f32
    %mul3A_464 = vector.broadcast %mul3A_463 : f32 to vector<4x1024xf32>
    %mul3A_465 = arith.mulf %mul3A_458, %mul3A_464 : vector<4x1024xf32>
    %convert_element_type3A_466 = arith.truncf %mul3A_465 : vector<4x1024xf32> to vector<4x1024xf8E4M3FN>
    %get3A_467 = arith.constant 40 : index
    %get3A_468 = arith.constant 0 : index
    %get3A_469 = vector.load %arg1[%get3A_467, %get3A_468] : memref<128x4096xbf16, #tpu.memory_space<vmem>>, vector<4x4096xbf16>
    %convert_element_type3A_470 = arith.extf %get3A_469 : vector<4x4096xbf16> to vector<4x4096xf32>
    %dot_general3A_471 = arith.constant dense<0.000000e+00> : vector<4x4096xf32>
    %dot_general3A_472 = tpu.matmul %convert_element_type3A_466, %get3A_9, %dot_general3A_471 {dimension_numbers = #tpu.dot_dimension_numbers<[1], [0], [0], [1], [0, 0, 1, 1], [], []>, transpose_lhs_hint = false} : vector<4x1024xf8E4M3FN>, vector<1024x4096xf8E4M3FN>, vector<4x4096xf32> -> vector<4x4096xf32>
    %mul3A_473 = arith.constant 6.10351563E-5 : f32
    %mul3A_474 = vector.broadcast %mul3A_473 : f32 to vector<4x4096xf32>
    %mul3A_475 = arith.mulf %dot_general3A_472, %mul3A_474 : vector<4x4096xf32>
    %add3A_476 = arith.addf %convert_element_type3A_470, %mul3A_475 : vector<4x4096xf32>
    %slice3A_477 = vector.extract_strided_slice %add3A_476 {offsets = [0, 0], sizes = [4, 1024], strides = [1, 1]} : vector<4x4096xf32> to vector<4x1024xf32>
    %logistic3A_478 = arith.negf %slice3A_477 : vector<4x1024xf32>
    %logistic3A_479 = math.exp %logistic3A_478 : vector<4x1024xf32>
    %logistic3A_480 = arith.constant 1.000000e+00 : f32
    %logistic3A_481 = vector.broadcast %logistic3A_480 : f32 to vector<4x1024xf32>
    %logistic3A_482 = arith.addf %logistic3A_481, %logistic3A_479 : vector<4x1024xf32>
    %logistic3A_483 = arith.divf %logistic3A_481, %logistic3A_482 : vector<4x1024xf32>
    %slice3A_484 = vector.extract_strided_slice %add3A_476 {offsets = [0, 1024], sizes = [4, 1024], strides = [1, 1]} : vector<4x4096xf32> to vector<4x1024xf32>
    %logistic3A_485 = arith.negf %slice3A_484 : vector<4x1024xf32>
    %logistic3A_486 = math.exp %logistic3A_485 : vector<4x1024xf32>
    %logistic3A_487 = arith.constant 1.000000e+00 : f32
    %logistic3A_488 = vector.broadcast %logistic3A_487 : f32 to vector<4x1024xf32>
    %logistic3A_489 = arith.addf %logistic3A_488, %logistic3A_486 : vector<4x1024xf32>
    %logistic3A_490 = arith.divf %logistic3A_488, %logistic3A_489 : vector<4x1024xf32>
    %slice3A_491 = vector.extract_strided_slice %add3A_476 {offsets = [0, 2048], sizes = [4, 1024], strides = [1, 1]} : vector<4x4096xf32> to vector<4x1024xf32>
    %tanh3A_492 = math.tanh %slice3A_491 : vector<4x1024xf32>
    %slice3A_493 = vector.extract_strided_slice %add3A_476 {offsets = [0, 3072], sizes = [4, 1024], strides = [1, 1]} : vector<4x4096xf32> to vector<4x1024xf32>
    %logistic3A_494 = arith.negf %slice3A_493 : vector<4x1024xf32>
    %logistic3A_495 = math.exp %logistic3A_494 : vector<4x1024xf32>
    %logistic3A_496 = arith.constant 1.000000e+00 : f32
    %logistic3A_497 = vector.broadcast %logistic3A_496 : f32 to vector<4x1024xf32>
    %logistic3A_498 = arith.addf %logistic3A_497, %logistic3A_495 : vector<4x1024xf32>
    %logistic3A_499 = arith.divf %logistic3A_497, %logistic3A_498 : vector<4x1024xf32>
    %mul3A_500 = arith.mulf %logistic3A_490, %add3A_456 : vector<4x1024xf32>
    %mul3A_501 = arith.mulf %logistic3A_483, %tanh3A_492 : vector<4x1024xf32>
    %add3A_502 = arith.addf %mul3A_500, %mul3A_501 : vector<4x1024xf32>
    %tanh3A_503 = math.tanh %add3A_502 : vector<4x1024xf32>
    %mul3A_504 = arith.mulf %logistic3A_499, %tanh3A_503 : vector<4x1024xf32>
    %convert_element_type3A_505 = arith.truncf %mul3A_504 : vector<4x1024xf32> to vector<4x1024xbf16>
    %swap3A_506 = arith.constant 40 : index
    %swap3A_507 = arith.constant 0 : index
    %swap3A_508 = vector.load %arg3[%swap3A_506, %swap3A_507] : memref<128x1024xbf16, #tpu.memory_space<vmem>>, vector<4x1024xbf16>
    tpu.vector_store %arg3[%swap3A_506, %swap3A_507], %convert_element_type3A_505 {strides = array<i32>} : memref<128x1024xbf16, #tpu.memory_space<vmem>>, vector<4x1024xbf16>,
    %mul3A_509 = arith.constant 2.560000e+02 : f32
    %mul3A_510 = vector.broadcast %mul3A_509 : f32 to vector<4x1024xf32>
    %mul3A_511 = arith.mulf %mul3A_504, %mul3A_510 : vector<4x1024xf32>
    %convert_element_type3A_512 = arith.truncf %mul3A_511 : vector<4x1024xf32> to vector<4x1024xf8E4M3FN>
    %get3A_513 = arith.constant 44 : index
    %get3A_514 = arith.constant 0 : index
    %get3A_515 = vector.load %arg1[%get3A_513, %get3A_514] : memref<128x4096xbf16, #tpu.memory_space<vmem>>, vector<4x4096xbf16>
    %convert_element_type3A_516 = arith.extf %get3A_515 : vector<4x4096xbf16> to vector<4x4096xf32>
    %dot_general3A_517 = arith.constant dense<0.000000e+00> : vector<4x4096xf32>
    %dot_general3A_518 = tpu.matmul %convert_element_type3A_512, %get3A_9, %dot_general3A_517 {dimension_numbers = #tpu.dot_dimension_numbers<[1], [0], [0], [1], [0, 0, 1, 1], [], []>, transpose_lhs_hint = false} : vector<4x1024xf8E4M3FN>, vector<1024x4096xf8E4M3FN>, vector<4x4096xf32> -> vector<4x4096xf32>
    %mul3A_519 = arith.constant 6.10351563E-5 : f32
    %mul3A_520 = vector.broadcast %mul3A_519 : f32 to vector<4x4096xf32>
    %mul3A_521 = arith.mulf %dot_general3A_518, %mul3A_520 : vector<4x4096xf32>
    %add3A_522 = arith.addf %convert_element_type3A_516, %mul3A_521 : vector<4x4096xf32>
    %slice3A_523 = vector.extract_strided_slice %add3A_522 {offsets = [0, 0], sizes = [4, 1024], strides = [1, 1]} : vector<4x4096xf32> to vector<4x1024xf32>
    %logistic3A_524 = arith.negf %slice3A_523 : vector<4x1024xf32>
    %logistic3A_525 = math.exp %logistic3A_524 : vector<4x1024xf32>
    %logistic3A_526 = arith.constant 1.000000e+00 : f32
    %logistic3A_527 = vector.broadcast %logistic3A_526 : f32 to vector<4x1024xf32>
    %logistic3A_528 = arith.addf %logistic3A_527, %logistic3A_525 : vector<4x1024xf32>
    %logistic3A_529 = arith.divf %logistic3A_527, %logistic3A_528 : vector<4x1024xf32>
    %slice3A_530 = vector.extract_strided_slice %add3A_522 {offsets = [0, 1024], sizes = [4, 1024], strides = [1, 1]} : vector<4x4096xf32> to vector<4x1024xf32>
    %logistic3A_531 = arith.negf %slice3A_530 : vector<4x1024xf32>
    %logistic3A_532 = math.exp %logistic3A_531 : vector<4x1024xf32>
    %logistic3A_533 = arith.constant 1.000000e+00 : f32
    %logistic3A_534 = vector.broadcast %logistic3A_533 : f32 to vector<4x1024xf32>
    %logistic3A_535 = arith.addf %logistic3A_534, %logistic3A_532 : vector<4x1024xf32>
    %logistic3A_536 = arith.divf %logistic3A_534, %logistic3A_535 : vector<4x1024xf32>
    %slice3A_537 = vector.extract_strided_slice %add3A_522 {offsets = [0, 2048], sizes = [4, 1024], strides = [1, 1]} : vector<4x4096xf32> to vector<4x1024xf32>
    %tanh3A_538 = math.tanh %slice3A_537 : vector<4x1024xf32>
    %slice3A_539 = vector.extract_strided_slice %add3A_522 {offsets = [0, 3072], sizes = [4, 1024], strides = [1, 1]} : vector<4x4096xf32> to vector<4x1024xf32>
    %logistic3A_540 = arith.negf %slice3A_539 : vector<4x1024xf32>
    %logistic3A_541 = math.exp %logistic3A_540 : vector<4x1024xf32>
    %logistic3A_542 = arith.constant 1.000000e+00 : f32
    %logistic3A_543 = vector.broadcast %logistic3A_542 : f32 to vector<4x1024xf32>
    %logistic3A_544 = arith.addf %logistic3A_543, %logistic3A_541 : vector<4x1024xf32>
    %logistic3A_545 = arith.divf %logistic3A_543, %logistic3A_544 : vector<4x1024xf32>
    %mul3A_546 = arith.mulf %logistic3A_536, %add3A_502 : vector<4x1024xf32>
    %mul3A_547 = arith.mulf %logistic3A_529, %tanh3A_538 : vector<4x1024xf32>
    %add3A_548 = arith.addf %mul3A_546, %mul3A_547 : vector<4x1024xf32>
    %tanh3A_549 = math.tanh %add3A_548 : vector<4x1024xf32>
    %mul3A_550 = arith.mulf %logistic3A_545, %tanh3A_549 : vector<4x1024xf32>
    %convert_element_type3A_551 = arith.truncf %mul3A_550 : vector<4x1024xf32> to vector<4x1024xbf16>
    %swap3A_552 = arith.constant 44 : index
    %swap3A_553 = arith.constant 0 : index
    %swap3A_554 = vector.load %arg3[%swap3A_552, %swap3A_553] : memref<128x1024xbf16, #tpu.memory_space<vmem>>, vector<4x1024xbf16>
    tpu.vector_store %arg3[%swap3A_552, %swap3A_553], %convert_element_type3A_551 {strides = array<i32>} : memref<128x1024xbf16, #tpu.memory_space<vmem>>, vector<4x1024xbf16>,
    %mul3A_555 = arith.constant 2.560000e+02 : f32
    %mul3A_556 = vector.broadcast %mul3A_555 : f32 to vector<4x1024xf32>
    %mul3A_557 = arith.mulf %mul3A_550, %mul3A_556 : vector<4x1024xf32>
    %convert_element_type3A_558 = arith.truncf %mul3A_557 : vector<4x1024xf32> to vector<4x1024xf8E4M3FN>
    %get3A_559 = arith.constant 48 : index
    %get3A_560 = arith.constant 0 : index
    %get3A_561 = vector.load %arg1[%get3A_559, %get3A_560] : memref<128x4096xbf16, #tpu.memory_space<vmem>>, vector<4x4096xbf16>
    %convert_element_type3A_562 = arith.extf %get3A_561 : vector<4x4096xbf16> to vector<4x4096xf32>
    %dot_general3A_563 = arith.constant dense<0.000000e+00> : vector<4x4096xf32>
    %dot_general3A_564 = tpu.matmul %convert_element_type3A_558, %get3A_9, %dot_general3A_563 {dimension_numbers = #tpu.dot_dimension_numbers<[1], [0], [0], [1], [0, 0, 1, 1], [], []>, transpose_lhs_hint = false} : vector<4x1024xf8E4M3FN>, vector<1024x4096xf8E4M3FN>, vector<4x4096xf32> -> vector<4x4096xf32>
    %mul3A_565 = arith.constant 6.10351563E-5 : f32
    %mul3A_566 = vector.broadcast %mul3A_565 : f32 to vector<4x4096xf32>
    %mul3A_567 = arith.mulf %dot_general3A_564, %mul3A_566 : vector<4x4096xf32>
    %add3A_568 = arith.addf %convert_element_type3A_562, %mul3A_567 : vector<4x4096xf32>
    %slice3A_569 = vector.extract_strided_slice %add3A_568 {offsets = [0, 0], sizes = [4, 1024], strides = [1, 1]} : vector<4x4096xf32> to vector<4x1024xf32>
    %logistic3A_570 = arith.negf %slice3A_569 : vector<4x1024xf32>
    %logistic3A_571 = math.exp %logistic3A_570 : vector<4x1024xf32>
    %logistic3A_572 = arith.constant 1.000000e+00 : f32
    %logistic3A_573 = vector.broadcast %logistic3A_572 : f32 to vector<4x1024xf32>
    %logistic3A_574 = arith.addf %logistic3A_573, %logistic3A_571 : vector<4x1024xf32>
    %logistic3A_575 = arith.divf %logistic3A_573, %logistic3A_574 : vector<4x1024xf32>
    %slice3A_576 = vector.extract_strided_slice %add3A_568 {offsets = [0, 1024], sizes = [4, 1024], strides = [1, 1]} : vector<4x4096xf32> to vector<4x1024xf32>
    %logistic3A_577 = arith.negf %slice3A_576 : vector<4x1024xf32>
    %logistic3A_578 = math.exp %logistic3A_577 : vector<4x1024xf32>
    %logistic3A_579 = arith.constant 1.000000e+00 : f32
    %logistic3A_580 = vector.broadcast %logistic3A_579 : f32 to vector<4x1024xf32>
    %logistic3A_581 = arith.addf %logistic3A_580, %logistic3A_578 : vector<4x1024xf32>
    %logistic3A_582 = arith.divf %logistic3A_580, %logistic3A_581 : vector<4x1024xf32>
    %slice3A_583 = vector.extract_strided_slice %add3A_568 {offsets = [0, 2048], sizes = [4, 1024], strides = [1, 1]} : vector<4x4096xf32> to vector<4x1024xf32>
    %tanh3A_584 = math.tanh %slice3A_583 : vector<4x1024xf32>
    %slice3A_585 = vector.extract_strided_slice %add3A_568 {offsets = [0, 3072], sizes = [4, 1024], strides = [1, 1]} : vector<4x4096xf32> to vector<4x1024xf32>
    %logistic3A_586 = arith.negf %slice3A_585 : vector<4x1024xf32>
    %logistic3A_587 = math.exp %logistic3A_586 : vector<4x1024xf32>
    %logistic3A_588 = arith.constant 1.000000e+00 : f32
    %logistic3A_589 = vector.broadcast %logistic3A_588 : f32 to vector<4x1024xf32>
    %logistic3A_590 = arith.addf %logistic3A_589, %logistic3A_587 : vector<4x1024xf32>
    %logistic3A_591 = arith.divf %logistic3A_589, %logistic3A_590 : vector<4x1024xf32>
    %mul3A_592 = arith.mulf %logistic3A_582, %add3A_548 : vector<4x1024xf32>
    %mul3A_593 = arith.mulf %logistic3A_575, %tanh3A_584 : vector<4x1024xf32>
    %add3A_594 = arith.addf %mul3A_592, %mul3A_593 : vector<4x1024xf32>
    %tanh3A_595 = math.tanh %add3A_594 : vector<4x1024xf32>
    %mul3A_596 = arith.mulf %logistic3A_591, %tanh3A_595 : vector<4x1024xf32>
    %convert_element_type3A_597 = arith.truncf %mul3A_596 : vector<4x1024xf32> to vector<4x1024xbf16>
    %swap3A_598 = arith.constant 48 : index
    %swap3A_599 = arith.constant 0 : index
    %swap3A_600 = vector.load %arg3[%swap3A_598, %swap3A_599] : memref<128x1024xbf16, #tpu.memory_space<vmem>>, vector<4x1024xbf16>
    tpu.vector_store %arg3[%swap3A_598, %swap3A_599], %convert_element_type3A_597 {strides = array<i32>} : memref<128x1024xbf16, #tpu.memory_space<vmem>>, vector<4x1024xbf16>,
    %mul3A_601 = arith.constant 2.560000e+02 : f32
    %mul3A_602 = vector.broadcast %mul3A_601 : f32 to vector<4x1024xf32>
    %mul3A_603 = arith.mulf %mul3A_596, %mul3A_602 : vector<4x1024xf32>
    %convert_element_type3A_604 = arith.truncf %mul3A_603 : vector<4x1024xf32> to vector<4x1024xf8E4M3FN>
    %get3A_605 = arith.constant 52 : index
    %get3A_606 = arith.constant 0 : index
    %get3A_607 = vector.load %arg1[%get3A_605, %get3A_606] : memref<128x4096xbf16, #tpu.memory_space<vmem>>, vector<4x4096xbf16>
    %convert_element_type3A_608 = arith.extf %get3A_607 : vector<4x4096xbf16> to vector<4x4096xf32>
    %dot_general3A_609 = arith.constant dense<0.000000e+00> : vector<4x4096xf32>
    %dot_general3A_610 = tpu.matmul %convert_element_type3A_604, %get3A_9, %dot_general3A_609 {dimension_numbers = #tpu.dot_dimension_numbers<[1], [0], [0], [1], [0, 0, 1, 1], [], []>, transpose_lhs_hint = false} : vector<4x1024xf8E4M3FN>, vector<1024x4096xf8E4M3FN>, vector<4x4096xf32> -> vector<4x4096xf32>
    %mul3A_611 = arith.constant 6.10351563E-5 : f32
    %mul3A_612 = vector.broadcast %mul3A_611 : f32 to vector<4x4096xf32>
    %mul3A_613 = arith.mulf %dot_general3A_610, %mul3A_612 : vector<4x4096xf32>
    %add3A_614 = arith.addf %convert_element_type3A_608, %mul3A_613 : vector<4x4096xf32>
    %slice3A_615 = vector.extract_strided_slice %add3A_614 {offsets = [0, 0], sizes = [4, 1024], strides = [1, 1]} : vector<4x4096xf32> to vector<4x1024xf32>
    %logistic3A_616 = arith.negf %slice3A_615 : vector<4x1024xf32>
    %logistic3A_617 = math.exp %logistic3A_616 : vector<4x1024xf32>
    %logistic3A_618 = arith.constant 1.000000e+00 : f32
    %logistic3A_619 = vector.broadcast %logistic3A_618 : f32 to vector<4x1024xf32>
    %logistic3A_620 = arith.addf %logistic3A_619, %logistic3A_617 : vector<4x1024xf32>
    %logistic3A_621 = arith.divf %logistic3A_619, %logistic3A_620 : vector<4x1024xf32>
    %slice3A_622 = vector.extract_strided_slice %add3A_614 {offsets = [0, 1024], sizes = [4, 1024], strides = [1, 1]} : vector<4x4096xf32> to vector<4x1024xf32>
    %logistic3A_623 = arith.negf %slice3A_622 : vector<4x1024xf32>
    %logistic3A_624 = math.exp %logistic3A_623 : vector<4x1024xf32>
    %logistic3A_625 = arith.constant 1.000000e+00 : f32
    %logistic3A_626 = vector.broadcast %logistic3A_625 : f32 to vector<4x1024xf32>
    %logistic3A_627 = arith.addf %logistic3A_626, %logistic3A_624 : vector<4x1024xf32>
    %logistic3A_628 = arith.divf %logistic3A_626, %logistic3A_627 : vector<4x1024xf32>
    %slice3A_629 = vector.extract_strided_slice %add3A_614 {offsets = [0, 2048], sizes = [4, 1024], strides = [1, 1]} : vector<4x4096xf32> to vector<4x1024xf32>
    %tanh3A_630 = math.tanh %slice3A_629 : vector<4x1024xf32>
    %slice3A_631 = vector.extract_strided_slice %add3A_614 {offsets = [0, 3072], sizes = [4, 1024], strides = [1, 1]} : vector<4x4096xf32> to vector<4x1024xf32>
    %logistic3A_632 = arith.negf %slice3A_631 : vector<4x1024xf32>
    %logistic3A_633 = math.exp %logistic3A_632 : vector<4x1024xf32>
    %logistic3A_634 = arith.constant 1.000000e+00 : f32
    %logistic3A_635 = vector.broadcast %logistic3A_634 : f32 to vector<4x1024xf32>
    %logistic3A_636 = arith.addf %logistic3A_635, %logistic3A_633 : vector<4x1024xf32>
    %logistic3A_637 = arith.divf %logistic3A_635, %logistic3A_636 : vector<4x1024xf32>
    %mul3A_638 = arith.mulf %logistic3A_628, %add3A_594 : vector<4x1024xf32>
    %mul3A_639 = arith.mulf %logistic3A_621, %tanh3A_630 : vector<4x1024xf32>
    %add3A_640 = arith.addf %mul3A_638, %mul3A_639 : vector<4x1024xf32>
    %tanh3A_641 = math.tanh %add3A_640 : vector<4x1024xf32>
    %mul3A_642 = arith.mulf %logistic3A_637, %tanh3A_641 : vector<4x1024xf32>
    %convert_element_type3A_643 = arith.truncf %mul3A_642 : vector<4x1024xf32> to vector<4x1024xbf16>
    %swap3A_644 = arith.constant 52 : index
    %swap3A_645 = arith.constant 0 : index
    %swap3A_646 = vector.load %arg3[%swap3A_644, %swap3A_645] : memref<128x1024xbf16, #tpu.memory_space<vmem>>, vector<4x1024xbf16>
    tpu.vector_store %arg3[%swap3A_644, %swap3A_645], %convert_element_type3A_643 {strides = array<i32>} : memref<128x1024xbf16, #tpu.memory_space<vmem>>, vector<4x1024xbf16>,
    %mul3A_647 = arith.constant 2.560000e+02 : f32
    %mul3A_648 = vector.broadcast %mul3A_647 : f32 to vector<4x1024xf32>
    %mul3A_649 = arith.mulf %mul3A_642, %mul3A_648 : vector<4x1024xf32>
    %convert_element_type3A_650 = arith.truncf %mul3A_649 : vector<4x1024xf32> to vector<4x1024xf8E4M3FN>
    %get3A_651 = arith.constant 56 : index
    %get3A_652 = arith.constant 0 : index
    %get3A_653 = vector.load %arg1[%get3A_651, %get3A_652] : memref<128x4096xbf16, #tpu.memory_space<vmem>>, vector<4x4096xbf16>
    %convert_element_type3A_654 = arith.extf %get3A_653 : vector<4x4096xbf16> to vector<4x4096xf32>
    %dot_general3A_655 = arith.constant dense<0.000000e+00> : vector<4x4096xf32>
    %dot_general3A_656 = tpu.matmul %convert_element_type3A_650, %get3A_9, %dot_general3A_655 {dimension_numbers = #tpu.dot_dimension_numbers<[1], [0], [0], [1], [0, 0, 1, 1], [], []>, transpose_lhs_hint = false} : vector<4x1024xf8E4M3FN>, vector<1024x4096xf8E4M3FN>, vector<4x4096xf32> -> vector<4x4096xf32>
    %mul3A_657 = arith.constant 6.10351563E-5 : f32
    %mul3A_658 = vector.broadcast %mul3A_657 : f32 to vector<4x4096xf32>
    %mul3A_659 = arith.mulf %dot_general3A_656, %mul3A_658 : vector<4x4096xf32>
    %add3A_660 = arith.addf %convert_element_type3A_654, %mul3A_659 : vector<4x4096xf32>
    %slice3A_661 = vector.extract_strided_slice %add3A_660 {offsets = [0, 0], sizes = [4, 1024], strides = [1, 1]} : vector<4x4096xf32> to vector<4x1024xf32>
    %logistic3A_662 = arith.negf %slice3A_661 : vector<4x1024xf32>
    %logistic3A_663 = math.exp %logistic3A_662 : vector<4x1024xf32>
    %logistic3A_664 = arith.constant 1.000000e+00 : f32
    %logistic3A_665 = vector.broadcast %logistic3A_664 : f32 to vector<4x1024xf32>
    %logistic3A_666 = arith.addf %logistic3A_665, %logistic3A_663 : vector<4x1024xf32>
    %logistic3A_667 = arith.divf %logistic3A_665, %logistic3A_666 : vector<4x1024xf32>
    %slice3A_668 = vector.extract_strided_slice %add3A_660 {offsets = [0, 1024], sizes = [4, 1024], strides = [1, 1]} : vector<4x4096xf32> to vector<4x1024xf32>
    %logistic3A_669 = arith.negf %slice3A_668 : vector<4x1024xf32>
    %logistic3A_670 = math.exp %logistic3A_669 : vector<4x1024xf32>
    %logistic3A_671 = arith.constant 1.000000e+00 : f32
    %logistic3A_672 = vector.broadcast %logistic3A_671 : f32 to vector<4x1024xf32>
    %logistic3A_673 = arith.addf %logistic3A_672, %logistic3A_670 : vector<4x1024xf32>
    %logistic3A_674 = arith.divf %logistic3A_672, %logistic3A_673 : vector<4x1024xf32>
    %slice3A_675 = vector.extract_strided_slice %add3A_660 {offsets = [0, 2048], sizes = [4, 1024], strides = [1, 1]} : vector<4x4096xf32> to vector<4x1024xf32>
    %tanh3A_676 = math.tanh %slice3A_675 : vector<4x1024xf32>
    %slice3A_677 = vector.extract_strided_slice %add3A_660 {offsets = [0, 3072], sizes = [4, 1024], strides = [1, 1]} : vector<4x4096xf32> to vector<4x1024xf32>
    %logistic3A_678 = arith.negf %slice3A_677 : vector<4x1024xf32>
    %logistic3A_679 = math.exp %logistic3A_678 : vector<4x1024xf32>
    %logistic3A_680 = arith.constant 1.000000e+00 : f32
    %logistic3A_681 = vector.broadcast %logistic3A_680 : f32 to vector<4x1024xf32>
    %logistic3A_682 = arith.addf %logistic3A_681, %logistic3A_679 : vector<4x1024xf32>
    %logistic3A_683 = arith.divf %logistic3A_681, %logistic3A_682 : vector<4x1024xf32>
    %mul3A_684 = arith.mulf %logistic3A_674, %add3A_640 : vector<4x1024xf32>
    %mul3A_685 = arith.mulf %logistic3A_667, %tanh3A_676 : vector<4x1024xf32>
    %add3A_686 = arith.addf %mul3A_684, %mul3A_685 : vector<4x1024xf32>
    %tanh3A_687 = math.tanh %add3A_686 : vector<4x1024xf32>
    %mul3A_688 = arith.mulf %logistic3A_683, %tanh3A_687 : vector<4x1024xf32>
    %convert_element_type3A_689 = arith.truncf %mul3A_688 : vector<4x1024xf32> to vector<4x1024xbf16>
    %swap3A_690 = arith.constant 56 : index
    %swap3A_691 = arith.constant 0 : index
    %swap3A_692 = vector.load %arg3[%swap3A_690, %swap3A_691] : memref<128x1024xbf16, #tpu.memory_space<vmem>>, vector<4x1024xbf16>
    tpu.vector_store %arg3[%swap3A_690, %swap3A_691], %convert_element_type3A_689 {strides = array<i32>} : memref<128x1024xbf16, #tpu.memory_space<vmem>>, vector<4x1024xbf16>,
    %mul3A_693 = arith.constant 2.560000e+02 : f32
    %mul3A_694 = vector.broadcast %mul3A_693 : f32 to vector<4x1024xf32>
    %mul3A_695 = arith.mulf %mul3A_688, %mul3A_694 : vector<4x1024xf32>
    %convert_element_type3A_696 = arith.truncf %mul3A_695 : vector<4x1024xf32> to vector<4x1024xf8E4M3FN>
    %get3A_697 = arith.constant 60 : index
    %get3A_698 = arith.constant 0 : index
    %get3A_699 = vector.load %arg1[%get3A_697, %get3A_698] : memref<128x4096xbf16, #tpu.memory_space<vmem>>, vector<4x4096xbf16>
    %convert_element_type3A_700 = arith.extf %get3A_699 : vector<4x4096xbf16> to vector<4x4096xf32>
    %dot_general3A_701 = arith.constant dense<0.000000e+00> : vector<4x4096xf32>
    %dot_general3A_702 = tpu.matmul %convert_element_type3A_696, %get3A_9, %dot_general3A_701 {dimension_numbers = #tpu.dot_dimension_numbers<[1], [0], [0], [1], [0, 0, 1, 1], [], []>, transpose_lhs_hint = false} : vector<4x1024xf8E4M3FN>, vector<1024x4096xf8E4M3FN>, vector<4x4096xf32> -> vector<4x4096xf32>
    %mul3A_703 = arith.constant 6.10351563E-5 : f32
    %mul3A_704 = vector.broadcast %mul3A_703 : f32 to vector<4x4096xf32>
    %mul3A_705 = arith.mulf %dot_general3A_702, %mul3A_704 : vector<4x4096xf32>
    %add3A_706 = arith.addf %convert_element_type3A_700, %mul3A_705 : vector<4x4096xf32>
    %slice3A_707 = vector.extract_strided_slice %add3A_706 {offsets = [0, 0], sizes = [4, 1024], strides = [1, 1]} : vector<4x4096xf32> to vector<4x1024xf32>
    %logistic3A_708 = arith.negf %slice3A_707 : vector<4x1024xf32>
    %logistic3A_709 = math.exp %logistic3A_708 : vector<4x1024xf32>
    %logistic3A_710 = arith.constant 1.000000e+00 : f32
    %logistic3A_711 = vector.broadcast %logistic3A_710 : f32 to vector<4x1024xf32>
    %logistic3A_712 = arith.addf %logistic3A_711, %logistic3A_709 : vector<4x1024xf32>
    %logistic3A_713 = arith.divf %logistic3A_711, %logistic3A_712 : vector<4x1024xf32>
    %slice3A_714 = vector.extract_strided_slice %add3A_706 {offsets = [0, 1024], sizes = [4, 1024], strides = [1, 1]} : vector<4x4096xf32> to vector<4x1024xf32>
    %logistic3A_715 = arith.negf %slice3A_714 : vector<4x1024xf32>
    %logistic3A_716 = math.exp %logistic3A_715 : vector<4x1024xf32>
    %logistic3A_717 = arith.constant 1.000000e+00 : f32
    %logistic3A_718 = vector.broadcast %logistic3A_717 : f32 to vector<4x1024xf32>
    %logistic3A_719 = arith.addf %logistic3A_718, %logistic3A_716 : vector<4x1024xf32>
    %logistic3A_720 = arith.divf %logistic3A_718, %logistic3A_719 : vector<4x1024xf32>
    %slice3A_721 = vector.extract_strided_slice %add3A_706 {offsets = [0, 2048], sizes = [4, 1024], strides = [1, 1]} : vector<4x4096xf32> to vector<4x1024xf32>
    %tanh3A_722 = math.tanh %slice3A_721 : vector<4x1024xf32>
    %slice3A_723 = vector.extract_strided_slice %add3A_706 {offsets = [0, 3072], sizes = [4, 1024], strides = [1, 1]} : vector<4x4096xf32> to vector<4x1024xf32>
    %logistic3A_724 = arith.negf %slice3A_723 : vector<4x1024xf32>
    %logistic3A_725 = math.exp %logistic3A_724 : vector<4x1024xf32>
    %logistic3A_726 = arith.constant 1.000000e+00 : f32
    %logistic3A_727 = vector.broadcast %logistic3A_726 : f32 to vector<4x1024xf32>
    %logistic3A_728 = arith.addf %logistic3A_727, %logistic3A_725 : vector<4x1024xf32>
    %logistic3A_729 = arith.divf %logistic3A_727, %logistic3A_728 : vector<4x1024xf32>
    %mul3A_730 = arith.mulf %logistic3A_720, %add3A_686 : vector<4x1024xf32>
    %mul3A_731 = arith.mulf %logistic3A_713, %tanh3A_722 : vector<4x1024xf32>
    %add3A_732 = arith.addf %mul3A_730, %mul3A_731 : vector<4x1024xf32>
    %tanh3A_733 = math.tanh %add3A_732 : vector<4x1024xf32>
    %mul3A_734 = arith.mulf %logistic3A_729, %tanh3A_733 : vector<4x1024xf32>
    %convert_element_type3A_735 = arith.truncf %mul3A_734 : vector<4x1024xf32> to vector<4x1024xbf16>
    %swap3A_736 = arith.constant 60 : index
    %swap3A_737 = arith.constant 0 : index
    %swap3A_738 = vector.load %arg3[%swap3A_736, %swap3A_737] : memref<128x1024xbf16, #tpu.memory_space<vmem>>, vector<4x1024xbf16>
    tpu.vector_store %arg3[%swap3A_736, %swap3A_737], %convert_element_type3A_735 {strides = array<i32>} : memref<128x1024xbf16, #tpu.memory_space<vmem>>, vector<4x1024xbf16>,
    %mul3A_739 = arith.constant 2.560000e+02 : f32
    %mul3A_740 = vector.broadcast %mul3A_739 : f32 to vector<4x1024xf32>
    %mul3A_741 = arith.mulf %mul3A_734, %mul3A_740 : vector<4x1024xf32>
    %convert_element_type3A_742 = arith.truncf %mul3A_741 : vector<4x1024xf32> to vector<4x1024xf8E4M3FN>
    %get3A_743 = arith.constant 64 : index
    %get3A_744 = arith.constant 0 : index
    %get3A_745 = vector.load %arg1[%get3A_743, %get3A_744] : memref<128x4096xbf16, #tpu.memory_space<vmem>>, vector<4x4096xbf16>
    %convert_element_type3A_746 = arith.extf %get3A_745 : vector<4x4096xbf16> to vector<4x4096xf32>
    %dot_general3A_747 = arith.constant dense<0.000000e+00> : vector<4x4096xf32>
    %dot_general3A_748 = tpu.matmul %convert_element_type3A_742, %get3A_9, %dot_general3A_747 {dimension_numbers = #tpu.dot_dimension_numbers<[1], [0], [0], [1], [0, 0, 1, 1], [], []>, transpose_lhs_hint = false} : vector<4x1024xf8E4M3FN>, vector<1024x4096xf8E4M3FN>, vector<4x4096xf32> -> vector<4x4096xf32>
    %mul3A_749 = arith.constant 6.10351563E-5 : f32
    %mul3A_750 = vector.broadcast %mul3A_749 : f32 to vector<4x4096xf32>
    %mul3A_751 = arith.mulf %dot_general3A_748, %mul3A_750 : vector<4x4096xf32>
    %add3A_752 = arith.addf %convert_element_type3A_746, %mul3A_751 : vector<4x4096xf32>
    %slice3A_753 = vector.extract_strided_slice %add3A_752 {offsets = [0, 0], sizes = [4, 1024], strides = [1, 1]} : vector<4x4096xf32> to vector<4x1024xf32>
    %logistic3A_754 = arith.negf %slice3A_753 : vector<4x1024xf32>
    %logistic3A_755 = math.exp %logistic3A_754 : vector<4x1024xf32>
    %logistic3A_756 = arith.constant 1.000000e+00 : f32
    %logistic3A_757 = vector.broadcast %logistic3A_756 : f32 to vector<4x1024xf32>
    %logistic3A_758 = arith.addf %logistic3A_757, %logistic3A_755 : vector<4x1024xf32>
    %logistic3A_759 = arith.divf %logistic3A_757, %logistic3A_758 : vector<4x1024xf32>
    %slice3A_760 = vector.extract_strided_slice %add3A_752 {offsets = [0, 1024], sizes = [4, 1024], strides = [1, 1]} : vector<4x4096xf32> to vector<4x1024xf32>
    %logistic3A_761 = arith.negf %slice3A_760 : vector<4x1024xf32>
    %logistic3A_762 = math.exp %logistic3A_761 : vector<4x1024xf32>
    %logistic3A_763 = arith.constant 1.000000e+00 : f32
    %logistic3A_764 = vector.broadcast %logistic3A_763 : f32 to vector<4x1024xf32>
    %logistic3A_765 = arith.addf %logistic3A_764, %logistic3A_762 : vector<4x1024xf32>
    %logistic3A_766 = arith.divf %logistic3A_764, %logistic3A_765 : vector<4x1024xf32>
    %slice3A_767 = vector.extract_strided_slice %add3A_752 {offsets = [0, 2048], sizes = [4, 1024], strides = [1, 1]} : vector<4x4096xf32> to vector<4x1024xf32>
    %tanh3A_768 = math.tanh %slice3A_767 : vector<4x1024xf32>
    %slice3A_769 = vector.extract_strided_slice %add3A_752 {offsets = [0, 3072], sizes = [4, 1024], strides = [1, 1]} : vector<4x4096xf32> to vector<4x1024xf32>
    %logistic3A_770 = arith.negf %slice3A_769 : vector<4x1024xf32>
    %logistic3A_771 = math.exp %logistic3A_770 : vector<4x1024xf32>
    %logistic3A_772 = arith.constant 1.000000e+00 : f32
    %logistic3A_773 = vector.broadcast %logistic3A_772 : f32 to vector<4x1024xf32>
    %logistic3A_774 = arith.addf %logistic3A_773, %logistic3A_771 : vector<4x1024xf32>
    %logistic3A_775 = arith.divf %logistic3A_773, %logistic3A_774 : vector<4x1024xf32>
    %mul3A_776 = arith.mulf %logistic3A_766, %add3A_732 : vector<4x1024xf32>
    %mul3A_777 = arith.mulf %logistic3A_759, %tanh3A_768 : vector<4x1024xf32>
    %add3A_778 = arith.addf %mul3A_776, %mul3A_777 : vector<4x1024xf32>
    %tanh3A_779 = math.tanh %add3A_778 : vector<4x1024xf32>
    %mul3A_780 = arith.mulf %logistic3A_775, %tanh3A_779 : vector<4x1024xf32>
    %convert_element_type3A_781 = arith.truncf %mul3A_780 : vector<4x1024xf32> to vector<4x1024xbf16>
    %swap3A_782 = arith.constant 64 : index
    %swap3A_783 = arith.constant 0 : index
    %swap3A_784 = vector.load %arg3[%swap3A_782, %swap3A_783] : memref<128x1024xbf16, #tpu.memory_space<vmem>>, vector<4x1024xbf16>
    tpu.vector_store %arg3[%swap3A_782, %swap3A_783], %convert_element_type3A_781 {strides = array<i32>} : memref<128x1024xbf16, #tpu.memory_space<vmem>>, vector<4x1024xbf16>,
    %mul3A_785 = arith.constant 2.560000e+02 : f32
    %mul3A_786 = vector.broadcast %mul3A_785 : f32 to vector<4x1024xf32>
    %mul3A_787 = arith.mulf %mul3A_780, %mul3A_786 : vector<4x1024xf32>
    %convert_element_type3A_788 = arith.truncf %mul3A_787 : vector<4x1024xf32> to vector<4x1024xf8E4M3FN>
    %get3A_789 = arith.constant 68 : index
    %get3A_790 = arith.constant 0 : index
    %get3A_791 = vector.load %arg1[%get3A_789, %get3A_790] : memref<128x4096xbf16, #tpu.memory_space<vmem>>, vector<4x4096xbf16>
    %convert_element_type3A_792 = arith.extf %get3A_791 : vector<4x4096xbf16> to vector<4x4096xf32>
    %dot_general3A_793 = arith.constant dense<0.000000e+00> : vector<4x4096xf32>
    %dot_general3A_794 = tpu.matmul %convert_element_type3A_788, %get3A_9, %dot_general3A_793 {dimension_numbers = #tpu.dot_dimension_numbers<[1], [0], [0], [1], [0, 0, 1, 1], [], []>, transpose_lhs_hint = false} : vector<4x1024xf8E4M3FN>, vector<1024x4096xf8E4M3FN>, vector<4x4096xf32> -> vector<4x4096xf32>
    %mul3A_795 = arith.constant 6.10351563E-5 : f32
    %mul3A_796 = vector.broadcast %mul3A_795 : f32 to vector<4x4096xf32>
    %mul3A_797 = arith.mulf %dot_general3A_794, %mul3A_796 : vector<4x4096xf32>
    %add3A_798 = arith.addf %convert_element_type3A_792, %mul3A_797 : vector<4x4096xf32>
    %slice3A_799 = vector.extract_strided_slice %add3A_798 {offsets = [0, 0], sizes = [4, 1024], strides = [1, 1]} : vector<4x4096xf32> to vector<4x1024xf32>
    %logistic3A_800 = arith.negf %slice3A_799 : vector<4x1024xf32>
    %logistic3A_801 = math.exp %logistic3A_800 : vector<4x1024xf32>
    %logistic3A_802 = arith.constant 1.000000e+00 : f32
    %logistic3A_803 = vector.broadcast %logistic3A_802 : f32 to vector<4x1024xf32>
    %logistic3A_804 = arith.addf %logistic3A_803, %logistic3A_801 : vector<4x1024xf32>
    %logistic3A_805 = arith.divf %logistic3A_803, %logistic3A_804 : vector<4x1024xf32>
    %slice3A_806 = vector.extract_strided_slice %add3A_798 {offsets = [0, 1024], sizes = [4, 1024], strides = [1, 1]} : vector<4x4096xf32> to vector<4x1024xf32>
    %logistic3A_807 = arith.negf %slice3A_806 : vector<4x1024xf32>
    %logistic3A_808 = math.exp %logistic3A_807 : vector<4x1024xf32>
    %logistic3A_809 = arith.constant 1.000000e+00 : f32
    %logistic3A_810 = vector.broadcast %logistic3A_809 : f32 to vector<4x1024xf32>
    %logistic3A_811 = arith.addf %logistic3A_810, %logistic3A_808 : vector<4x1024xf32>
    %logistic3A_812 = arith.divf %logistic3A_810, %logistic3A_811 : vector<4x1024xf32>
    %slice3A_813 = vector.extract_strided_slice %add3A_798 {offsets = [0, 2048], sizes = [4, 1024], strides = [1, 1]} : vector<4x4096xf32> to vector<4x1024xf32>
    %tanh3A_814 = math.tanh %slice3A_813 : vector<4x1024xf32>
    %slice3A_815 = vector.extract_strided_slice %add3A_798 {offsets = [0, 3072], sizes = [4, 1024], strides = [1, 1]} : vector<4x4096xf32> to vector<4x1024xf32>
    %logistic3A_816 = arith.negf %slice3A_815 : vector<4x1024xf32>
    %logistic3A_817 = math.exp %logistic3A_816 : vector<4x1024xf32>
    %logistic3A_818 = arith.constant 1.000000e+00 : f32
    %logistic3A_819 = vector.broadcast %logistic3A_818 : f32 to vector<4x1024xf32>
    %logistic3A_820 = arith.addf %logistic3A_819, %logistic3A_817 : vector<4x1024xf32>
    %logistic3A_821 = arith.divf %logistic3A_819, %logistic3A_820 : vector<4x1024xf32>
    %mul3A_822 = arith.mulf %logistic3A_812, %add3A_778 : vector<4x1024xf32>
    %mul3A_823 = arith.mulf %logistic3A_805, %tanh3A_814 : vector<4x1024xf32>
    %add3A_824 = arith.addf %mul3A_822, %mul3A_823 : vector<4x1024xf32>
    %tanh3A_825 = math.tanh %add3A_824 : vector<4x1024xf32>
    %mul3A_826 = arith.mulf %logistic3A_821, %tanh3A_825 : vector<4x1024xf32>
    %convert_element_type3A_827 = arith.truncf %mul3A_826 : vector<4x1024xf32> to vector<4x1024xbf16>
    %swap3A_828 = arith.constant 68 : index
    %swap3A_829 = arith.constant 0 : index
    %swap3A_830 = vector.load %arg3[%swap3A_828, %swap3A_829] : memref<128x1024xbf16, #tpu.memory_space<vmem>>, vector<4x1024xbf16>
    tpu.vector_store %arg3[%swap3A_828, %swap3A_829], %convert_element_type3A_827 {strides = array<i32>} : memref<128x1024xbf16, #tpu.memory_space<vmem>>, vector<4x1024xbf16>,
    %mul3A_831 = arith.constant 2.560000e+02 : f32
    %mul3A_832 = vector.broadcast %mul3A_831 : f32 to vector<4x1024xf32>
    %mul3A_833 = arith.mulf %mul3A_826, %mul3A_832 : vector<4x1024xf32>
    %convert_element_type3A_834 = arith.truncf %mul3A_833 : vector<4x1024xf32> to vector<4x1024xf8E4M3FN>
    %get3A_835 = arith.constant 72 : index
    %get3A_836 = arith.constant 0 : index
    %get3A_837 = vector.load %arg1[%get3A_835, %get3A_836] : memref<128x4096xbf16, #tpu.memory_space<vmem>>, vector<4x4096xbf16>
    %convert_element_type3A_838 = arith.extf %get3A_837 : vector<4x4096xbf16> to vector<4x4096xf32>
    %dot_general3A_839 = arith.constant dense<0.000000e+00> : vector<4x4096xf32>
    %dot_general3A_840 = tpu.matmul %convert_element_type3A_834, %get3A_9, %dot_general3A_839 {dimension_numbers = #tpu.dot_dimension_numbers<[1], [0], [0], [1], [0, 0, 1, 1], [], []>, transpose_lhs_hint = false} : vector<4x1024xf8E4M3FN>, vector<1024x4096xf8E4M3FN>, vector<4x4096xf32> -> vector<4x4096xf32>
    %mul3A_841 = arith.constant 6.10351563E-5 : f32
    %mul3A_842 = vector.broadcast %mul3A_841 : f32 to vector<4x4096xf32>
    %mul3A_843 = arith.mulf %dot_general3A_840, %mul3A_842 : vector<4x4096xf32>
    %add3A_844 = arith.addf %convert_element_type3A_838, %mul3A_843 : vector<4x4096xf32>
    %slice3A_845 = vector.extract_strided_slice %add3A_844 {offsets = [0, 0], sizes = [4, 1024], strides = [1, 1]} : vector<4x4096xf32> to vector<4x1024xf32>
    %logistic3A_846 = arith.negf %slice3A_845 : vector<4x1024xf32>
    %logistic3A_847 = math.exp %logistic3A_846 : vector<4x1024xf32>
    %logistic3A_848 = arith.constant 1.000000e+00 : f32
    %logistic3A_849 = vector.broadcast %logistic3A_848 : f32 to vector<4x1024xf32>
    %logistic3A_850 = arith.addf %logistic3A_849, %logistic3A_847 : vector<4x1024xf32>
    %logistic3A_851 = arith.divf %logistic3A_849, %logistic3A_850 : vector<4x1024xf32>
    %slice3A_852 = vector.extract_strided_slice %add3A_844 {offsets = [0, 1024], sizes = [4, 1024], strides = [1, 1]} : vector<4x4096xf32> to vector<4x1024xf32>
    %logistic3A_853 = arith.negf %slice3A_852 : vector<4x1024xf32>
    %logistic3A_854 = math.exp %logistic3A_853 : vector<4x1024xf32>
    %logistic3A_855 = arith.constant 1.000000e+00 : f32
    %logistic3A_856 = vector.broadcast %logistic3A_855 : f32 to vector<4x1024xf32>
    %logistic3A_857 = arith.addf %logistic3A_856, %logistic3A_854 : vector<4x1024xf32>
    %logistic3A_858 = arith.divf %logistic3A_856, %logistic3A_857 : vector<4x1024xf32>
    %slice3A_859 = vector.extract_strided_slice %add3A_844 {offsets = [0, 2048], sizes = [4, 1024], strides = [1, 1]} : vector<4x4096xf32> to vector<4x1024xf32>
    %tanh3A_860 = math.tanh %slice3A_859 : vector<4x1024xf32>
    %slice3A_861 = vector.extract_strided_slice %add3A_844 {offsets = [0, 3072], sizes = [4, 1024], strides = [1, 1]} : vector<4x4096xf32> to vector<4x1024xf32>
    %logistic3A_862 = arith.negf %slice3A_861 : vector<4x1024xf32>
    %logistic3A_863 = math.exp %logistic3A_862 : vector<4x1024xf32>
    %logistic3A_864 = arith.constant 1.000000e+00 : f32
    %logistic3A_865 = vector.broadcast %logistic3A_864 : f32 to vector<4x1024xf32>
    %logistic3A_866 = arith.addf %logistic3A_865, %logistic3A_863 : vector<4x1024xf32>
    %logistic3A_867 = arith.divf %logistic3A_865, %logistic3A_866 : vector<4x1024xf32>
    %mul3A_868 = arith.mulf %logistic3A_858, %add3A_824 : vector<4x1024xf32>
    %mul3A_869 = arith.mulf %logistic3A_851, %tanh3A_860 : vector<4x1024xf32>
    %add3A_870 = arith.addf %mul3A_868, %mul3A_869 : vector<4x1024xf32>
    %tanh3A_871 = math.tanh %add3A_870 : vector<4x1024xf32>
    %mul3A_872 = arith.mulf %logistic3A_867, %tanh3A_871 : vector<4x1024xf32>
    %convert_element_type3A_873 = arith.truncf %mul3A_872 : vector<4x1024xf32> to vector<4x1024xbf16>
    %swap3A_874 = arith.constant 72 : index
    %swap3A_875 = arith.constant 0 : index
    %swap3A_876 = vector.load %arg3[%swap3A_874, %swap3A_875] : memref<128x1024xbf16, #tpu.memory_space<vmem>>, vector<4x1024xbf16>
    tpu.vector_store %arg3[%swap3A_874, %swap3A_875], %convert_element_type3A_873 {strides = array<i32>} : memref<128x1024xbf16, #tpu.memory_space<vmem>>, vector<4x1024xbf16>,
    %mul3A_877 = arith.constant 2.560000e+02 : f32
    %mul3A_878 = vector.broadcast %mul3A_877 : f32 to vector<4x1024xf32>
    %mul3A_879 = arith.mulf %mul3A_872, %mul3A_878 : vector<4x1024xf32>
    %convert_element_type3A_880 = arith.truncf %mul3A_879 : vector<4x1024xf32> to vector<4x1024xf8E4M3FN>
    %get3A_881 = arith.constant 76 : index
    %get3A_882 = arith.constant 0 : index
    %get3A_883 = vector.load %arg1[%get3A_881, %get3A_882] : memref<128x4096xbf16, #tpu.memory_space<vmem>>, vector<4x4096xbf16>
    %convert_element_type3A_884 = arith.extf %get3A_883 : vector<4x4096xbf16> to vector<4x4096xf32>
    %dot_general3A_885 = arith.constant dense<0.000000e+00> : vector<4x4096xf32>
    %dot_general3A_886 = tpu.matmul %convert_element_type3A_880, %get3A_9, %dot_general3A_885 {dimension_numbers = #tpu.dot_dimension_numbers<[1], [0], [0], [1], [0, 0, 1, 1], [], []>, transpose_lhs_hint = false} : vector<4x1024xf8E4M3FN>, vector<1024x4096xf8E4M3FN>, vector<4x4096xf32> -> vector<4x4096xf32>
    %mul3A_887 = arith.constant 6.10351563E-5 : f32
    %mul3A_888 = vector.broadcast %mul3A_887 : f32 to vector<4x4096xf32>
    %mul3A_889 = arith.mulf %dot_general3A_886, %mul3A_888 : vector<4x4096xf32>
    %add3A_890 = arith.addf %convert_element_type3A_884, %mul3A_889 : vector<4x4096xf32>
    %slice3A_891 = vector.extract_strided_slice %add3A_890 {offsets = [0, 0], sizes = [4, 1024], strides = [1, 1]} : vector<4x4096xf32> to vector<4x1024xf32>
    %logistic3A_892 = arith.negf %slice3A_891 : vector<4x1024xf32>
    %logistic3A_893 = math.exp %logistic3A_892 : vector<4x1024xf32>
    %logistic3A_894 = arith.constant 1.000000e+00 : f32
    %logistic3A_895 = vector.broadcast %logistic3A_894 : f32 to vector<4x1024xf32>
    %logistic3A_896 = arith.addf %logistic3A_895, %logistic3A_893 : vector<4x1024xf32>
    %logistic3A_897 = arith.divf %logistic3A_895, %logistic3A_896 : vector<4x1024xf32>
    %slice3A_898 = vector.extract_strided_slice %add3A_890 {offsets = [0, 1024], sizes = [4, 1024], strides = [1, 1]} : vector<4x4096xf32> to vector<4x1024xf32>
    %logistic3A_899 = arith.negf %slice3A_898 : vector<4x1024xf32>
    %logistic3A_900 = math.exp %logistic3A_899 : vector<4x1024xf32>
    %logistic3A_901 = arith.constant 1.000000e+00 : f32
    %logistic3A_902 = vector.broadcast %logistic3A_901 : f32 to vector<4x1024xf32>
    %logistic3A_903 = arith.addf %logistic3A_902, %logistic3A_900 : vector<4x1024xf32>
    %logistic3A_904 = arith.divf %logistic3A_902, %logistic3A_903 : vector<4x1024xf32>
    %slice3A_905 = vector.extract_strided_slice %add3A_890 {offsets = [0, 2048], sizes = [4, 1024], strides = [1, 1]} : vector<4x4096xf32> to vector<4x1024xf32>
    %tanh3A_906 = math.tanh %slice3A_905 : vector<4x1024xf32>
    %slice3A_907 = vector.extract_strided_slice %add3A_890 {offsets = [0, 3072], sizes = [4, 1024], strides = [1, 1]} : vector<4x4096xf32> to vector<4x1024xf32>
    %logistic3A_908 = arith.negf %slice3A_907 : vector<4x1024xf32>
    %logistic3A_909 = math.exp %logistic3A_908 : vector<4x1024xf32>
    %logistic3A_910 = arith.constant 1.000000e+00 : f32
    %logistic3A_911 = vector.broadcast %logistic3A_910 : f32 to vector<4x1024xf32>
    %logistic3A_912 = arith.addf %logistic3A_911, %logistic3A_909 : vector<4x1024xf32>
    %logistic3A_913 = arith.divf %logistic3A_911, %logistic3A_912 : vector<4x1024xf32>
    %mul3A_914 = arith.mulf %logistic3A_904, %add3A_870 : vector<4x1024xf32>
    %mul3A_915 = arith.mulf %logistic3A_897, %tanh3A_906 : vector<4x1024xf32>
    %add3A_916 = arith.addf %mul3A_914, %mul3A_915 : vector<4x1024xf32>
    %tanh3A_917 = math.tanh %add3A_916 : vector<4x1024xf32>
    %mul3A_918 = arith.mulf %logistic3A_913, %tanh3A_917 : vector<4x1024xf32>
    %convert_element_type3A_919 = arith.truncf %mul3A_918 : vector<4x1024xf32> to vector<4x1024xbf16>
    %swap3A_920 = arith.constant 76 : index
    %swap3A_921 = arith.constant 0 : index
    %swap3A_922 = vector.load %arg3[%swap3A_920, %swap3A_921] : memref<128x1024xbf16, #tpu.memory_space<vmem>>, vector<4x1024xbf16>
    tpu.vector_store %arg3[%swap3A_920, %swap3A_921], %convert_element_type3A_919 {strides = array<i32>} : memref<128x1024xbf16, #tpu.memory_space<vmem>>, vector<4x1024xbf16>,
    %mul3A_923 = arith.constant 2.560000e+02 : f32
    %mul3A_924 = vector.broadcast %mul3A_923 : f32 to vector<4x1024xf32>
    %mul3A_925 = arith.mulf %mul3A_918, %mul3A_924 : vector<4x1024xf32>
    %convert_element_type3A_926 = arith.truncf %mul3A_925 : vector<4x1024xf32> to vector<4x1024xf8E4M3FN>
    %get3A_927 = arith.constant 80 : index
    %get3A_928 = arith.constant 0 : index
    %get3A_929 = vector.load %arg1[%get3A_927, %get3A_928] : memref<128x4096xbf16, #tpu.memory_space<vmem>>, vector<4x4096xbf16>
    %convert_element_type3A_930 = arith.extf %get3A_929 : vector<4x4096xbf16> to vector<4x4096xf32>
    %dot_general3A_931 = arith.constant dense<0.000000e+00> : vector<4x4096xf32>
    %dot_general3A_932 = tpu.matmul %convert_element_type3A_926, %get3A_9, %dot_general3A_931 {dimension_numbers = #tpu.dot_dimension_numbers<[1], [0], [0], [1], [0, 0, 1, 1], [], []>, transpose_lhs_hint = false} : vector<4x1024xf8E4M3FN>, vector<1024x4096xf8E4M3FN>, vector<4x4096xf32> -> vector<4x4096xf32>
    %mul3A_933 = arith.constant 6.10351563E-5 : f32
    %mul3A_934 = vector.broadcast %mul3A_933 : f32 to vector<4x4096xf32>
    %mul3A_935 = arith.mulf %dot_general3A_932, %mul3A_934 : vector<4x4096xf32>
    %add3A_936 = arith.addf %convert_element_type3A_930, %mul3A_935 : vector<4x4096xf32>
    %slice3A_937 = vector.extract_strided_slice %add3A_936 {offsets = [0, 0], sizes = [4, 1024], strides = [1, 1]} : vector<4x4096xf32> to vector<4x1024xf32>
    %logistic3A_938 = arith.negf %slice3A_937 : vector<4x1024xf32>
    %logistic3A_939 = math.exp %logistic3A_938 : vector<4x1024xf32>
    %logistic3A_940 = arith.constant 1.000000e+00 : f32
    %logistic3A_941 = vector.broadcast %logistic3A_940 : f32 to vector<4x1024xf32>
    %logistic3A_942 = arith.addf %logistic3A_941, %logistic3A_939 : vector<4x1024xf32>
    %logistic3A_943 = arith.divf %logistic3A_941, %logistic3A_942 : vector<4x1024xf32>
    %slice3A_944 = vector.extract_strided_slice %add3A_936 {offsets = [0, 1024], sizes = [4, 1024], strides = [1, 1]} : vector<4x4096xf32> to vector<4x1024xf32>
    %logistic3A_945 = arith.negf %slice3A_944 : vector<4x1024xf32>
    %logistic3A_946 = math.exp %logistic3A_945 : vector<4x1024xf32>
    %logistic3A_947 = arith.constant 1.000000e+00 : f32
    %logistic3A_948 = vector.broadcast %logistic3A_947 : f32 to vector<4x1024xf32>
    %logistic3A_949 = arith.addf %logistic3A_948, %logistic3A_946 : vector<4x1024xf32>
    %logistic3A_950 = arith.divf %logistic3A_948, %logistic3A_949 : vector<4x1024xf32>
    %slice3A_951 = vector.extract_strided_slice %add3A_936 {offsets = [0, 2048], sizes = [4, 1024], strides = [1, 1]} : vector<4x4096xf32> to vector<4x1024xf32>
    %tanh3A_952 = math.tanh %slice3A_951 : vector<4x1024xf32>
    %slice3A_953 = vector.extract_strided_slice %add3A_936 {offsets = [0, 3072], sizes = [4, 1024], strides = [1, 1]} : vector<4x4096xf32> to vector<4x1024xf32>
    %logistic3A_954 = arith.negf %slice3A_953 : vector<4x1024xf32>
    %logistic3A_955 = math.exp %logistic3A_954 : vector<4x1024xf32>
    %logistic3A_956 = arith.constant 1.000000e+00 : f32
    %logistic3A_957 = vector.broadcast %logistic3A_956 : f32 to vector<4x1024xf32>
    %logistic3A_958 = arith.addf %logistic3A_957, %logistic3A_955 : vector<4x1024xf32>
    %logistic3A_959 = arith.divf %logistic3A_957, %logistic3A_958 : vector<4x1024xf32>
    %mul3A_960 = arith.mulf %logistic3A_950, %add3A_916 : vector<4x1024xf32>
    %mul3A_961 = arith.mulf %logistic3A_943, %tanh3A_952 : vector<4x1024xf32>
    %add3A_962 = arith.addf %mul3A_960, %mul3A_961 : vector<4x1024xf32>
    %tanh3A_963 = math.tanh %add3A_962 : vector<4x1024xf32>
    %mul3A_964 = arith.mulf %logistic3A_959, %tanh3A_963 : vector<4x1024xf32>
    %convert_element_type3A_965 = arith.truncf %mul3A_964 : vector<4x1024xf32> to vector<4x1024xbf16>
    %swap3A_966 = arith.constant 80 : index
    %swap3A_967 = arith.constant 0 : index
    %swap3A_968 = vector.load %arg3[%swap3A_966, %swap3A_967] : memref<128x1024xbf16, #tpu.memory_space<vmem>>, vector<4x1024xbf16>
    tpu.vector_store %arg3[%swap3A_966, %swap3A_967], %convert_element_type3A_965 {strides = array<i32>} : memref<128x1024xbf16, #tpu.memory_space<vmem>>, vector<4x1024xbf16>,
    %mul3A_969 = arith.constant 2.560000e+02 : f32
    %mul3A_970 = vector.broadcast %mul3A_969 : f32 to vector<4x1024xf32>
    %mul3A_971 = arith.mulf %mul3A_964, %mul3A_970 : vector<4x1024xf32>
    %convert_element_type3A_972 = arith.truncf %mul3A_971 : vector<4x1024xf32> to vector<4x1024xf8E4M3FN>
    %get3A_973 = arith.constant 84 : index
    %get3A_974 = arith.constant 0 : index
    %get3A_975 = vector.load %arg1[%get3A_973, %get3A_974] : memref<128x4096xbf16, #tpu.memory_space<vmem>>, vector<4x4096xbf16>
    %convert_element_type3A_976 = arith.extf %get3A_975 : vector<4x4096xbf16> to vector<4x4096xf32>
    %dot_general3A_977 = arith.constant dense<0.000000e+00> : vector<4x4096xf32>
    %dot_general3A_978 = tpu.matmul %convert_element_type3A_972, %get3A_9, %dot_general3A_977 {dimension_numbers = #tpu.dot_dimension_numbers<[1], [0], [0], [1], [0, 0, 1, 1], [], []>, transpose_lhs_hint = false} : vector<4x1024xf8E4M3FN>, vector<1024x4096xf8E4M3FN>, vector<4x4096xf32> -> vector<4x4096xf32>
    %mul3A_979 = arith.constant 6.10351563E-5 : f32
    %mul3A_980 = vector.broadcast %mul3A_979 : f32 to vector<4x4096xf32>
    %mul3A_981 = arith.mulf %dot_general3A_978, %mul3A_980 : vector<4x4096xf32>
    %add3A_982 = arith.addf %convert_element_type3A_976, %mul3A_981 : vector<4x4096xf32>
    %slice3A_983 = vector.extract_strided_slice %add3A_982 {offsets = [0, 0], sizes = [4, 1024], strides = [1, 1]} : vector<4x4096xf32> to vector<4x1024xf32>
    %logistic3A_984 = arith.negf %slice3A_983 : vector<4x1024xf32>
    %logistic3A_985 = math.exp %logistic3A_984 : vector<4x1024xf32>
    %logistic3A_986 = arith.constant 1.000000e+00 : f32
    %logistic3A_987 = vector.broadcast %logistic3A_986 : f32 to vector<4x1024xf32>
    %logistic3A_988 = arith.addf %logistic3A_987, %logistic3A_985 : vector<4x1024xf32>
    %logistic3A_989 = arith.divf %logistic3A_987, %logistic3A_988 : vector<4x1024xf32>
    %slice3A_990 = vector.extract_strided_slice %add3A_982 {offsets = [0, 1024], sizes = [4, 1024], strides = [1, 1]} : vector<4x4096xf32> to vector<4x1024xf32>
    %logistic3A_991 = arith.negf %slice3A_990 : vector<4x1024xf32>
    %logistic3A_992 = math.exp %logistic3A_991 : vector<4x1024xf32>
    %logistic3A_993 = arith.constant 1.000000e+00 : f32
    %logistic3A_994 = vector.broadcast %logistic3A_993 : f32 to vector<4x1024xf32>
    %logistic3A_995 = arith.addf %logistic3A_994, %logistic3A_992 : vector<4x1024xf32>
    %logistic3A_996 = arith.divf %logistic3A_994, %logistic3A_995 : vector<4x1024xf32>
    %slice3A_997 = vector.extract_strided_slice %add3A_982 {offsets = [0, 2048], sizes = [4, 1024], strides = [1, 1]} : vector<4x4096xf32> to vector<4x1024xf32>
    %tanh3A_998 = math.tanh %slice3A_997 : vector<4x1024xf32>
    %slice3A_999 = vector.extract_strided_slice %add3A_982 {offsets = [0, 3072], sizes = [4, 1024], strides = [1, 1]} : vector<4x4096xf32> to vector<4x1024xf32>
    %logistic3A_1000 = arith.negf %slice3A_999 : vector<4x1024xf32>
    %logistic3A_1001 = math.exp %logistic3A_1000 : vector<4x1024xf32>
    %logistic3A_1002 = arith.constant 1.000000e+00 : f32
    %logistic3A_1003 = vector.broadcast %logistic3A_1002 : f32 to vector<4x1024xf32>
    %logistic3A_1004 = arith.addf %logistic3A_1003, %logistic3A_1001 : vector<4x1024xf32>
    %logistic3A_1005 = arith.divf %logistic3A_1003, %logistic3A_1004 : vector<4x1024xf32>
    %mul3A_1006 = arith.mulf %logistic3A_996, %add3A_962 : vector<4x1024xf32>
    %mul3A_1007 = arith.mulf %logistic3A_989, %tanh3A_998 : vector<4x1024xf32>
    %add3A_1008 = arith.addf %mul3A_1006, %mul3A_1007 : vector<4x1024xf32>
    %tanh3A_1009 = math.tanh %add3A_1008 : vector<4x1024xf32>
    %mul3A_1010 = arith.mulf %logistic3A_1005, %tanh3A_1009 : vector<4x1024xf32>
    %convert_element_type3A_1011 = arith.truncf %mul3A_1010 : vector<4x1024xf32> to vector<4x1024xbf16>
    %swap3A_1012 = arith.constant 84 : index
    %swap3A_1013 = arith.constant 0 : index
    %swap3A_1014 = vector.load %arg3[%swap3A_1012, %swap3A_1013] : memref<128x1024xbf16, #tpu.memory_space<vmem>>, vector<4x1024xbf16>
    tpu.vector_store %arg3[%swap3A_1012, %swap3A_1013], %convert_element_type3A_1011 {strides = array<i32>} : memref<128x1024xbf16, #tpu.memory_space<vmem>>, vector<4x1024xbf16>,
    %mul3A_1015 = arith.constant 2.560000e+02 : f32
    %mul3A_1016 = vector.broadcast %mul3A_1015 : f32 to vector<4x1024xf32>
    %mul3A_1017 = arith.mulf %mul3A_1010, %mul3A_1016 : vector<4x1024xf32>
    %convert_element_type3A_1018 = arith.truncf %mul3A_1017 : vector<4x1024xf32> to vector<4x1024xf8E4M3FN>
    %get3A_1019 = arith.constant 88 : index
    %get3A_1020 = arith.constant 0 : index
    %get3A_1021 = vector.load %arg1[%get3A_1019, %get3A_1020] : memref<128x4096xbf16, #tpu.memory_space<vmem>>, vector<4x4096xbf16>
    %convert_element_type3A_1022 = arith.extf %get3A_1021 : vector<4x4096xbf16> to vector<4x4096xf32>
    %dot_general3A_1023 = arith.constant dense<0.000000e+00> : vector<4x4096xf32>
    %dot_general3A_1024 = tpu.matmul %convert_element_type3A_1018, %get3A_9, %dot_general3A_1023 {dimension_numbers = #tpu.dot_dimension_numbers<[1], [0], [0], [1], [0, 0, 1, 1], [], []>, transpose_lhs_hint = false} : vector<4x1024xf8E4M3FN>, vector<1024x4096xf8E4M3FN>, vector<4x4096xf32> -> vector<4x4096xf32>
    %mul3A_1025 = arith.constant 6.10351563E-5 : f32
    %mul3A_1026 = vector.broadcast %mul3A_1025 : f32 to vector<4x4096xf32>
    %mul3A_1027 = arith.mulf %dot_general3A_1024, %mul3A_1026 : vector<4x4096xf32>
    %add3A_1028 = arith.addf %convert_element_type3A_1022, %mul3A_1027 : vector<4x4096xf32>
    %slice3A_1029 = vector.extract_strided_slice %add3A_1028 {offsets = [0, 0], sizes = [4, 1024], strides = [1, 1]} : vector<4x4096xf32> to vector<4x1024xf32>
    %logistic3A_1030 = arith.negf %slice3A_1029 : vector<4x1024xf32>
    %logistic3A_1031 = math.exp %logistic3A_1030 : vector<4x1024xf32>
    %logistic3A_1032 = arith.constant 1.000000e+00 : f32
    %logistic3A_1033 = vector.broadcast %logistic3A_1032 : f32 to vector<4x1024xf32>
    %logistic3A_1034 = arith.addf %logistic3A_1033, %logistic3A_1031 : vector<4x1024xf32>
    %logistic3A_1035 = arith.divf %logistic3A_1033, %logistic3A_1034 : vector<4x1024xf32>
    %slice3A_1036 = vector.extract_strided_slice %add3A_1028 {offsets = [0, 1024], sizes = [4, 1024], strides = [1, 1]} : vector<4x4096xf32> to vector<4x1024xf32>
    %logistic3A_1037 = arith.negf %slice3A_1036 : vector<4x1024xf32>
    %logistic3A_1038 = math.exp %logistic3A_1037 : vector<4x1024xf32>
    %logistic3A_1039 = arith.constant 1.000000e+00 : f32
    %logistic3A_1040 = vector.broadcast %logistic3A_1039 : f32 to vector<4x1024xf32>
    %logistic3A_1041 = arith.addf %logistic3A_1040, %logistic3A_1038 : vector<4x1024xf32>
    %logistic3A_1042 = arith.divf %logistic3A_1040, %logistic3A_1041 : vector<4x1024xf32>
    %slice3A_1043 = vector.extract_strided_slice %add3A_1028 {offsets = [0, 2048], sizes = [4, 1024], strides = [1, 1]} : vector<4x4096xf32> to vector<4x1024xf32>
    %tanh3A_1044 = math.tanh %slice3A_1043 : vector<4x1024xf32>
    %slice3A_1045 = vector.extract_strided_slice %add3A_1028 {offsets = [0, 3072], sizes = [4, 1024], strides = [1, 1]} : vector<4x4096xf32> to vector<4x1024xf32>
    %logistic3A_1046 = arith.negf %slice3A_1045 : vector<4x1024xf32>
    %logistic3A_1047 = math.exp %logistic3A_1046 : vector<4x1024xf32>
    %logistic3A_1048 = arith.constant 1.000000e+00 : f32
    %logistic3A_1049 = vector.broadcast %logistic3A_1048 : f32 to vector<4x1024xf32>
    %logistic3A_1050 = arith.addf %logistic3A_1049, %logistic3A_1047 : vector<4x1024xf32>
    %logistic3A_1051 = arith.divf %logistic3A_1049, %logistic3A_1050 : vector<4x1024xf32>
    %mul3A_1052 = arith.mulf %logistic3A_1042, %add3A_1008 : vector<4x1024xf32>
    %mul3A_1053 = arith.mulf %logistic3A_1035, %tanh3A_1044 : vector<4x1024xf32>
    %add3A_1054 = arith.addf %mul3A_1052, %mul3A_1053 : vector<4x1024xf32>
    %tanh3A_1055 = math.tanh %add3A_1054 : vector<4x1024xf32>
    %mul3A_1056 = arith.mulf %logistic3A_1051, %tanh3A_1055 : vector<4x1024xf32>
    %convert_element_type3A_1057 = arith.truncf %mul3A_1056 : vector<4x1024xf32> to vector<4x1024xbf16>
    %swap3A_1058 = arith.constant 88 : index
    %swap3A_1059 = arith.constant 0 : index
    %swap3A_1060 = vector.load %arg3[%swap3A_1058, %swap3A_1059] : memref<128x1024xbf16, #tpu.memory_space<vmem>>, vector<4x1024xbf16>
    tpu.vector_store %arg3[%swap3A_1058, %swap3A_1059], %convert_element_type3A_1057 {strides = array<i32>} : memref<128x1024xbf16, #tpu.memory_space<vmem>>, vector<4x1024xbf16>,
    %mul3A_1061 = arith.constant 2.560000e+02 : f32
    %mul3A_1062 = vector.broadcast %mul3A_1061 : f32 to vector<4x1024xf32>
    %mul3A_1063 = arith.mulf %mul3A_1056, %mul3A_1062 : vector<4x1024xf32>
    %convert_element_type3A_1064 = arith.truncf %mul3A_1063 : vector<4x1024xf32> to vector<4x1024xf8E4M3FN>
    %get3A_1065 = arith.constant 92 : index
    %get3A_1066 = arith.constant 0 : index
    %get3A_1067 = vector.load %arg1[%get3A_1065, %get3A_1066] : memref<128x4096xbf16, #tpu.memory_space<vmem>>, vector<4x4096xbf16>
    %convert_element_type3A_1068 = arith.extf %get3A_1067 : vector<4x4096xbf16> to vector<4x4096xf32>
    %dot_general3A_1069 = arith.constant dense<0.000000e+00> : vector<4x4096xf32>
    %dot_general3A_1070 = tpu.matmul %convert_element_type3A_1064, %get3A_9, %dot_general3A_1069 {dimension_numbers = #tpu.dot_dimension_numbers<[1], [0], [0], [1], [0, 0, 1, 1], [], []>, transpose_lhs_hint = false} : vector<4x1024xf8E4M3FN>, vector<1024x4096xf8E4M3FN>, vector<4x4096xf32> -> vector<4x4096xf32>
    %mul3A_1071 = arith.constant 6.10351563E-5 : f32
    %mul3A_1072 = vector.broadcast %mul3A_1071 : f32 to vector<4x4096xf32>
    %mul3A_1073 = arith.mulf %dot_general3A_1070, %mul3A_1072 : vector<4x4096xf32>
    %add3A_1074 = arith.addf %convert_element_type3A_1068, %mul3A_1073 : vector<4x4096xf32>
    %slice3A_1075 = vector.extract_strided_slice %add3A_1074 {offsets = [0, 0], sizes = [4, 1024], strides = [1, 1]} : vector<4x4096xf32> to vector<4x1024xf32>
    %logistic3A_1076 = arith.negf %slice3A_1075 : vector<4x1024xf32>
    %logistic3A_1077 = math.exp %logistic3A_1076 : vector<4x1024xf32>
    %logistic3A_1078 = arith.constant 1.000000e+00 : f32
    %logistic3A_1079 = vector.broadcast %logistic3A_1078 : f32 to vector<4x1024xf32>
    %logistic3A_1080 = arith.addf %logistic3A_1079, %logistic3A_1077 : vector<4x1024xf32>
    %logistic3A_1081 = arith.divf %logistic3A_1079, %logistic3A_1080 : vector<4x1024xf32>
    %slice3A_1082 = vector.extract_strided_slice %add3A_1074 {offsets = [0, 1024], sizes = [4, 1024], strides = [1, 1]} : vector<4x4096xf32> to vector<4x1024xf32>
    %logistic3A_1083 = arith.negf %slice3A_1082 : vector<4x1024xf32>
    %logistic3A_1084 = math.exp %logistic3A_1083 : vector<4x1024xf32>
    %logistic3A_1085 = arith.constant 1.000000e+00 : f32
    %logistic3A_1086 = vector.broadcast %logistic3A_1085 : f32 to vector<4x1024xf32>
    %logistic3A_1087 = arith.addf %logistic3A_1086, %logistic3A_1084 : vector<4x1024xf32>
    %logistic3A_1088 = arith.divf %logistic3A_1086, %logistic3A_1087 : vector<4x1024xf32>
    %slice3A_1089 = vector.extract_strided_slice %add3A_1074 {offsets = [0, 2048], sizes = [4, 1024], strides = [1, 1]} : vector<4x4096xf32> to vector<4x1024xf32>
    %tanh3A_1090 = math.tanh %slice3A_1089 : vector<4x1024xf32>
    %slice3A_1091 = vector.extract_strided_slice %add3A_1074 {offsets = [0, 3072], sizes = [4, 1024], strides = [1, 1]} : vector<4x4096xf32> to vector<4x1024xf32>
    %logistic3A_1092 = arith.negf %slice3A_1091 : vector<4x1024xf32>
    %logistic3A_1093 = math.exp %logistic3A_1092 : vector<4x1024xf32>
    %logistic3A_1094 = arith.constant 1.000000e+00 : f32
    %logistic3A_1095 = vector.broadcast %logistic3A_1094 : f32 to vector<4x1024xf32>
    %logistic3A_1096 = arith.addf %logistic3A_1095, %logistic3A_1093 : vector<4x1024xf32>
    %logistic3A_1097 = arith.divf %logistic3A_1095, %logistic3A_1096 : vector<4x1024xf32>
    %mul3A_1098 = arith.mulf %logistic3A_1088, %add3A_1054 : vector<4x1024xf32>
    %mul3A_1099 = arith.mulf %logistic3A_1081, %tanh3A_1090 : vector<4x1024xf32>
    %add3A_1100 = arith.addf %mul3A_1098, %mul3A_1099 : vector<4x1024xf32>
    %tanh3A_1101 = math.tanh %add3A_1100 : vector<4x1024xf32>
    %mul3A_1102 = arith.mulf %logistic3A_1097, %tanh3A_1101 : vector<4x1024xf32>
    %convert_element_type3A_1103 = arith.truncf %mul3A_1102 : vector<4x1024xf32> to vector<4x1024xbf16>
    %swap3A_1104 = arith.constant 92 : index
    %swap3A_1105 = arith.constant 0 : index
    %swap3A_1106 = vector.load %arg3[%swap3A_1104, %swap3A_1105] : memref<128x1024xbf16, #tpu.memory_space<vmem>>, vector<4x1024xbf16>
    tpu.vector_store %arg3[%swap3A_1104, %swap3A_1105], %convert_element_type3A_1103 {strides = array<i32>} : memref<128x1024xbf16, #tpu.memory_space<vmem>>, vector<4x1024xbf16>,
    %mul3A_1107 = arith.constant 2.560000e+02 : f32
    %mul3A_1108 = vector.broadcast %mul3A_1107 : f32 to vector<4x1024xf32>
    %mul3A_1109 = arith.mulf %mul3A_1102, %mul3A_1108 : vector<4x1024xf32>
    %convert_element_type3A_1110 = arith.truncf %mul3A_1109 : vector<4x1024xf32> to vector<4x1024xf8E4M3FN>
    %get3A_1111 = arith.constant 96 : index
    %get3A_1112 = arith.constant 0 : index
    %get3A_1113 = vector.load %arg1[%get3A_1111, %get3A_1112] : memref<128x4096xbf16, #tpu.memory_space<vmem>>, vector<4x4096xbf16>
    %convert_element_type3A_1114 = arith.extf %get3A_1113 : vector<4x4096xbf16> to vector<4x4096xf32>
    %dot_general3A_1115 = arith.constant dense<0.000000e+00> : vector<4x4096xf32>
    %dot_general3A_1116 = tpu.matmul %convert_element_type3A_1110, %get3A_9, %dot_general3A_1115 {dimension_numbers = #tpu.dot_dimension_numbers<[1], [0], [0], [1], [0, 0, 1, 1], [], []>, transpose_lhs_hint = false} : vector<4x1024xf8E4M3FN>, vector<1024x4096xf8E4M3FN>, vector<4x4096xf32> -> vector<4x4096xf32>
    %mul3A_1117 = arith.constant 6.10351563E-5 : f32
    %mul3A_1118 = vector.broadcast %mul3A_1117 : f32 to vector<4x4096xf32>
    %mul3A_1119 = arith.mulf %dot_general3A_1116, %mul3A_1118 : vector<4x4096xf32>
    %add3A_1120 = arith.addf %convert_element_type3A_1114, %mul3A_1119 : vector<4x4096xf32>
    %slice3A_1121 = vector.extract_strided_slice %add3A_1120 {offsets = [0, 0], sizes = [4, 1024], strides = [1, 1]} : vector<4x4096xf32> to vector<4x1024xf32>
    %logistic3A_1122 = arith.negf %slice3A_1121 : vector<4x1024xf32>
    %logistic3A_1123 = math.exp %logistic3A_1122 : vector<4x1024xf32>
    %logistic3A_1124 = arith.constant 1.000000e+00 : f32
    %logistic3A_1125 = vector.broadcast %logistic3A_1124 : f32 to vector<4x1024xf32>
    %logistic3A_1126 = arith.addf %logistic3A_1125, %logistic3A_1123 : vector<4x1024xf32>
    %logistic3A_1127 = arith.divf %logistic3A_1125, %logistic3A_1126 : vector<4x1024xf32>
    %slice3A_1128 = vector.extract_strided_slice %add3A_1120 {offsets = [0, 1024], sizes = [4, 1024], strides = [1, 1]} : vector<4x4096xf32> to vector<4x1024xf32>
    %logistic3A_1129 = arith.negf %slice3A_1128 : vector<4x1024xf32>
    %logistic3A_1130 = math.exp %logistic3A_1129 : vector<4x1024xf32>
    %logistic3A_1131 = arith.constant 1.000000e+00 : f32
    %logistic3A_1132 = vector.broadcast %logistic3A_1131 : f32 to vector<4x1024xf32>
    %logistic3A_1133 = arith.addf %logistic3A_1132, %logistic3A_1130 : vector<4x1024xf32>
    %logistic3A_1134 = arith.divf %logistic3A_1132, %logistic3A_1133 : vector<4x1024xf32>
    %slice3A_1135 = vector.extract_strided_slice %add3A_1120 {offsets = [0, 2048], sizes = [4, 1024], strides = [1, 1]} : vector<4x4096xf32> to vector<4x1024xf32>
    %tanh3A_1136 = math.tanh %slice3A_1135 : vector<4x1024xf32>
    %slice3A_1137 = vector.extract_strided_slice %add3A_1120 {offsets = [0, 3072], sizes = [4, 1024], strides = [1, 1]} : vector<4x4096xf32> to vector<4x1024xf32>
    %logistic3A_1138 = arith.negf %slice3A_1137 : vector<4x1024xf32>
    %logistic3A_1139 = math.exp %logistic3A_1138 : vector<4x1024xf32>
    %logistic3A_1140 = arith.constant 1.000000e+00 : f32
    %logistic3A_1141 = vector.broadcast %logistic3A_1140 : f32 to vector<4x1024xf32>
    %logistic3A_1142 = arith.addf %logistic3A_1141, %logistic3A_1139 : vector<4x1024xf32>
    %logistic3A_1143 = arith.divf %logistic3A_1141, %logistic3A_1142 : vector<4x1024xf32>
    %mul3A_1144 = arith.mulf %logistic3A_1134, %add3A_1100 : vector<4x1024xf32>
    %mul3A_1145 = arith.mulf %logistic3A_1127, %tanh3A_1136 : vector<4x1024xf32>
    %add3A_1146 = arith.addf %mul3A_1144, %mul3A_1145 : vector<4x1024xf32>
    %tanh3A_1147 = math.tanh %add3A_1146 : vector<4x1024xf32>
    %mul3A_1148 = arith.mulf %logistic3A_1143, %tanh3A_1147 : vector<4x1024xf32>
    %convert_element_type3A_1149 = arith.truncf %mul3A_1148 : vector<4x1024xf32> to vector<4x1024xbf16>
    %swap3A_1150 = arith.constant 96 : index
    %swap3A_1151 = arith.constant 0 : index
    %swap3A_1152 = vector.load %arg3[%swap3A_1150, %swap3A_1151] : memref<128x1024xbf16, #tpu.memory_space<vmem>>, vector<4x1024xbf16>
    tpu.vector_store %arg3[%swap3A_1150, %swap3A_1151], %convert_element_type3A_1149 {strides = array<i32>} : memref<128x1024xbf16, #tpu.memory_space<vmem>>, vector<4x1024xbf16>,
    %mul3A_1153 = arith.constant 2.560000e+02 : f32
    %mul3A_1154 = vector.broadcast %mul3A_1153 : f32 to vector<4x1024xf32>
    %mul3A_1155 = arith.mulf %mul3A_1148, %mul3A_1154 : vector<4x1024xf32>
    %convert_element_type3A_1156 = arith.truncf %mul3A_1155 : vector<4x1024xf32> to vector<4x1024xf8E4M3FN>
    %get3A_1157 = arith.constant 100 : index
    %get3A_1158 = arith.constant 0 : index
    %get3A_1159 = vector.load %arg1[%get3A_1157, %get3A_1158] : memref<128x4096xbf16, #tpu.memory_space<vmem>>, vector<4x4096xbf16>
    %convert_element_type3A_1160 = arith.extf %get3A_1159 : vector<4x4096xbf16> to vector<4x4096xf32>
    %dot_general3A_1161 = arith.constant dense<0.000000e+00> : vector<4x4096xf32>
    %dot_general3A_1162 = tpu.matmul %convert_element_type3A_1156, %get3A_9, %dot_general3A_1161 {dimension_numbers = #tpu.dot_dimension_numbers<[1], [0], [0], [1], [0, 0, 1, 1], [], []>, transpose_lhs_hint = false} : vector<4x1024xf8E4M3FN>, vector<1024x4096xf8E4M3FN>, vector<4x4096xf32> -> vector<4x4096xf32>
    %mul3A_1163 = arith.constant 6.10351563E-5 : f32
    %mul3A_1164 = vector.broadcast %mul3A_1163 : f32 to vector<4x4096xf32>
    %mul3A_1165 = arith.mulf %dot_general3A_1162, %mul3A_1164 : vector<4x4096xf32>
    %add3A_1166 = arith.addf %convert_element_type3A_1160, %mul3A_1165 : vector<4x4096xf32>
    %slice3A_1167 = vector.extract_strided_slice %add3A_1166 {offsets = [0, 0], sizes = [4, 1024], strides = [1, 1]} : vector<4x4096xf32> to vector<4x1024xf32>
    %logistic3A_1168 = arith.negf %slice3A_1167 : vector<4x1024xf32>
    %logistic3A_1169 = math.exp %logistic3A_1168 : vector<4x1024xf32>
    %logistic3A_1170 = arith.constant 1.000000e+00 : f32
    %logistic3A_1171 = vector.broadcast %logistic3A_1170 : f32 to vector<4x1024xf32>
    %logistic3A_1172 = arith.addf %logistic3A_1171, %logistic3A_1169 : vector<4x1024xf32>
    %logistic3A_1173 = arith.divf %logistic3A_1171, %logistic3A_1172 : vector<4x1024xf32>
    %slice3A_1174 = vector.extract_strided_slice %add3A_1166 {offsets = [0, 1024], sizes = [4, 1024], strides = [1, 1]} : vector<4x4096xf32> to vector<4x1024xf32>
    %logistic3A_1175 = arith.negf %slice3A_1174 : vector<4x1024xf32>
    %logistic3A_1176 = math.exp %logistic3A_1175 : vector<4x1024xf32>
    %logistic3A_1177 = arith.constant 1.000000e+00 : f32
    %logistic3A_1178 = vector.broadcast %logistic3A_1177 : f32 to vector<4x1024xf32>
    %logistic3A_1179 = arith.addf %logistic3A_1178, %logistic3A_1176 : vector<4x1024xf32>
    %logistic3A_1180 = arith.divf %logistic3A_1178, %logistic3A_1179 : vector<4x1024xf32>
    %slice3A_1181 = vector.extract_strided_slice %add3A_1166 {offsets = [0, 2048], sizes = [4, 1024], strides = [1, 1]} : vector<4x4096xf32> to vector<4x1024xf32>
    %tanh3A_1182 = math.tanh %slice3A_1181 : vector<4x1024xf32>
    %slice3A_1183 = vector.extract_strided_slice %add3A_1166 {offsets = [0, 3072], sizes = [4, 1024], strides = [1, 1]} : vector<4x4096xf32> to vector<4x1024xf32>
    %logistic3A_1184 = arith.negf %slice3A_1183 : vector<4x1024xf32>
    %logistic3A_1185 = math.exp %logistic3A_1184 : vector<4x1024xf32>
    %logistic3A_1186 = arith.constant 1.000000e+00 : f32
    %logistic3A_1187 = vector.broadcast %logistic3A_1186 : f32 to vector<4x1024xf32>
    %logistic3A_1188 = arith.addf %logistic3A_1187, %logistic3A_1185 : vector<4x1024xf32>
    %logistic3A_1189 = arith.divf %logistic3A_1187, %logistic3A_1188 : vector<4x1024xf32>
    %mul3A_1190 = arith.mulf %logistic3A_1180, %add3A_1146 : vector<4x1024xf32>
    %mul3A_1191 = arith.mulf %logistic3A_1173, %tanh3A_1182 : vector<4x1024xf32>
    %add3A_1192 = arith.addf %mul3A_1190, %mul3A_1191 : vector<4x1024xf32>
    %tanh3A_1193 = math.tanh %add3A_1192 : vector<4x1024xf32>
    %mul3A_1194 = arith.mulf %logistic3A_1189, %tanh3A_1193 : vector<4x1024xf32>
    %convert_element_type3A_1195 = arith.truncf %mul3A_1194 : vector<4x1024xf32> to vector<4x1024xbf16>
    %swap3A_1196 = arith.constant 100 : index
    %swap3A_1197 = arith.constant 0 : index
    %swap3A_1198 = vector.load %arg3[%swap3A_1196, %swap3A_1197] : memref<128x1024xbf16, #tpu.memory_space<vmem>>, vector<4x1024xbf16>
    tpu.vector_store %arg3[%swap3A_1196, %swap3A_1197], %convert_element_type3A_1195 {strides = array<i32>} : memref<128x1024xbf16, #tpu.memory_space<vmem>>, vector<4x1024xbf16>,
    %mul3A_1199 = arith.constant 2.560000e+02 : f32
    %mul3A_1200 = vector.broadcast %mul3A_1199 : f32 to vector<4x1024xf32>
    %mul3A_1201 = arith.mulf %mul3A_1194, %mul3A_1200 : vector<4x1024xf32>
    %convert_element_type3A_1202 = arith.truncf %mul3A_1201 : vector<4x1024xf32> to vector<4x1024xf8E4M3FN>
    %get3A_1203 = arith.constant 104 : index
    %get3A_1204 = arith.constant 0 : index
    %get3A_1205 = vector.load %arg1[%get3A_1203, %get3A_1204] : memref<128x4096xbf16, #tpu.memory_space<vmem>>, vector<4x4096xbf16>
    %convert_element_type3A_1206 = arith.extf %get3A_1205 : vector<4x4096xbf16> to vector<4x4096xf32>
    %dot_general3A_1207 = arith.constant dense<0.000000e+00> : vector<4x4096xf32>
    %dot_general3A_1208 = tpu.matmul %convert_element_type3A_1202, %get3A_9, %dot_general3A_1207 {dimension_numbers = #tpu.dot_dimension_numbers<[1], [0], [0], [1], [0, 0, 1, 1], [], []>, transpose_lhs_hint = false} : vector<4x1024xf8E4M3FN>, vector<1024x4096xf8E4M3FN>, vector<4x4096xf32> -> vector<4x4096xf32>
    %mul3A_1209 = arith.constant 6.10351563E-5 : f32
    %mul3A_1210 = vector.broadcast %mul3A_1209 : f32 to vector<4x4096xf32>
    %mul3A_1211 = arith.mulf %dot_general3A_1208, %mul3A_1210 : vector<4x4096xf32>
    %add3A_1212 = arith.addf %convert_element_type3A_1206, %mul3A_1211 : vector<4x4096xf32>
    %slice3A_1213 = vector.extract_strided_slice %add3A_1212 {offsets = [0, 0], sizes = [4, 1024], strides = [1, 1]} : vector<4x4096xf32> to vector<4x1024xf32>
    %logistic3A_1214 = arith.negf %slice3A_1213 : vector<4x1024xf32>
    %logistic3A_1215 = math.exp %logistic3A_1214 : vector<4x1024xf32>
    %logistic3A_1216 = arith.constant 1.000000e+00 : f32
    %logistic3A_1217 = vector.broadcast %logistic3A_1216 : f32 to vector<4x1024xf32>
    %logistic3A_1218 = arith.addf %logistic3A_1217, %logistic3A_1215 : vector<4x1024xf32>
    %logistic3A_1219 = arith.divf %logistic3A_1217, %logistic3A_1218 : vector<4x1024xf32>
    %slice3A_1220 = vector.extract_strided_slice %add3A_1212 {offsets = [0, 1024], sizes = [4, 1024], strides = [1, 1]} : vector<4x4096xf32> to vector<4x1024xf32>
    %logistic3A_1221 = arith.negf %slice3A_1220 : vector<4x1024xf32>
    %logistic3A_1222 = math.exp %logistic3A_1221 : vector<4x1024xf32>
    %logistic3A_1223 = arith.constant 1.000000e+00 : f32
    %logistic3A_1224 = vector.broadcast %logistic3A_1223 : f32 to vector<4x1024xf32>
    %logistic3A_1225 = arith.addf %logistic3A_1224, %logistic3A_1222 : vector<4x1024xf32>
    %logistic3A_1226 = arith.divf %logistic3A_1224, %logistic3A_1225 : vector<4x1024xf32>
    %slice3A_1227 = vector.extract_strided_slice %add3A_1212 {offsets = [0, 2048], sizes = [4, 1024], strides = [1, 1]} : vector<4x4096xf32> to vector<4x1024xf32>
    %tanh3A_1228 = math.tanh %slice3A_1227 : vector<4x1024xf32>
    %slice3A_1229 = vector.extract_strided_slice %add3A_1212 {offsets = [0, 3072], sizes = [4, 1024], strides = [1, 1]} : vector<4x4096xf32> to vector<4x1024xf32>
    %logistic3A_1230 = arith.negf %slice3A_1229 : vector<4x1024xf32>
    %logistic3A_1231 = math.exp %logistic3A_1230 : vector<4x1024xf32>
    %logistic3A_1232 = arith.constant 1.000000e+00 : f32
    %logistic3A_1233 = vector.broadcast %logistic3A_1232 : f32 to vector<4x1024xf32>
    %logistic3A_1234 = arith.addf %logistic3A_1233, %logistic3A_1231 : vector<4x1024xf32>
    %logistic3A_1235 = arith.divf %logistic3A_1233, %logistic3A_1234 : vector<4x1024xf32>
    %mul3A_1236 = arith.mulf %logistic3A_1226, %add3A_1192 : vector<4x1024xf32>
    %mul3A_1237 = arith.mulf %logistic3A_1219, %tanh3A_1228 : vector<4x1024xf32>
    %add3A_1238 = arith.addf %mul3A_1236, %mul3A_1237 : vector<4x1024xf32>
    %tanh3A_1239 = math.tanh %add3A_1238 : vector<4x1024xf32>
    %mul3A_1240 = arith.mulf %logistic3A_1235, %tanh3A_1239 : vector<4x1024xf32>
    %convert_element_type3A_1241 = arith.truncf %mul3A_1240 : vector<4x1024xf32> to vector<4x1024xbf16>
    %swap3A_1242 = arith.constant 104 : index
    %swap3A_1243 = arith.constant 0 : index
    %swap3A_1244 = vector.load %arg3[%swap3A_1242, %swap3A_1243] : memref<128x1024xbf16, #tpu.memory_space<vmem>>, vector<4x1024xbf16>
    tpu.vector_store %arg3[%swap3A_1242, %swap3A_1243], %convert_element_type3A_1241 {strides = array<i32>} : memref<128x1024xbf16, #tpu.memory_space<vmem>>, vector<4x1024xbf16>,
    %mul3A_1245 = arith.constant 2.560000e+02 : f32
    %mul3A_1246 = vector.broadcast %mul3A_1245 : f32 to vector<4x1024xf32>
    %mul3A_1247 = arith.mulf %mul3A_1240, %mul3A_1246 : vector<4x1024xf32>
    %convert_element_type3A_1248 = arith.truncf %mul3A_1247 : vector<4x1024xf32> to vector<4x1024xf8E4M3FN>
    %get3A_1249 = arith.constant 108 : index
    %get3A_1250 = arith.constant 0 : index
    %get3A_1251 = vector.load %arg1[%get3A_1249, %get3A_1250] : memref<128x4096xbf16, #tpu.memory_space<vmem>>, vector<4x4096xbf16>
    %convert_element_type3A_1252 = arith.extf %get3A_1251 : vector<4x4096xbf16> to vector<4x4096xf32>
    %dot_general3A_1253 = arith.constant dense<0.000000e+00> : vector<4x4096xf32>
    %dot_general3A_1254 = tpu.matmul %convert_element_type3A_1248, %get3A_9, %dot_general3A_1253 {dimension_numbers = #tpu.dot_dimension_numbers<[1], [0], [0], [1], [0, 0, 1, 1], [], []>, transpose_lhs_hint = false} : vector<4x1024xf8E4M3FN>, vector<1024x4096xf8E4M3FN>, vector<4x4096xf32> -> vector<4x4096xf32>
    %mul3A_1255 = arith.constant 6.10351563E-5 : f32
    %mul3A_1256 = vector.broadcast %mul3A_1255 : f32 to vector<4x4096xf32>
    %mul3A_1257 = arith.mulf %dot_general3A_1254, %mul3A_1256 : vector<4x4096xf32>
    %add3A_1258 = arith.addf %convert_element_type3A_1252, %mul3A_1257 : vector<4x4096xf32>
    %slice3A_1259 = vector.extract_strided_slice %add3A_1258 {offsets = [0, 0], sizes = [4, 1024], strides = [1, 1]} : vector<4x4096xf32> to vector<4x1024xf32>
    %logistic3A_1260 = arith.negf %slice3A_1259 : vector<4x1024xf32>
    %logistic3A_1261 = math.exp %logistic3A_1260 : vector<4x1024xf32>
    %logistic3A_1262 = arith.constant 1.000000e+00 : f32
    %logistic3A_1263 = vector.broadcast %logistic3A_1262 : f32 to vector<4x1024xf32>
    %logistic3A_1264 = arith.addf %logistic3A_1263, %logistic3A_1261 : vector<4x1024xf32>
    %logistic3A_1265 = arith.divf %logistic3A_1263, %logistic3A_1264 : vector<4x1024xf32>
    %slice3A_1266 = vector.extract_strided_slice %add3A_1258 {offsets = [0, 1024], sizes = [4, 1024], strides = [1, 1]} : vector<4x4096xf32> to vector<4x1024xf32>
    %logistic3A_1267 = arith.negf %slice3A_1266 : vector<4x1024xf32>
    %logistic3A_1268 = math.exp %logistic3A_1267 : vector<4x1024xf32>
    %logistic3A_1269 = arith.constant 1.000000e+00 : f32
    %logistic3A_1270 = vector.broadcast %logistic3A_1269 : f32 to vector<4x1024xf32>
    %logistic3A_1271 = arith.addf %logistic3A_1270, %logistic3A_1268 : vector<4x1024xf32>
    %logistic3A_1272 = arith.divf %logistic3A_1270, %logistic3A_1271 : vector<4x1024xf32>
    %slice3A_1273 = vector.extract_strided_slice %add3A_1258 {offsets = [0, 2048], sizes = [4, 1024], strides = [1, 1]} : vector<4x4096xf32> to vector<4x1024xf32>
    %tanh3A_1274 = math.tanh %slice3A_1273 : vector<4x1024xf32>
    %slice3A_1275 = vector.extract_strided_slice %add3A_1258 {offsets = [0, 3072], sizes = [4, 1024], strides = [1, 1]} : vector<4x4096xf32> to vector<4x1024xf32>
    %logistic3A_1276 = arith.negf %slice3A_1275 : vector<4x1024xf32>
    %logistic3A_1277 = math.exp %logistic3A_1276 : vector<4x1024xf32>
    %logistic3A_1278 = arith.constant 1.000000e+00 : f32
    %logistic3A_1279 = vector.broadcast %logistic3A_1278 : f32 to vector<4x1024xf32>
    %logistic3A_1280 = arith.addf %logistic3A_1279, %logistic3A_1277 : vector<4x1024xf32>
    %logistic3A_1281 = arith.divf %logistic3A_1279, %logistic3A_1280 : vector<4x1024xf32>
    %mul3A_1282 = arith.mulf %logistic3A_1272, %add3A_1238 : vector<4x1024xf32>
    %mul3A_1283 = arith.mulf %logistic3A_1265, %tanh3A_1274 : vector<4x1024xf32>
    %add3A_1284 = arith.addf %mul3A_1282, %mul3A_1283 : vector<4x1024xf32>
    %tanh3A_1285 = math.tanh %add3A_1284 : vector<4x1024xf32>
    %mul3A_1286 = arith.mulf %logistic3A_1281, %tanh3A_1285 : vector<4x1024xf32>
    %convert_element_type3A_1287 = arith.truncf %mul3A_1286 : vector<4x1024xf32> to vector<4x1024xbf16>
    %swap3A_1288 = arith.constant 108 : index
    %swap3A_1289 = arith.constant 0 : index
    %swap3A_1290 = vector.load %arg3[%swap3A_1288, %swap3A_1289] : memref<128x1024xbf16, #tpu.memory_space<vmem>>, vector<4x1024xbf16>
    tpu.vector_store %arg3[%swap3A_1288, %swap3A_1289], %convert_element_type3A_1287 {strides = array<i32>} : memref<128x1024xbf16, #tpu.memory_space<vmem>>, vector<4x1024xbf16>,
    %mul3A_1291 = arith.constant 2.560000e+02 : f32
    %mul3A_1292 = vector.broadcast %mul3A_1291 : f32 to vector<4x1024xf32>
    %mul3A_1293 = arith.mulf %mul3A_1286, %mul3A_1292 : vector<4x1024xf32>
    %convert_element_type3A_1294 = arith.truncf %mul3A_1293 : vector<4x1024xf32> to vector<4x1024xf8E4M3FN>
    %get3A_1295 = arith.constant 112 : index
    %get3A_1296 = arith.constant 0 : index
    %get3A_1297 = vector.load %arg1[%get3A_1295, %get3A_1296] : memref<128x4096xbf16, #tpu.memory_space<vmem>>, vector<4x4096xbf16>
    %convert_element_type3A_1298 = arith.extf %get3A_1297 : vector<4x4096xbf16> to vector<4x4096xf32>
    %dot_general3A_1299 = arith.constant dense<0.000000e+00> : vector<4x4096xf32>
    %dot_general3A_1300 = tpu.matmul %convert_element_type3A_1294, %get3A_9, %dot_general3A_1299 {dimension_numbers = #tpu.dot_dimension_numbers<[1], [0], [0], [1], [0, 0, 1, 1], [], []>, transpose_lhs_hint = false} : vector<4x1024xf8E4M3FN>, vector<1024x4096xf8E4M3FN>, vector<4x4096xf32> -> vector<4x4096xf32>
    %mul3A_1301 = arith.constant 6.10351563E-5 : f32
    %mul3A_1302 = vector.broadcast %mul3A_1301 : f32 to vector<4x4096xf32>
    %mul3A_1303 = arith.mulf %dot_general3A_1300, %mul3A_1302 : vector<4x4096xf32>
    %add3A_1304 = arith.addf %convert_element_type3A_1298, %mul3A_1303 : vector<4x4096xf32>
    %slice3A_1305 = vector.extract_strided_slice %add3A_1304 {offsets = [0, 0], sizes = [4, 1024], strides = [1, 1]} : vector<4x4096xf32> to vector<4x1024xf32>
    %logistic3A_1306 = arith.negf %slice3A_1305 : vector<4x1024xf32>
    %logistic3A_1307 = math.exp %logistic3A_1306 : vector<4x1024xf32>
    %logistic3A_1308 = arith.constant 1.000000e+00 : f32
    %logistic3A_1309 = vector.broadcast %logistic3A_1308 : f32 to vector<4x1024xf32>
    %logistic3A_1310 = arith.addf %logistic3A_1309, %logistic3A_1307 : vector<4x1024xf32>
    %logistic3A_1311 = arith.divf %logistic3A_1309, %logistic3A_1310 : vector<4x1024xf32>
    %slice3A_1312 = vector.extract_strided_slice %add3A_1304 {offsets = [0, 1024], sizes = [4, 1024], strides = [1, 1]} : vector<4x4096xf32> to vector<4x1024xf32>
    %logistic3A_1313 = arith.negf %slice3A_1312 : vector<4x1024xf32>
    %logistic3A_1314 = math.exp %logistic3A_1313 : vector<4x1024xf32>
    %logistic3A_1315 = arith.constant 1.000000e+00 : f32
    %logistic3A_1316 = vector.broadcast %logistic3A_1315 : f32 to vector<4x1024xf32>
    %logistic3A_1317 = arith.addf %logistic3A_1316, %logistic3A_1314 : vector<4x1024xf32>
    %logistic3A_1318 = arith.divf %logistic3A_1316, %logistic3A_1317 : vector<4x1024xf32>
    %slice3A_1319 = vector.extract_strided_slice %add3A_1304 {offsets = [0, 2048], sizes = [4, 1024], strides = [1, 1]} : vector<4x4096xf32> to vector<4x1024xf32>
    %tanh3A_1320 = math.tanh %slice3A_1319 : vector<4x1024xf32>
    %slice3A_1321 = vector.extract_strided_slice %add3A_1304 {offsets = [0, 3072], sizes = [4, 1024], strides = [1, 1]} : vector<4x4096xf32> to vector<4x1024xf32>
    %logistic3A_1322 = arith.negf %slice3A_1321 : vector<4x1024xf32>
    %logistic3A_1323 = math.exp %logistic3A_1322 : vector<4x1024xf32>
    %logistic3A_1324 = arith.constant 1.000000e+00 : f32
    %logistic3A_1325 = vector.broadcast %logistic3A_1324 : f32 to vector<4x1024xf32>
    %logistic3A_1326 = arith.addf %logistic3A_1325, %logistic3A_1323 : vector<4x1024xf32>
    %logistic3A_1327 = arith.divf %logistic3A_1325, %logistic3A_1326 : vector<4x1024xf32>
    %mul3A_1328 = arith.mulf %logistic3A_1318, %add3A_1284 : vector<4x1024xf32>
    %mul3A_1329 = arith.mulf %logistic3A_1311, %tanh3A_1320 : vector<4x1024xf32>
    %add3A_1330 = arith.addf %mul3A_1328, %mul3A_1329 : vector<4x1024xf32>
    %tanh3A_1331 = math.tanh %add3A_1330 : vector<4x1024xf32>
    %mul3A_1332 = arith.mulf %logistic3A_1327, %tanh3A_1331 : vector<4x1024xf32>
    %convert_element_type3A_1333 = arith.truncf %mul3A_1332 : vector<4x1024xf32> to vector<4x1024xbf16>
    %swap3A_1334 = arith.constant 112 : index
    %swap3A_1335 = arith.constant 0 : index
    %swap3A_1336 = vector.load %arg3[%swap3A_1334, %swap3A_1335] : memref<128x1024xbf16, #tpu.memory_space<vmem>>, vector<4x1024xbf16>
    tpu.vector_store %arg3[%swap3A_1334, %swap3A_1335], %convert_element_type3A_1333 {strides = array<i32>} : memref<128x1024xbf16, #tpu.memory_space<vmem>>, vector<4x1024xbf16>,
    %mul3A_1337 = arith.constant 2.560000e+02 : f32
    %mul3A_1338 = vector.broadcast %mul3A_1337 : f32 to vector<4x1024xf32>
    %mul3A_1339 = arith.mulf %mul3A_1332, %mul3A_1338 : vector<4x1024xf32>
    %convert_element_type3A_1340 = arith.truncf %mul3A_1339 : vector<4x1024xf32> to vector<4x1024xf8E4M3FN>
    %get3A_1341 = arith.constant 116 : index
    %get3A_1342 = arith.constant 0 : index
    %get3A_1343 = vector.load %arg1[%get3A_1341, %get3A_1342] : memref<128x4096xbf16, #tpu.memory_space<vmem>>, vector<4x4096xbf16>
    %convert_element_type3A_1344 = arith.extf %get3A_1343 : vector<4x4096xbf16> to vector<4x4096xf32>
    %dot_general3A_1345 = arith.constant dense<0.000000e+00> : vector<4x4096xf32>
    %dot_general3A_1346 = tpu.matmul %convert_element_type3A_1340, %get3A_9, %dot_general3A_1345 {dimension_numbers = #tpu.dot_dimension_numbers<[1], [0], [0], [1], [0, 0, 1, 1], [], []>, transpose_lhs_hint = false} : vector<4x1024xf8E4M3FN>, vector<1024x4096xf8E4M3FN>, vector<4x4096xf32> -> vector<4x4096xf32>
    %mul3A_1347 = arith.constant 6.10351563E-5 : f32
    %mul3A_1348 = vector.broadcast %mul3A_1347 : f32 to vector<4x4096xf32>
    %mul3A_1349 = arith.mulf %dot_general3A_1346, %mul3A_1348 : vector<4x4096xf32>
    %add3A_1350 = arith.addf %convert_element_type3A_1344, %mul3A_1349 : vector<4x4096xf32>
    %slice3A_1351 = vector.extract_strided_slice %add3A_1350 {offsets = [0, 0], sizes = [4, 1024], strides = [1, 1]} : vector<4x4096xf32> to vector<4x1024xf32>
    %logistic3A_1352 = arith.negf %slice3A_1351 : vector<4x1024xf32>
    %logistic3A_1353 = math.exp %logistic3A_1352 : vector<4x1024xf32>
    %logistic3A_1354 = arith.constant 1.000000e+00 : f32
    %logistic3A_1355 = vector.broadcast %logistic3A_1354 : f32 to vector<4x1024xf32>
    %logistic3A_1356 = arith.addf %logistic3A_1355, %logistic3A_1353 : vector<4x1024xf32>
    %logistic3A_1357 = arith.divf %logistic3A_1355, %logistic3A_1356 : vector<4x1024xf32>
    %slice3A_1358 = vector.extract_strided_slice %add3A_1350 {offsets = [0, 1024], sizes = [4, 1024], strides = [1, 1]} : vector<4x4096xf32> to vector<4x1024xf32>
    %logistic3A_1359 = arith.negf %slice3A_1358 : vector<4x1024xf32>
    %logistic3A_1360 = math.exp %logistic3A_1359 : vector<4x1024xf32>
    %logistic3A_1361 = arith.constant 1.000000e+00 : f32
    %logistic3A_1362 = vector.broadcast %logistic3A_1361 : f32 to vector<4x1024xf32>
    %logistic3A_1363 = arith.addf %logistic3A_1362, %logistic3A_1360 : vector<4x1024xf32>
    %logistic3A_1364 = arith.divf %logistic3A_1362, %logistic3A_1363 : vector<4x1024xf32>
    %slice3A_1365 = vector.extract_strided_slice %add3A_1350 {offsets = [0, 2048], sizes = [4, 1024], strides = [1, 1]} : vector<4x4096xf32> to vector<4x1024xf32>
    %tanh3A_1366 = math.tanh %slice3A_1365 : vector<4x1024xf32>
    %slice3A_1367 = vector.extract_strided_slice %add3A_1350 {offsets = [0, 3072], sizes = [4, 1024], strides = [1, 1]} : vector<4x4096xf32> to vector<4x1024xf32>
    %logistic3A_1368 = arith.negf %slice3A_1367 : vector<4x1024xf32>
    %logistic3A_1369 = math.exp %logistic3A_1368 : vector<4x1024xf32>
    %logistic3A_1370 = arith.constant 1.000000e+00 : f32
    %logistic3A_1371 = vector.broadcast %logistic3A_1370 : f32 to vector<4x1024xf32>
    %logistic3A_1372 = arith.addf %logistic3A_1371, %logistic3A_1369 : vector<4x1024xf32>
    %logistic3A_1373 = arith.divf %logistic3A_1371, %logistic3A_1372 : vector<4x1024xf32>
    %mul3A_1374 = arith.mulf %logistic3A_1364, %add3A_1330 : vector<4x1024xf32>
    %mul3A_1375 = arith.mulf %logistic3A_1357, %tanh3A_1366 : vector<4x1024xf32>
    %add3A_1376 = arith.addf %mul3A_1374, %mul3A_1375 : vector<4x1024xf32>
    %tanh3A_1377 = math.tanh %add3A_1376 : vector<4x1024xf32>
    %mul3A_1378 = arith.mulf %logistic3A_1373, %tanh3A_1377 : vector<4x1024xf32>
    %convert_element_type3A_1379 = arith.truncf %mul3A_1378 : vector<4x1024xf32> to vector<4x1024xbf16>
    %swap3A_1380 = arith.constant 116 : index
    %swap3A_1381 = arith.constant 0 : index
    %swap3A_1382 = vector.load %arg3[%swap3A_1380, %swap3A_1381] : memref<128x1024xbf16, #tpu.memory_space<vmem>>, vector<4x1024xbf16>
    tpu.vector_store %arg3[%swap3A_1380, %swap3A_1381], %convert_element_type3A_1379 {strides = array<i32>} : memref<128x1024xbf16, #tpu.memory_space<vmem>>, vector<4x1024xbf16>,
    %mul3A_1383 = arith.constant 2.560000e+02 : f32
    %mul3A_1384 = vector.broadcast %mul3A_1383 : f32 to vector<4x1024xf32>
    %mul3A_1385 = arith.mulf %mul3A_1378, %mul3A_1384 : vector<4x1024xf32>
    %convert_element_type3A_1386 = arith.truncf %mul3A_1385 : vector<4x1024xf32> to vector<4x1024xf8E4M3FN>
    %get3A_1387 = arith.constant 120 : index
    %get3A_1388 = arith.constant 0 : index
    %get3A_1389 = vector.load %arg1[%get3A_1387, %get3A_1388] : memref<128x4096xbf16, #tpu.memory_space<vmem>>, vector<4x4096xbf16>
    %convert_element_type3A_1390 = arith.extf %get3A_1389 : vector<4x4096xbf16> to vector<4x4096xf32>
    %dot_general3A_1391 = arith.constant dense<0.000000e+00> : vector<4x4096xf32>
    %dot_general3A_1392 = tpu.matmul %convert_element_type3A_1386, %get3A_9, %dot_general3A_1391 {dimension_numbers = #tpu.dot_dimension_numbers<[1], [0], [0], [1], [0, 0, 1, 1], [], []>, transpose_lhs_hint = false} : vector<4x1024xf8E4M3FN>, vector<1024x4096xf8E4M3FN>, vector<4x4096xf32> -> vector<4x4096xf32>
    %mul3A_1393 = arith.constant 6.10351563E-5 : f32
    %mul3A_1394 = vector.broadcast %mul3A_1393 : f32 to vector<4x4096xf32>
    %mul3A_1395 = arith.mulf %dot_general3A_1392, %mul3A_1394 : vector<4x4096xf32>
    %add3A_1396 = arith.addf %convert_element_type3A_1390, %mul3A_1395 : vector<4x4096xf32>
    %slice3A_1397 = vector.extract_strided_slice %add3A_1396 {offsets = [0, 0], sizes = [4, 1024], strides = [1, 1]} : vector<4x4096xf32> to vector<4x1024xf32>
    %logistic3A_1398 = arith.negf %slice3A_1397 : vector<4x1024xf32>
    %logistic3A_1399 = math.exp %logistic3A_1398 : vector<4x1024xf32>
    %logistic3A_1400 = arith.constant 1.000000e+00 : f32
    %logistic3A_1401 = vector.broadcast %logistic3A_1400 : f32 to vector<4x1024xf32>
    %logistic3A_1402 = arith.addf %logistic3A_1401, %logistic3A_1399 : vector<4x1024xf32>
    %logistic3A_1403 = arith.divf %logistic3A_1401, %logistic3A_1402 : vector<4x1024xf32>
    %slice3A_1404 = vector.extract_strided_slice %add3A_1396 {offsets = [0, 1024], sizes = [4, 1024], strides = [1, 1]} : vector<4x4096xf32> to vector<4x1024xf32>
    %logistic3A_1405 = arith.negf %slice3A_1404 : vector<4x1024xf32>
    %logistic3A_1406 = math.exp %logistic3A_1405 : vector<4x1024xf32>
    %logistic3A_1407 = arith.constant 1.000000e+00 : f32
    %logistic3A_1408 = vector.broadcast %logistic3A_1407 : f32 to vector<4x1024xf32>
    %logistic3A_1409 = arith.addf %logistic3A_1408, %logistic3A_1406 : vector<4x1024xf32>
    %logistic3A_1410 = arith.divf %logistic3A_1408, %logistic3A_1409 : vector<4x1024xf32>
    %slice3A_1411 = vector.extract_strided_slice %add3A_1396 {offsets = [0, 2048], sizes = [4, 1024], strides = [1, 1]} : vector<4x4096xf32> to vector<4x1024xf32>
    %tanh3A_1412 = math.tanh %slice3A_1411 : vector<4x1024xf32>
    %slice3A_1413 = vector.extract_strided_slice %add3A_1396 {offsets = [0, 3072], sizes = [4, 1024], strides = [1, 1]} : vector<4x4096xf32> to vector<4x1024xf32>
    %logistic3A_1414 = arith.negf %slice3A_1413 : vector<4x1024xf32>
    %logistic3A_1415 = math.exp %logistic3A_1414 : vector<4x1024xf32>
    %logistic3A_1416 = arith.constant 1.000000e+00 : f32
    %logistic3A_1417 = vector.broadcast %logistic3A_1416 : f32 to vector<4x1024xf32>
    %logistic3A_1418 = arith.addf %logistic3A_1417, %logistic3A_1415 : vector<4x1024xf32>
    %logistic3A_1419 = arith.divf %logistic3A_1417, %logistic3A_1418 : vector<4x1024xf32>
    %mul3A_1420 = arith.mulf %logistic3A_1410, %add3A_1376 : vector<4x1024xf32>
    %mul3A_1421 = arith.mulf %logistic3A_1403, %tanh3A_1412 : vector<4x1024xf32>
    %add3A_1422 = arith.addf %mul3A_1420, %mul3A_1421 : vector<4x1024xf32>
    %tanh3A_1423 = math.tanh %add3A_1422 : vector<4x1024xf32>
    %mul3A_1424 = arith.mulf %logistic3A_1419, %tanh3A_1423 : vector<4x1024xf32>
    %convert_element_type3A_1425 = arith.truncf %mul3A_1424 : vector<4x1024xf32> to vector<4x1024xbf16>
    %swap3A_1426 = arith.constant 120 : index
    %swap3A_1427 = arith.constant 0 : index
    %swap3A_1428 = vector.load %arg3[%swap3A_1426, %swap3A_1427] : memref<128x1024xbf16, #tpu.memory_space<vmem>>, vector<4x1024xbf16>
    tpu.vector_store %arg3[%swap3A_1426, %swap3A_1427], %convert_element_type3A_1425 {strides = array<i32>} : memref<128x1024xbf16, #tpu.memory_space<vmem>>, vector<4x1024xbf16>,
    %mul3A_1429 = arith.constant 2.560000e+02 : f32
    %mul3A_1430 = vector.broadcast %mul3A_1429 : f32 to vector<4x1024xf32>
    %mul3A_1431 = arith.mulf %mul3A_1424, %mul3A_1430 : vector<4x1024xf32>
    %convert_element_type3A_1432 = arith.truncf %mul3A_1431 : vector<4x1024xf32> to vector<4x1024xf8E4M3FN>
    %get3A_1433 = arith.constant 124 : index
    %get3A_1434 = arith.constant 0 : index
    %get3A_1435 = vector.load %arg1[%get3A_1433, %get3A_1434] : memref<128x4096xbf16, #tpu.memory_space<vmem>>, vector<4x4096xbf16>
    %convert_element_type3A_1436 = arith.extf %get3A_1435 : vector<4x4096xbf16> to vector<4x4096xf32>
    %dot_general3A_1437 = arith.constant dense<0.000000e+00> : vector<4x4096xf32>
    %dot_general3A_1438 = tpu.matmul %convert_element_type3A_1432, %get3A_9, %dot_general3A_1437 {dimension_numbers = #tpu.dot_dimension_numbers<[1], [0], [0], [1], [0, 0, 1, 1], [], []>, transpose_lhs_hint = false} : vector<4x1024xf8E4M3FN>, vector<1024x4096xf8E4M3FN>, vector<4x4096xf32> -> vector<4x4096xf32>
    %mul3A_1439 = arith.constant 6.10351563E-5 : f32
    %mul3A_1440 = vector.broadcast %mul3A_1439 : f32 to vector<4x4096xf32>
    %mul3A_1441 = arith.mulf %dot_general3A_1438, %mul3A_1440 : vector<4x4096xf32>
    %add3A_1442 = arith.addf %convert_element_type3A_1436, %mul3A_1441 : vector<4x4096xf32>
    %slice3A_1443 = vector.extract_strided_slice %add3A_1442 {offsets = [0, 0], sizes = [4, 1024], strides = [1, 1]} : vector<4x4096xf32> to vector<4x1024xf32>
    %logistic3A_1444 = arith.negf %slice3A_1443 : vector<4x1024xf32>
    %logistic3A_1445 = math.exp %logistic3A_1444 : vector<4x1024xf32>
    %logistic3A_1446 = arith.constant 1.000000e+00 : f32
    %logistic3A_1447 = vector.broadcast %logistic3A_1446 : f32 to vector<4x1024xf32>
    %logistic3A_1448 = arith.addf %logistic3A_1447, %logistic3A_1445 : vector<4x1024xf32>
    %logistic3A_1449 = arith.divf %logistic3A_1447, %logistic3A_1448 : vector<4x1024xf32>
    %slice3A_1450 = vector.extract_strided_slice %add3A_1442 {offsets = [0, 1024], sizes = [4, 1024], strides = [1, 1]} : vector<4x4096xf32> to vector<4x1024xf32>
    %logistic3A_1451 = arith.negf %slice3A_1450 : vector<4x1024xf32>
    %logistic3A_1452 = math.exp %logistic3A_1451 : vector<4x1024xf32>
    %logistic3A_1453 = arith.constant 1.000000e+00 : f32
    %logistic3A_1454 = vector.broadcast %logistic3A_1453 : f32 to vector<4x1024xf32>
    %logistic3A_1455 = arith.addf %logistic3A_1454, %logistic3A_1452 : vector<4x1024xf32>
    %logistic3A_1456 = arith.divf %logistic3A_1454, %logistic3A_1455 : vector<4x1024xf32>
    %slice3A_1457 = vector.extract_strided_slice %add3A_1442 {offsets = [0, 2048], sizes = [4, 1024], strides = [1, 1]} : vector<4x4096xf32> to vector<4x1024xf32>
    %tanh3A_1458 = math.tanh %slice3A_1457 : vector<4x1024xf32>
    %slice3A_1459 = vector.extract_strided_slice %add3A_1442 {offsets = [0, 3072], sizes = [4, 1024], strides = [1, 1]} : vector<4x4096xf32> to vector<4x1024xf32>
    %logistic3A_1460 = arith.negf %slice3A_1459 : vector<4x1024xf32>
    %logistic3A_1461 = math.exp %logistic3A_1460 : vector<4x1024xf32>
    %logistic3A_1462 = arith.constant 1.000000e+00 : f32
    %logistic3A_1463 = vector.broadcast %logistic3A_1462 : f32 to vector<4x1024xf32>
    %logistic3A_1464 = arith.addf %logistic3A_1463, %logistic3A_1461 : vector<4x1024xf32>
    %logistic3A_1465 = arith.divf %logistic3A_1463, %logistic3A_1464 : vector<4x1024xf32>
    %mul3A_1466 = arith.mulf %logistic3A_1456, %add3A_1422 : vector<4x1024xf32>
    %mul3A_1467 = arith.mulf %logistic3A_1449, %tanh3A_1458 : vector<4x1024xf32>
    %add3A_1468 = arith.addf %mul3A_1466, %mul3A_1467 : vector<4x1024xf32>
    %tanh3A_1469 = math.tanh %add3A_1468 : vector<4x1024xf32>
    %mul3A_1470 = arith.mulf %logistic3A_1465, %tanh3A_1469 : vector<4x1024xf32>
    %convert_element_type3A_1471 = arith.truncf %mul3A_1470 : vector<4x1024xf32> to vector<4x1024xbf16>
    %swap3A_1472 = arith.constant 124 : index
    %swap3A_1473 = arith.constant 0 : index
    %swap3A_1474 = vector.load %arg3[%swap3A_1472, %swap3A_1473] : memref<128x1024xbf16, #tpu.memory_space<vmem>>, vector<4x1024xbf16>
    tpu.vector_store %arg3[%swap3A_1472, %swap3A_1473], %convert_element_type3A_1471 {strides = array<i32>} : memref<128x1024xbf16, #tpu.memory_space<vmem>>, vector<4x1024xbf16>,
    %swap3A_1475 = arith.constant 0 : index
    %swap3A_1476 = arith.constant 0 : index
    %swap3A_1477 = vector.load %arg4[%swap3A_1475, %swap3A_1476] : memref<4x1024xf32, #tpu.memory_space<vmem>>, vector<4x1024xf32>
    tpu.vector_store %arg4[%swap3A_1475, %swap3A_1476], %mul3A_1470 {strides = array<i32>} : memref<4x1024xf32, #tpu.memory_space<vmem>>, vector<4x1024xf32>,
    %swap3A_1478 = arith.constant 0 : index
    %swap3A_1479 = arith.constant 0 : index
    %swap3A_1480 = vector.load %arg5[%swap3A_1478, %swap3A_1479] : memref<4x1024xf32, #tpu.memory_space<vmem>>, vector<4x1024xf32>
    tpu.vector_store %arg5[%swap3A_1478, %swap3A_1479], %add3A_1468 {strides = array<i32>} : memref<4x1024xf32, #tpu.memory_space<vmem>>, vector<4x1024xf32>,
    return
  }
  func.func @transform_0(%arg0: i32) -> (i32, i32) {
    %c0_i32 = arith.constant 0 : i32
    %c0_i32_0 = arith.constant 0 : i32
    return %arg0, %c0_i32 : i32, i32
  }
  func.func @transform_2(%arg0: i32) -> (i32, i32) {
    %c0_i32 = arith.constant 0 : i32
    %c0_i32_0 = arith.constant 0 : i32
    return %arg0, %c0_i32 : i32, i32
  }
}

</mosaic_0001>

<sc_bundles>
// kernel: kernel.6.cloned.1.call-start
scs
__scs_entry_jumppad:
0x0: {  	(pc) =	sbr.rel $0x88, $3  }
0x1: {  	(tag) =	ssettag $0x0;
	lr =	simm.s32 $0x1  }
0x2: {  	[smem:$0x3F99] =	sst lr;
	_ =	strace $0xD0000000  }
0x3: {  	_ = 	snop  }
0x4: {  	_ = 	snop  }
0x5: {  	_ = 	snop  }
0x6: {  	_ = 	snop  }
0x7: {  	_ = 	snop  }
__scs_overlays_trampoline_lowered:
0x8: {  	[smem:$0x3FA8] =	sst s0  }
0x9: {  	[smem:$0x3FA9] =	sst s1  }
0xa: {  	[smem:$0x3FAA] =	sst s2  }
0xb: {  	[smem:$0x3FAB] =	sst s3  }
0xc: {  	[smem:$0x3FAC] =	sst s4  }
0xd: {  	[smem:$0x3FAD] =	sst s5  }
0xe: {  	[smem:$0x3FAE] =	sst s6  }
0xf: {  	[smem:$0x3FAF] =	sst s7  }
0x10: {  	[smem:$0x3FB0] =	sst s8  }
0x11: {  	[smem:$0x3FB1] =	sst s9;
	s0 =	simm.s32 @!p0 $0x0  }
0x12: {  	s1 =	sld [smem:$0x3F97];
	s0 =	simm.s32 @p0 $0x1  }
0x13: {  	[smem:$0x3FB2] =	sst s0;
	s0 =	simm.s32 @!p1 $0x0  }
0x14: {  	s2 =	sld [smem:$0x3F96];
	s0 =	simm.s32 @p1 $0x1  }
0x15: {  	[smem:$0x3FB3] =	sst s0;
	s0 =	simm.s32 @!p2 $0x0  }
0x16: {  	s3 =	sld [smem:$0x3FDB];
	s0 =	simm.s32 @p2 $0x1  }
0x17: {  	s4 =	simm.s32 $0x1BF5;
	[smem:$0x3FB5] =	sst s0  }
0x18: {  	s0 =	sld [smem:$0x3F98];
	_ =	swait.ge [sflag:s4], $0x0  }
0x19: {  	s7 =	sld [smem:$0x3F99]  }
0x1a: {  	s8 =	sadd.s32 $0xFFFFE003, lr  }
0x1b: {  	s9 =	sadd.s32 $0xFFFFFEF7, lr;
	s5 =	simm.s32 $0xFFFFFFFF;
	p2 =	slt.u32 s8, $0xFFFFF086  }
0x1c: {  	p1 =	slt.u32 s9, $0xF7A;
	s5 =	simm.s32 @!p2 $0x0  }
0x1d: {  	s5 =	simm.s32 @p1 $0x1;
	p0 =	seq.s32 s7, s2  }
0x1e: {  	s7 =	smul.u32 @!p0 $0xF7A, s2;
	p2 =	seq.s32 @!p0 s5, $0x0  }
0x1f: {  	s9 =	smul.u32 $0xF7A, s1;
	s8 =	simm.s32 @!p0 $0x1BF5;
	p2 =	por !p2, p0  }
0x20: {  	[sflag:s8] =	ssyncset.s32 @!p0 $0xFFFFF086;
	s6 =	sadd.s32 @!p0 s3, s7;
	s7 =	simm.s32 @!p0 $0x108  }
0x21: {  	s3 =	sadd.s32 s3, s9;
	s6 =	sadd.s32 @!p0 $0x88, s6;
	s7 =	simm.s32 @p2 $0x1082  }
0x22: {  	[simem:s7], [sflag:s8] =	dma.local @!p0 [hbm:s6], $0xF7A  }
0x23: {  	s9 =	sor.u32 $0xD0000000, s2;
	s6 =	simm.s32 $0x108;
	_ =	swait.ge @!p0 [sflag:s8], $0x0  }
0x24: {  	s3 =	sadd.s32 $0x88, s3;
	s6 =	simm.s32 @!p1 $0x1082;
	[sflag:s4] =	ssyncset.s32 $0xFFFFF086  }
0x25: {  	[simem:s6], [sflag:s4] =	dma.local [hbm:s3], $0xF7A  }
0x26: {  	[smem:$0x3F99] =	sst s1;
	(tag) =	ssettag s2;
	_ =	strace s9  }
0x27: {  	s1 =	sld [smem:$0x3FA9]  }
0x28: {  	s2 =	sld [smem:$0x3FAA]  }
0x29: {  	s4 =	sld [smem:$0x3FAC]  }
0x2a: {  	p0 =	seq.s32 s5, $0x0;
	s5 =	sld [smem:$0x3FAD]  }
0x2b: {  	s6 =	sld [smem:$0x3FAE]  }
0x2c: {  	s7 =	sld [smem:$0x3FAF]  }
0x2d: {  	s3 =	simm.s32 $0x108;
	s8 =	sld [smem:$0x3FB0]  }
0x2e: {  	s3 =	simm.s32 @!p0 $0x1082;
	s9 =	sld [smem:$0x3FB1]  }
0x2f: {  	lr =	sadd.s32 s0, s3;
	s0 =	sld [smem:$0x3FA8]  }
0x30: {  	s3 =	sld [smem:$0x3FAB]  }
0x31: {  	[smem:$0x3FB4] =	sst s10  }
0x32: {  	s10 =	sld [smem:$0x3FB2];
	_ =	sdelay $0x3  }
0x33: {  	p0 =	seq.s32 s10, $0x1;
	s10 =	sld [smem:$0x3FB4];
	_ =	sdelay $0x3  }
0x34: {  	[smem:$0x3FB4] =	sst s10  }
0x35: {  	s10 =	sld [smem:$0x3FB3];
	_ =	sdelay $0x3  }
0x36: {  	p1 =	seq.s32 s10, $0x1;
	s10 =	sld [smem:$0x3FB4];
	_ =	sdelay $0x3  }
0x37: {  	[smem:$0x3FB4] =	sst s10  }
0x38: {  	s10 =	sld [smem:$0x3FB5]  }
0x39: {  	_ = 	snop;
	(pc) =	sbr.ind lr, $3  }
0x3a: {  	_ = 	snop  }
0x3b: {  	_ = 	snop  }
0x3c: {  	p2 =	seq.s32 s10, $0x1;
	s10 =	sld [smem:$0x3FB4]  }
0x3d: {  	_ =	shalt  }
0x3e: {  	_ =	shalt  }
0x3f: {  	_ =	shalt  }
0x40: {  	_ =	shalt  }
0x41: {  	_ =	shalt  }
0x42: {  	_ =	shalt  }
0x43: {  	_ =	shalt  }
0x44: {  	_ =	shalt  }
0x45: {  	_ =	shalt  }
0x46: {  	_ =	shalt  }
0x47: {  	_ =	shalt  }
0x48: {  	_ =	shalt  }
0x49: {  	_ =	shalt  }
0x4a: {  	_ =	shalt  }
0x4b: {  	_ =	shalt  }
0x4c: {  	_ =	shalt  }
0x4d: {  	_ =	shalt  }
0x4e: {  	_ =	shalt  }
0x4f: {  	_ =	shalt  }
0x50: {  	_ =	shalt  }
0x51: {  	_ =	shalt  }
0x52: {  	_ =	shalt  }
0x53: {  	_ =	shalt  }
0x54: {  	_ =	shalt  }
0x55: {  	_ =	shalt  }
0x56: {  	_ =	shalt  }
0x57: {  	_ =	shalt  }
0x58: {  	_ =	shalt  }
0x59: {  	_ =	shalt  }
0x5a: {  	_ =	shalt  }
0x5b: {  	_ =	shalt  }
0x5c: {  	_ =	shalt  }
0x5d: {  	_ =	shalt  }
0x5e: {  	_ =	shalt  }
0x5f: {  	_ =	shalt  }
0x60: {  	_ =	shalt  }
0x61: {  	_ =	shalt  }
0x62: {  	_ =	shalt  }
0x63: {  	_ =	shalt  }
0x64: {  	_ =	shalt  }
0x65: {  	_ =	shalt  }
0x66: {  	_ =	shalt  }
0x67: {  	_ =	shalt  }
0x68: {  	_ =	shalt  }
0x69: {  	_ =	shalt  }
0x6a: {  	_ =	shalt  }
0x6b: {  	_ =	shalt  }
0x6c: {  	_ =	shalt  }
0x6d: {  	_ =	shalt  }
0x6e: {  	_ =	shalt  }
0x6f: {  	_ =	shalt  }
0x70: {  	_ =	shalt  }
0x71: {  	_ =	shalt  }
0x72: {  	_ =	shalt  }
0x73: {  	_ =	shalt  }
0x74: {  	_ =	shalt  }
0x75: {  	_ =	shalt  }
0x76: {  	_ =	shalt  }
0x77: {  	_ =	shalt  }
0x78: {  	_ =	shalt  }
0x79: {  	_ =	shalt  }
0x7a: {  	_ =	shalt  }
0x7b: {  	_ =	shalt  }
0x7c: {  	_ =	shalt  }
0x7d: {  	_ =	shalt  }
0x7e: {  	_ =	shalt  }
0x7f: {  	_ =	shalt  }
0x80: {  	_ =	shalt  }
0x81: {  	_ =	shalt  }
0x82: {  	_ =	shalt  }
0x83: {  	_ =	shalt  }
0x84: {  	_ =	shalt  }
0x85: {  	_ =	shalt  }
0x86: {  	_ =	shalt  }
0x87: {  	_ =	shalt  }
.Lfunc_end0:
.L_simem_size_0:
called_computation_lowered:
.L_overlay_start_0:
0x88: {  	s2 =	sld [smem:$0x3FD9]  }
0x89: {  	s3 =	sld [smem:$0x3FFE];
	_ =	sdelay $0x1  }
0x8a: {  	s1 =	srdreg.scid  }
0x8b: {  	s0 =	sand.u32 $0x1, s1  }
0x8c: {  	s17 =	sshll.u32 s0, $0xA;
	s2 =	sadd.s32 s3, s2  }
0x8d: {  	s2 =	sadd.s32 s2, s17  }
0x8e: {  	[smem:$0x3FC0] =	sst s2  }
0x8f: {  	_ = 	snop  }
0x90: {  	s2 =	sld [smem:$0x3FC8]  }
0x91: {  	s18 =	sld [smem:$0x3FD0];
	(tm) =	ssettm $0x1  }
0x92: {  	s4 =	sld [smem:$0x3FFB];
	_ =	sdelay $0x3  }
0x93: {  	_ =	strace s4  }
0x94: {  	s4 =	sld [smem:$0x3FFC];
	_ =	sdelay $0x3  }
0x95: {  	_ =	strace s4  }
0x96: {  	s4 =	sld [smem:$0x3FFD];
	_ =	sdelay $0x3  }
0x97: {  	_ =	strace s4  }
0x98: {  	_ =	strace $0x8FFFFFFF  }
0x99: {  	s19 =	sld [smem:$0x3FDB];
	_ =	sdelay $0x1  }
0x9a: {  	s5 =	simm.s32 $_scs_section_size  }
0x9b: {  	s6 =	simm.s32 $_size__tile_overlayer_lowered;
	s7 =	simm.s32 $_tile_overlayer_lowered  }
0x9c: {  	s22 =	simm.s32 $0x1BFF;
	s21 =	sshll.u32 s7, $0x1;
	s4 =	sadd.s32 s5, s19  }
0x9d: {  	s8 =	simm.s32 $0x0;
	s20 =	sshll.u32 s6, $0x1;
	s6 =	sadd.s32 s21, s4  }
0x9e: {  	[timem:s8], [sflag:s22] =	dma.local [hbm:s6], s20  }
0x9f: {  	_ =	swait.ge [sflag:s22], s20  }
0xa0: {  	s5 =	ssub.s32 $0x0, s20;
	[sflag:s22] =	ssyncset.done $0x0  }
0xa1: {  	[sflag:s22] =	ssyncadd.s32 s5;
	_ =	sdelay $0x1  }
0xa2: {  	s23 =	simm.s32 $0x1B8B  }
0xa3: {  	_ =	swait.ge [sflag:s23], $0x1  }
0xa4: {  	[sflag:s23] =	ssyncset.done $0x0  }
0xa5: {  	s25 =	simm.s32 $0x1B8E;
	s24 =	sld [smem:$0x3FFE];
	[sflag:s23] =	ssyncadd.s32 $0xFFFFFFFF  }
0xa6: {  	s26 =	simm.s32 $execute0_lowered;
	[smem:$0x3FD2] =	sst s25  }
0xa7: {  	s6 =	sshll.u32 s26, $0x1;
	_ =	strace $0x80000046;
	[dreg:$0x1] =	wrdreg $0xFFFFFFFF  }
0xa8: {  	s28 =	simm.s32 $_size_execute0_lowered;
	s4 =	sadd.s32 s4, s6;
	[dreg:$0x0] =	wrdreg $0x0  }
0xa9: {  	s6 =	sshll.u32 s28, $0x1;
	[dreg:$0x2] =	wrdreg s4  }
0xaa: {  	[dreg:$0x3] =	wrdreg s6  }
0xab: {  	[dreg:$0x4] =	wrdreg $0xC0  }
0xac: {  	_ =	task [dreg:s8], $0x5FFFF  }
0xad: {  	[dreg:$0x1] =	wrdreg $0xFFFFFFFF  }
0xae: {  	[dreg:$0x0] =	wrdreg $0x60  }
0xaf: {  	[dreg:$0x2] =	wrdreg s2  }
0xb0: {  	[dreg:$0x3] =	wrdreg s18  }
0xb1: {  	[dreg:$0x4] =	wrdreg s24  }
0xb2: {  	[dreg:$0x5] =	wrdreg $0x9  }
0xb3: {  	_ =	task.clear_ibuf [dreg:s8], $0x6FFFF;
	_ =	strace $0x90000046  }
0xb4: {  	s29 =	simm.s32 $0x9;
	_ =	strace $0x80000048  }
0xb5: {  	_ =	swait.ge [sflag:s29], $0x1  }
0xb6: {  	[sflag:s29] =	ssyncadd.s32 $0xFFFFFFFF  }
0xb7: {  	_ =	strace $0x90000048  }
0xb8: {  	_ =	sfence  }
0xb9: {  	s30 =	sld [smem:$0x0];
	_ =	sdelay $0x2  }
0xba: {  	s31 =	sshll.u32 s1, $0xD;
	s1 =	sshrl.u32 s1, $0x2  }
0xbb: {  	s3 =	sand.u32 $0x4000, s31;
	s1 =	sadd.s32 s1, s30  }
0xbc: {  	s0 =	sor.u32 s3, s0;
	s1 =	sshll.u32 s1, $0x11  }
0xbd: {  	s0 =	sor.u32 s1, s0  }
0xbe: {  	s0 =	sadd.s32 $0x8F2B, s0  }
0xbf: {  	[sflag:s0] =	ssyncadd.remote.s32 $0x1  }
0xc0: {  	_ =	sfence.sel $0xFFFF  }
0xc1: {  	[dreg:$0x0] =	wrdreg $0xFFFFFFFF;
	(pc) =	sbr.abs _section_cstart, $3  }
0xc2: {  	[dreg:$0x1] =	wrdreg $0xFFFFFFFF  }
0xc3: {  	_ =	task.clear_ibuf [dreg:s8], $0x2FFFF;
	_ =	strace $0x9FFFFFFF  }
0xc4: {  	(tm) =	ssettm $0x7FFFFFFF  }
0xc5: {  	_ =	shalt  }
tec
execute0_lowered:
.L_overlay_start_1:
0x0: {  	(tag) =	ssettag $0x1  }
0x1: {  	s1 =	rddreg [dreg:$0x0]  }
0x2: {  	s0 =	srdreg.scid;
	s2 =	rddreg [dreg:$0x1]  }
0x3: {  	s3 =	stileid.u32;
	s4 =	rddreg [dreg:$0x2];
	s9 =	simm.s32 $0x100  }
0x4: {  	s17 =	simm.s32 $0x1;
	s28 =	simm.s32 $0x2900;
	s29 =	simm.s32 $0x3100  }
0x5: {  	s30 =	simm.s32 $0x3900;
	s31 =	simm.s32 $0x4100;
	s15 =	simm.s32 $0x5100  }
0x6: {  	s8 =	simm.s32 $0x5900;
	s10 =	simm.s32 $0x6100;
	s0 =	sand.u32 $0x1, s0  }
0x7: {  	s11 =	simm.s32 $0x6900;
	s5 =	sshll.u32 s3, $0x9;
	s6 =	sshll.u32 s0, $0x8  }
0x8: {  	s12 =	simm.s32 $0x7100;
	s13 =	simm.s32 $0x7900;
	s5 =	sor.u32 s6, s5  }
0x9: {  	s3 =	simm.s32 $0x0;
	s6 =	sshll.u32 s5, $0x7;
	s5 =	sshrl.u32 s5, $0x3  }
0xa: {  	[smem:$0x7FF] =	sst s3;
	s7 =	sadd.s32 s6, s4;
	s2 =	sadd.s32 s2, s5  }
0xb: {  	_ =	strace $0x80000047;
	[dreg:$0x4] =	wrdreg s2;
	s18 =	sadd.s32 $0x1200, s7  }
0xc: {  	s0 =	ssub.s32 $0x2, s0;
	s19 =	sadd.s32 $0x2200, s7;
	[dreg:$0x5] =	wrdreg s18  }
0xd: {  	s21 =	sshrl.u32 s0, $0x1;
	s20 =	sadd.s32 $0x3200, s7;
	[dreg:$0x6] =	wrdreg s19  }
0xe: {  	s0 =	ssub.s32 s0, s21;
	s22 =	sadd.s32 $0x4200, s7;
	[dreg:$0x7] =	wrdreg s20  }
0xf: {  	s4 =	sadd.s32 $0x100, s1;
	s23 =	sadd.s32 $0x5200, s7;
	[dreg:$0x8] =	wrdreg s22  }
0x10: {  	s5 =	sadd.s32 $0x200, s1;
	s24 =	sadd.s32 $0x6200, s7;
	[dreg:$0x9] =	wrdreg s23  }
0x11: {  	s6 =	sadd.s32 $0x300, s1;
	s25 =	sadd.s32 $0x7200, s7;
	[dreg:$0xa] =	wrdreg s24  }
0x12: {  	s26 =	sadd.s32 $0x8200, s7;
	s7 =	smax.u32 s0, $0x1;
	[dreg:$0xb] =	wrdreg s25  }
0x13: {  	v2 =	vlaneseq.u32;
	[dreg:$0xc] =	wrdreg s26;
	s25 =	simm.s32 $0x8100;
	s18 =	simm.s32 $0x3  }
0x14: {  	vm0 =	vmmov $0xffff;
	v1 =	vshrl.u32 v2, $0x3;
	s19 =	simm.s32 $0x2;
	s20 =	simm.s32 $0x4;
	s22 =	simm.s32 $0x900  }
0x15: {  	v0 =	vand.u32 $0x7, v2;
	v2 =	vor.u32 $0x8, v2;
	v1 =	vmul.u32 $0x8, v1;
	s23 =	simm.s32 $0x1100;
	s24 =	simm.s32 $0x1900;
	s26 =	simm.s32 $0x2100  }
.LBB2_1:
0x16: {  	s21 =	rddreg [dreg:$0x4];
	s14 =	simm.s32 $0x5  }
0x17: {  	[tilespmem:s3], [sflag:$0x5] =	stream.linear.gather [hbm4b:s21+s3], $0x100, $0x38;
	[tilespmem:$0x10100] =	vst v63  }
0x18: {  	_ =	swait.ge [sflag:s14], $0x100  }
0x19: {  	[sflag:s14] =	ssyncset.done $0x0  }
0x1a: {  	[sflag:s14] =	ssyncadd.s32 $0xFFFFFF00  }
0x1b: {  	v3 =	vld [tilespmem:$0x0];
	_ =	sdelay $0x4  }
0x1c: {  	v4 =	vshll.u32 v3, $0x3  }
0x1d: {  	v3 =	vand.u32 $0x7, v3;
	v4 =	vand.u32 $0xFFFFFFC0, v4  }
0x1e: {  	v3 =	vor.u32 v3, v4  }
0x1f: {  	v4 =	vperm.xlane v3, v0;
	_ =	sdelay $0x1  }
0x20: {  	v4 =	vadd.s32 v1, v4;
	_ =	sdelay $0x4  }
0x21: {  	[tilespmem:s9], [sflag:$0x1] =	stream.indirect_vreg.gather [hbm4b:s1+s3], $0x80, v4, vm0, $0xb8;
	[tilespmem:$0x10100] =	vst v63  }
0x22: {  	v3 =	vperm.xlane v3, v2  }
0x23: {  	[tilespmem:s22], [sflag:$0x1] =	stream.indirect_vreg.gather [hbm4b:s4+s3], $0x80, v4, vm0, $0xb8;
	[tilespmem:$0x10100] =	vst v63  }
0x24: {  	v3 =	vadd.s32 v1, v3  }
0x25: {  	[tilespmem:s23], [sflag:$0x1] =	stream.indirect_vreg.gather [hbm4b:s5+s3], $0x80, v4, vm0, $0xb8;
	[tilespmem:$0x10100] =	vst v63  }
0x26: {  	_ = 	snop  }
0x27: {  	[tilespmem:s24], [sflag:$0x1] =	stream.indirect_vreg.gather [hbm4b:s6+s3], $0x80, v4, vm0, $0xb8;
	[tilespmem:$0x10100] =	vst v63  }
0x28: {  	_ = 	snop  }
0x29: {  	[tilespmem:s26], [sflag:$0x1] =	stream.indirect_vreg.gather [hbm4b:s1+s3], $0x80, v3, vm0, $0xb8;
	[tilespmem:$0x10100] =	vst v63  }
0x2a: {  	_ = 	snop  }
0x2b: {  	[tilespmem:s28], [sflag:$0x1] =	stream.indirect_vreg.gather [hbm4b:s4+s3], $0x80, v3, vm0, $0xb8;
	[tilespmem:$0x10100] =	vst v63  }
0x2c: {  	_ = 	snop  }
0x2d: {  	[tilespmem:s29], [sflag:$0x1] =	stream.indirect_vreg.gather [hbm4b:s5+s3], $0x80, v3, vm0, $0xb8;
	[tilespmem:$0x10100] =	vst v63  }
0x2e: {  	_ = 	snop  }
0x2f: {  	[tilespmem:s30], [sflag:$0x1] =	stream.indirect_vreg.gather [hbm4b:s6+s3], $0x80, v3, vm0, $0xb8;
	[tilespmem:$0x10100] =	vst v63  }
0x30: {  	v3 =	vld [tilespmem:$0x10];
	_ =	sdelay $0x4  }
0x31: {  	v49 =	vshll.u32 v3, $0x3  }
0x32: {  	v3 =	vand.u32 $0x7, v3;
	v4 =	vand.u32 $0xFFFFFFC0, v49  }
0x33: {  	v3 =	vor.u32 v3, v4  }
0x34: {  	v4 =	vperm.xlane v3, v0;
	_ =	sdelay $0x1  }
0x35: {  	v4 =	vadd.s32 v1, v4;
	_ =	sdelay $0x4  }
0x36: {  	[tilespmem:s31], [sflag:$0x1] =	stream.indirect_vreg.gather [hbm4b:s1+s3], $0x80, v4, vm0, $0xb8;
	[tilespmem:$0x10100] =	vst v63  }
0x37: {  	s2 =	simm.s32 $0x4900;
	v3 =	vperm.xlane v3, v2  }
0x38: {  	[tilespmem:s2], [sflag:$0x1] =	stream.indirect_vreg.gather [hbm4b:s4+s3], $0x80, v4, vm0, $0xb8;
	[tilespmem:$0x10100] =	vst v63  }
0x39: {  	v3 =	vadd.s32 v1, v3  }
0x3a: {  	[tilespmem:s15], [sflag:$0x1] =	stream.indirect_vreg.gather [hbm4b:s5+s3], $0x80, v4, vm0, $0xb8;
	[tilespmem:$0x10100] =	vst v63  }
0x3b: {  	_ = 	snop  }
0x3c: {  	[tilespmem:s8], [sflag:$0x1] =	stream.indirect_vreg.gather [hbm4b:s6+s3], $0x80, v4, vm0, $0xb8;
	[tilespmem:$0x10100] =	vst v63  }
0x3d: {  	_ = 	snop  }
0x3e: {  	[tilespmem:s10], [sflag:$0x1] =	stream.indirect_vreg.gather [hbm4b:s1+s3], $0x80, v3, vm0, $0xb8;
	[tilespmem:$0x10100] =	vst v63  }
0x3f: {  	_ = 	snop  }
0x40: {  	[tilespmem:s11], [sflag:$0x1] =	stream.indirect_vreg.gather [hbm4b:s4+s3], $0x80, v3, vm0, $0xb8;
	[tilespmem:$0x10100] =	vst v63  }
0x41: {  	_ = 	snop  }
0x42: {  	[tilespmem:s12], [sflag:$0x1] =	stream.indirect_vreg.gather [hbm4b:s5+s3], $0x80, v3, vm0, $0xb8;
	[tilespmem:$0x10100] =	vst v63  }
0x43: {  	_ = 	snop  }
0x44: {  	[tilespmem:s13], [sflag:$0x1] =	stream.indirect_vreg.gather [hbm4b:s6+s3], $0x80, v3, vm0, $0xb8;
	[tilespmem:$0x10100] =	vst v63  }
0x45: {  	v3 =	vld [tilespmem:$0x20];
	_ =	sdelay $0x4  }
0x46: {  	v50 =	vshll.u32 v3, $0x3  }
0x47: {  	v3 =	vand.u32 $0x7, v3;
	v4 =	vand.u32 $0xFFFFFFC0, v50  }
0x48: {  	v3 =	vor.u32 v3, v4  }
0x49: {  	v4 =	vperm.xlane v3, v0;
	_ =	sdelay $0x1  }
0x4a: {  	v4 =	vadd.s32 v1, v4;
	_ =	sdelay $0x4  }
0x4b: {  	[tilespmem:s25], [sflag:$0x2] =	stream.indirect_vreg.gather [hbm4b:s1+s3], $0x80, v4, vm0, $0xb8;
	[tilespmem:$0x10100] =	vst v63  }
0x4c: {  	s14 =	simm.s32 $0x8900;
	v3 =	vperm.xlane v3, v2  }
0x4d: {  	[tilespmem:s14], [sflag:$0x2] =	stream.indirect_vreg.gather [hbm4b:s4+s3], $0x80, v4, vm0, $0xb8;
	[tilespmem:$0x10100] =	vst v63  }
0x4e: {  	s16 =	simm.s32 $0x9100;
	v3 =	vadd.s32 v1, v3  }
0x4f: {  	[tilespmem:s16], [sflag:$0x2] =	stream.indirect_vreg.gather [hbm4b:s5+s3], $0x80, v4, vm0, $0xb8;
	[tilespmem:$0x10100] =	vst v63  }
0x50: {  	s21 =	simm.s32 $0x9900  }
0x51: {  	[tilespmem:s21], [sflag:$0x2] =	stream.indirect_vreg.gather [hbm4b:s6+s3], $0x80, v4, vm0, $0xb8;
	[tilespmem:$0x10100] =	vst v63  }
0x52: {  	s16 =	simm.s32 $0xA100  }
0x53: {  	[tilespmem:s16], [sflag:$0x2] =	stream.indirect_vreg.gather [hbm4b:s1+s3], $0x80, v3, vm0, $0xb8;
	[tilespmem:$0x10100] =	vst v63  }
0x54: {  	s14 =	simm.s32 $0xA900  }
0x55: {  	[tilespmem:s14], [sflag:$0x2] =	stream.indirect_vreg.gather [hbm4b:s4+s3], $0x80, v3, vm0, $0xb8;
	[tilespmem:$0x10100] =	vst v63  }
0x56: {  	s16 =	simm.s32 $0xB100  }
0x57: {  	[tilespmem:s16], [sflag:$0x2] =	stream.indirect_vreg.gather [hbm4b:s5+s3], $0x80, v3, vm0, $0xb8;
	[tilespmem:$0x10100] =	vst v63  }
0x58: {  	s14 =	simm.s32 $0xB900  }
0x59: {  	[tilespmem:s14], [sflag:$0x2] =	stream.indirect_vreg.gather [hbm4b:s6+s3], $0x80, v3, vm0, $0xb8;
	[tilespmem:$0x10100] =	vst v63  }
0x5a: {  	v3 =	vld [tilespmem:$0x30];
	_ =	sdelay $0x4  }
0x5b: {  	v51 =	vshll.u32 v3, $0x3  }
0x5c: {  	v3 =	vand.u32 $0x7, v3;
	v4 =	vand.u32 $0xFFFFFFC0, v51  }
0x5d: {  	v3 =	vor.u32 v3, v4  }
0x5e: {  	v4 =	vperm.xlane v3, v0;
	_ =	sdelay $0x1  }
0x5f: {  	v4 =	vadd.s32 v1, v4;
	_ =	sdelay $0x3  }
0x60: {  	s16 =	simm.s32 $0xC100  }
0x61: {  	[tilespmem:s16], [sflag:$0x2] =	stream.indirect_vreg.gather [hbm4b:s1+s3], $0x80, v4, vm0, $0xb8;
	[tilespmem:$0x10100] =	vst v63  }
0x62: {  	s21 =	simm.s32 $0xC900;
	v3 =	vperm.xlane v3, v2  }
0x63: {  	[tilespmem:s21], [sflag:$0x2] =	stream.indirect_vreg.gather [hbm4b:s4+s3], $0x80, v4, vm0, $0xb8;
	[tilespmem:$0x10100] =	vst v63  }
0x64: {  	v3 =	vadd.s32 v1, v3;
	s21 =	simm.s32 $0xD100  }
0x65: {  	[tilespmem:s21], [sflag:$0x2] =	stream.indirect_vreg.gather [hbm4b:s5+s3], $0x80, v4, vm0, $0xb8;
	[tilespmem:$0x10100] =	vst v63  }
0x66: {  	s21 =	simm.s32 $0xD900  }
0x67: {  	[tilespmem:s21], [sflag:$0x2] =	stream.indirect_vreg.gather [hbm4b:s6+s3], $0x80, v4, vm0, $0xb8;
	[tilespmem:$0x10100] =	vst v63  }
0x68: {  	s21 =	simm.s32 $0xE100  }
0x69: {  	[tilespmem:s21], [sflag:$0x2] =	stream.indirect_vreg.gather [hbm4b:s1+s3], $0x80, v3, vm0, $0xb8;
	[tilespmem:$0x10100] =	vst v63  }
0x6a: {  	s21 =	simm.s32 $0xE900  }
0x6b: {  	[tilespmem:s21], [sflag:$0x2] =	stream.indirect_vreg.gather [hbm4b:s4+s3], $0x80, v3, vm0, $0xb8;
	[tilespmem:$0x10100] =	vst v63  }
0x6c: {  	s21 =	simm.s32 $0xF100  }
0x6d: {  	[tilespmem:s21], [sflag:$0x2] =	stream.indirect_vreg.gather [hbm4b:s5+s3], $0x80, v3, vm0, $0xb8;
	[tilespmem:$0x10100] =	vst v63  }
0x6e: {  	s21 =	simm.s32 $0xF900  }
0x6f: {  	[tilespmem:s21], [sflag:$0x2] =	stream.indirect_vreg.gather [hbm4b:s6+s3], $0x80, v3, vm0, $0xb8;
	[tilespmem:$0x10100] =	vst v63  }
0x70: {  	_ =	swait.ge [sflag:s17], $0x8000  }
0x71: {  	[sflag:s17] =	ssyncset.done $0x0  }
0x72: {  	s21 =	rddreg [dreg:$0x5];
	[sflag:s17] =	ssyncadd.s32 $0xFFFF8000  }
0x73: {  	[hbm4b:s21+s3] =	stream.linear.scatter [tilespmem:s9], [sflag:$0x3], $0x8000, $0x38;
	[tilespmem:$0x10100] =	vst v63  }
0x74: {  	_ =	swait.ge [sflag:s18], $0x8000  }
0x75: {  	[sflag:s18] =	ssyncset.done $0x0  }
0x76: {  	[sflag:s18] =	ssyncadd.s32 $0xFFFF8000  }
0x77: {  	v3 =	vld [tilespmem:$0x40];
	_ =	sdelay $0x4  }
0x78: {  	v52 =	vshll.u32 v3, $0x3  }
0x79: {  	v3 =	vand.u32 $0x7, v3;
	v4 =	vand.u32 $0xFFFFFFC0, v52  }
0x7a: {  	v3 =	vor.u32 v3, v4  }
0x7b: {  	v4 =	vperm.xlane v3, v0;
	_ =	sdelay $0x1  }
0x7c: {  	v4 =	vadd.s32 v1, v4;
	_ =	sdelay $0x4  }
0x7d: {  	[tilespmem:s9], [sflag:$0x1] =	stream.indirect_vreg.gather [hbm4b:s1+s3], $0x80, v4, vm0, $0xb8;
	[tilespmem:$0x10100] =	vst v63  }
0x7e: {  	v3 =	vperm.xlane v3, v2  }
0x7f: {  	[tilespmem:s22], [sflag:$0x1] =	stream.indirect_vreg.gather [hbm4b:s4+s3], $0x80, v4, vm0, $0xb8;
	[tilespmem:$0x10100] =	vst v63  }
0x80: {  	v3 =	vadd.s32 v1, v3  }
0x81: {  	[tilespmem:s23], [sflag:$0x1] =	stream.indirect_vreg.gather [hbm4b:s5+s3], $0x80, v4, vm0, $0xb8;
	[tilespmem:$0x10100] =	vst v63  }
0x82: {  	_ = 	snop  }
0x83: {  	[tilespmem:s24], [sflag:$0x1] =	stream.indirect_vreg.gather [hbm4b:s6+s3], $0x80, v4, vm0, $0xb8;
	[tilespmem:$0x10100] =	vst v63  }
0x84: {  	_ = 	snop  }
0x85: {  	[tilespmem:s26], [sflag:$0x1] =	stream.indirect_vreg.gather [hbm4b:s1+s3], $0x80, v3, vm0, $0xb8;
	[tilespmem:$0x10100] =	vst v63  }
0x86: {  	_ = 	snop  }
0x87: {  	[tilespmem:s28], [sflag:$0x1] =	stream.indirect_vreg.gather [hbm4b:s4+s3], $0x80, v3, vm0, $0xb8;
	[tilespmem:$0x10100] =	vst v63  }
0x88: {  	_ = 	snop  }
0x89: {  	[tilespmem:s29], [sflag:$0x1] =	stream.indirect_vreg.gather [hbm4b:s5+s3], $0x80, v3, vm0, $0xb8;
	[tilespmem:$0x10100] =	vst v63  }
0x8a: {  	_ = 	snop  }
0x8b: {  	[tilespmem:s30], [sflag:$0x1] =	stream.indirect_vreg.gather [hbm4b:s6+s3], $0x80, v3, vm0, $0xb8;
	[tilespmem:$0x10100] =	vst v63  }
0x8c: {  	v3 =	vld [tilespmem:$0x50];
	_ =	sdelay $0x4  }
0x8d: {  	v53 =	vshll.u32 v3, $0x3  }
0x8e: {  	v3 =	vand.u32 $0x7, v3;
	v4 =	vand.u32 $0xFFFFFFC0, v53  }
0x8f: {  	v3 =	vor.u32 v3, v4  }
0x90: {  	v4 =	vperm.xlane v3, v0;
	_ =	sdelay $0x1  }
0x91: {  	v4 =	vadd.s32 v1, v4;
	_ =	sdelay $0x4  }
0x92: {  	[tilespmem:s31], [sflag:$0x1] =	stream.indirect_vreg.gather [hbm4b:s1+s3], $0x80, v4, vm0, $0xb8;
	[tilespmem:$0x10100] =	vst v63  }
0x93: {  	v3 =	vperm.xlane v3, v2  }
0x94: {  	[tilespmem:s2], [sflag:$0x1] =	stream.indirect_vreg.gather [hbm4b:s4+s3], $0x80, v4, vm0, $0xb8;
	[tilespmem:$0x10100] =	vst v63  }
0x95: {  	v3 =	vadd.s32 v1, v3  }
0x96: {  	[tilespmem:s15], [sflag:$0x1] =	stream.indirect_vreg.gather [hbm4b:s5+s3], $0x80, v4, vm0, $0xb8;
	[tilespmem:$0x10100] =	vst v63  }
0x97: {  	_ = 	snop  }
0x98: {  	[tilespmem:s8], [sflag:$0x1] =	stream.indirect_vreg.gather [hbm4b:s6+s3], $0x80, v4, vm0, $0xb8;
	[tilespmem:$0x10100] =	vst v63  }
0x99: {  	_ = 	snop  }
0x9a: {  	[tilespmem:s10], [sflag:$0x1] =	stream.indirect_vreg.gather [hbm4b:s1+s3], $0x80, v3, vm0, $0xb8;
	[tilespmem:$0x10100] =	vst v63  }
0x9b: {  	_ = 	snop  }
0x9c: {  	[tilespmem:s11], [sflag:$0x1] =	stream.indirect_vreg.gather [hbm4b:s4+s3], $0x80, v3, vm0, $0xb8;
	[tilespmem:$0x10100] =	vst v63  }
0x9d: {  	_ = 	snop  }
0x9e: {  	[tilespmem:s12], [sflag:$0x1] =	stream.indirect_vreg.gather [hbm4b:s5+s3], $0x80, v3, vm0, $0xb8;
	[tilespmem:$0x10100] =	vst v63  }
0x9f: {  	_ = 	snop  }
0xa0: {  	[tilespmem:s13], [sflag:$0x1] =	stream.indirect_vreg.gather [hbm4b:s6+s3], $0x80, v3, vm0, $0xb8;
	[tilespmem:$0x10100] =	vst v63  }
0xa1: {  	_ =	swait.ge [sflag:s19], $0x8000  }
0xa2: {  	[sflag:s19] =	ssyncset.done $0x0  }
0xa3: {  	s21 =	rddreg [dreg:$0x6];
	[sflag:s19] =	ssyncadd.s32 $0xFFFF8000  }
0xa4: {  	[hbm4b:s21+s3] =	stream.linear.scatter [tilespmem:s25], [sflag:$0x4], $0x8000, $0x38;
	[tilespmem:$0x10100] =	vst v63  }
0xa5: {  	_ =	swait.ge [sflag:s20], $0x8000  }
0xa6: {  	[sflag:s20] =	ssyncset.done $0x0  }
0xa7: {  	[sflag:s20] =	ssyncadd.s32 $0xFFFF8000  }
0xa8: {  	v3 =	vld [tilespmem:$0x60];
	_ =	sdelay $0x4  }
0xa9: {  	v54 =	vshll.u32 v3, $0x3  }
0xaa: {  	v3 =	vand.u32 $0x7, v3;
	v4 =	vand.u32 $0xFFFFFFC0, v54  }
0xab: {  	v3 =	vor.u32 v3, v4  }
0xac: {  	v4 =	vperm.xlane v3, v0;
	_ =	sdelay $0x1  }
0xad: {  	v4 =	vadd.s32 v1, v4;
	_ =	sdelay $0x4  }
0xae: {  	[tilespmem:s25], [sflag:$0x2] =	stream.indirect_vreg.gather [hbm4b:s1+s3], $0x80, v4, vm0, $0xb8;
	[tilespmem:$0x10100] =	vst v63  }
0xaf: {  	s0 =	simm.s32 $0x8900;
	v3 =	vperm.xlane v3, v2  }
0xb0: {  	[tilespmem:s0], [sflag:$0x2] =	stream.indirect_vreg.gather [hbm4b:s4+s3], $0x80, v4, vm0, $0xb8;
	[tilespmem:$0x10100] =	vst v63  }
0xb1: {  	v3 =	vadd.s32 v1, v3;
	s0 =	simm.s32 $0x9100  }
0xb2: {  	[tilespmem:s0], [sflag:$0x2] =	stream.indirect_vreg.gather [hbm4b:s5+s3], $0x80, v4, vm0, $0xb8;
	[tilespmem:$0x10100] =	vst v63  }
0xb3: {  	s21 =	simm.s32 $0x9900  }
0xb4: {  	[tilespmem:s21], [sflag:$0x2] =	stream.indirect_vreg.gather [hbm4b:s6+s3], $0x80, v4, vm0, $0xb8;
	[tilespmem:$0x10100] =	vst v63  }
0xb5: {  	s21 =	simm.s32 $0xA100  }
0xb6: {  	[tilespmem:s21], [sflag:$0x2] =	stream.indirect_vreg.gather [hbm4b:s1+s3], $0x80, v3, vm0, $0xb8;
	[tilespmem:$0x10100] =	vst v63  }
0xb7: {  	s21 =	simm.s32 $0xA900  }
0xb8: {  	[tilespmem:s21], [sflag:$0x2] =	stream.indirect_vreg.gather [hbm4b:s4+s3], $0x80, v3, vm0, $0xb8;
	[tilespmem:$0x10100] =	vst v63  }
0xb9: {  	s21 =	simm.s32 $0xB100  }
0xba: {  	[tilespmem:s21], [sflag:$0x2] =	stream.indirect_vreg.gather [hbm4b:s5+s3], $0x80, v3, vm0, $0xb8;
	[tilespmem:$0x10100] =	vst v63  }
0xbb: {  	s14 =	simm.s32 $0xB900  }
0xbc: {  	[tilespmem:s14], [sflag:$0x2] =	stream.indirect_vreg.gather [hbm4b:s6+s3], $0x80, v3, vm0, $0xb8;
	[tilespmem:$0x10100] =	vst v63  }
0xbd: {  	v3 =	vld [tilespmem:$0x70];
	_ =	sdelay $0x4  }
0xbe: {  	v55 =	vshll.u32 v3, $0x3  }
0xbf: {  	v3 =	vand.u32 $0x7, v3;
	v4 =	vand.u32 $0xFFFFFFC0, v55  }
0xc0: {  	v3 =	vor.u32 v3, v4  }
0xc1: {  	v4 =	vperm.xlane v3, v0;
	_ =	sdelay $0x1  }
0xc2: {  	v4 =	vadd.s32 v1, v4;
	_ =	sdelay $0x3  }
0xc3: {  	s16 =	simm.s32 $0xC100  }
0xc4: {  	[tilespmem:s16], [sflag:$0x2] =	stream.indirect_vreg.gather [hbm4b:s1+s3], $0x80, v4, vm0, $0xb8;
	[tilespmem:$0x10100] =	vst v63  }
0xc5: {  	s21 =	simm.s32 $0xC900;
	v3 =	vperm.xlane v3, v2  }
0xc6: {  	[tilespmem:s21], [sflag:$0x2] =	stream.indirect_vreg.gather [hbm4b:s4+s3], $0x80, v4, vm0, $0xb8;
	[tilespmem:$0x10100] =	vst v63  }
0xc7: {  	v3 =	vadd.s32 v1, v3;
	s16 =	simm.s32 $0xD100  }
0xc8: {  	[tilespmem:s16], [sflag:$0x2] =	stream.indirect_vreg.gather [hbm4b:s5+s3], $0x80, v4, vm0, $0xb8;
	[tilespmem:$0x10100] =	vst v63  }
0xc9: {  	s21 =	simm.s32 $0xD900  }
0xca: {  	[tilespmem:s21], [sflag:$0x2] =	stream.indirect_vreg.gather [hbm4b:s6+s3], $0x80, v4, vm0, $0xb8;
	[tilespmem:$0x10100] =	vst v63  }
0xcb: {  	s16 =	simm.s32 $0xE100  }
0xcc: {  	[tilespmem:s16], [sflag:$0x2] =	stream.indirect_vreg.gather [hbm4b:s1+s3], $0x80, v3, vm0, $0xb8;
	[tilespmem:$0x10100] =	vst v63  }
0xcd: {  	s21 =	simm.s32 $0xE900  }
0xce: {  	[tilespmem:s21], [sflag:$0x2] =	stream.indirect_vreg.gather [hbm4b:s4+s3], $0x80, v3, vm0, $0xb8;
	[tilespmem:$0x10100] =	vst v63  }
0xcf: {  	s16 =	simm.s32 $0xF100  }
0xd0: {  	[tilespmem:s16], [sflag:$0x2] =	stream.indirect_vreg.gather [hbm4b:s5+s3], $0x80, v3, vm0, $0xb8;
	[tilespmem:$0x10100] =	vst v63  }
0xd1: {  	s21 =	simm.s32 $0xF900  }
0xd2: {  	[tilespmem:s21], [sflag:$0x2] =	stream.indirect_vreg.gather [hbm4b:s6+s3], $0x80, v3, vm0, $0xb8;
	[tilespmem:$0x10100] =	vst v63  }
0xd3: {  	_ =	swait.ge [sflag:s17], $0x8000  }
0xd4: {  	[sflag:s17] =	ssyncset.done $0x0  }
0xd5: {  	s16 =	rddreg [dreg:$0x7];
	[sflag:s17] =	ssyncadd.s32 $0xFFFF8000  }
0xd6: {  	[hbm4b:s16+s3] =	stream.linear.scatter [tilespmem:s9], [sflag:$0x3], $0x8000, $0x38;
	[tilespmem:$0x10100] =	vst v63  }
0xd7: {  	_ =	swait.ge [sflag:s18], $0x8000  }
0xd8: {  	[sflag:s18] =	ssyncset.done $0x0  }
0xd9: {  	[sflag:s18] =	ssyncadd.s32 $0xFFFF8000  }
0xda: {  	v3 =	vld [tilespmem:$0x80];
	_ =	sdelay $0x4  }
0xdb: {  	v56 =	vshll.u32 v3, $0x3  }
0xdc: {  	v3 =	vand.u32 $0x7, v3;
	v4 =	vand.u32 $0xFFFFFFC0, v56  }
0xdd: {  	v3 =	vor.u32 v3, v4  }
0xde: {  	v4 =	vperm.xlane v3, v0;
	_ =	sdelay $0x1  }
0xdf: {  	v4 =	vadd.s32 v1, v4;
	_ =	sdelay $0x4  }
0xe0: {  	[tilespmem:s9], [sflag:$0x1] =	stream.indirect_vreg.gather [hbm4b:s1+s3], $0x80, v4, vm0, $0xb8;
	[tilespmem:$0x10100] =	vst v63  }
0xe1: {  	v3 =	vperm.xlane v3, v2  }
0xe2: {  	[tilespmem:s22], [sflag:$0x1] =	stream.indirect_vreg.gather [hbm4b:s4+s3], $0x80, v4, vm0, $0xb8;
	[tilespmem:$0x10100] =	vst v63  }
0xe3: {  	v3 =	vadd.s32 v1, v3  }
0xe4: {  	[tilespmem:s23], [sflag:$0x1] =	stream.indirect_vreg.gather [hbm4b:s5+s3], $0x80, v4, vm0, $0xb8;
	[tilespmem:$0x10100] =	vst v63  }
0xe5: {  	_ = 	snop  }
0xe6: {  	[tilespmem:s24], [sflag:$0x1] =	stream.indirect_vreg.gather [hbm4b:s6+s3], $0x80, v4, vm0, $0xb8;
	[tilespmem:$0x10100] =	vst v63  }
0xe7: {  	_ = 	snop  }
0xe8: {  	[tilespmem:s26], [sflag:$0x1] =	stream.indirect_vreg.gather [hbm4b:s1+s3], $0x80, v3, vm0, $0xb8;
	[tilespmem:$0x10100] =	vst v63  }
0xe9: {  	_ = 	snop  }
0xea: {  	[tilespmem:s28], [sflag:$0x1] =	stream.indirect_vreg.gather [hbm4b:s4+s3], $0x80, v3, vm0, $0xb8;
	[tilespmem:$0x10100] =	vst v63  }
0xeb: {  	_ = 	snop  }
0xec: {  	[tilespmem:s29], [sflag:$0x1] =	stream.indirect_vreg.gather [hbm4b:s5+s3], $0x80, v3, vm0, $0xb8;
	[tilespmem:$0x10100] =	vst v63  }
0xed: {  	_ = 	snop  }
0xee: {  	[tilespmem:s30], [sflag:$0x1] =	stream.indirect_vreg.gather [hbm4b:s6+s3], $0x80, v3, vm0, $0xb8;
	[tilespmem:$0x10100] =	vst v63  }
0xef: {  	v3 =	vld [tilespmem:$0x90];
	_ =	sdelay $0x4  }
0xf0: {  	v57 =	vshll.u32 v3, $0x3  }
0xf1: {  	v3 =	vand.u32 $0x7, v3;
	v4 =	vand.u32 $0xFFFFFFC0, v57  }
0xf2: {  	v3 =	vor.u32 v3, v4  }
0xf3: {  	v4 =	vperm.xlane v3, v0;
	_ =	sdelay $0x1  }
0xf4: {  	v4 =	vadd.s32 v1, v4;
	_ =	sdelay $0x4  }
0xf5: {  	[tilespmem:s31], [sflag:$0x1] =	stream.indirect_vreg.gather [hbm4b:s1+s3], $0x80, v4, vm0, $0xb8;
	[tilespmem:$0x10100] =	vst v63  }
0xf6: {  	v3 =	vperm.xlane v3, v2  }
0xf7: {  	[tilespmem:s2], [sflag:$0x1] =	stream.indirect_vreg.gather [hbm4b:s4+s3], $0x80, v4, vm0, $0xb8;
	[tilespmem:$0x10100] =	vst v63  }
0xf8: {  	v3 =	vadd.s32 v1, v3  }
0xf9: {  	[tilespmem:s15], [sflag:$0x1] =	stream.indirect_vreg.gather [hbm4b:s5+s3], $0x80, v4, vm0, $0xb8;
	[tilespmem:$0x10100] =	vst v63  }
0xfa: {  	_ = 	snop  }
0xfb: {  	[tilespmem:s8], [sflag:$0x1] =	stream.indirect_vreg.gather [hbm4b:s6+s3], $0x80, v4, vm0, $0xb8;
	[tilespmem:$0x10100] =	vst v63  }
0xfc: {  	_ = 	snop  }
0xfd: {  	[tilespmem:s10], [sflag:$0x1] =	stream.indirect_vreg.gather [hbm4b:s1+s3], $0x80, v3, vm0, $0xb8;
	[tilespmem:$0x10100] =	vst v63  }
0xfe: {  	_ = 	snop  }
0xff: {  	[tilespmem:s11], [sflag:$0x1] =	stream.indirect_vreg.gather [hbm4b:s4+s3], $0x80, v3, vm0, $0xb8;
	[tilespmem:$0x10100] =	vst v63  }
0x100: {  	_ = 	snop  }
0x101: {  	[tilespmem:s12], [sflag:$0x1] =	stream.indirect_vreg.gather [hbm4b:s5+s3], $0x80, v3, vm0, $0xb8;
	[tilespmem:$0x10100] =	vst v63  }
0x102: {  	_ = 	snop  }
0x103: {  	[tilespmem:s13], [sflag:$0x1] =	stream.indirect_vreg.gather [hbm4b:s6+s3], $0x80, v3, vm0, $0xb8;
	[tilespmem:$0x10100] =	vst v63  }
0x104: {  	_ =	swait.ge [sflag:s19], $0x8000  }
0x105: {  	[sflag:s19] =	ssyncset.done $0x0  }
0x106: {  	s14 =	rddreg [dreg:$0x8];
	[sflag:s19] =	ssyncadd.s32 $0xFFFF8000  }
0x107: {  	[hbm4b:s14+s3] =	stream.linear.scatter [tilespmem:s25], [sflag:$0x4], $0x8000, $0x38;
	[tilespmem:$0x10100] =	vst v63  }
0x108: {  	_ =	swait.ge [sflag:s20], $0x8000  }
0x109: {  	[sflag:s20] =	ssyncset.done $0x0  }
0x10a: {  	[sflag:s20] =	ssyncadd.s32 $0xFFFF8000  }
0x10b: {  	v3 =	vld [tilespmem:$0xA0];
	_ =	sdelay $0x4  }
0x10c: {  	v58 =	vshll.u32 v3, $0x3  }
0x10d: {  	v3 =	vand.u32 $0x7, v3;
	v4 =	vand.u32 $0xFFFFFFC0, v58  }
0x10e: {  	v3 =	vor.u32 v3, v4  }
0x10f: {  	v4 =	vperm.xlane v3, v0;
	_ =	sdelay $0x1  }
0x110: {  	v4 =	vadd.s32 v1, v4;
	_ =	sdelay $0x4  }
0x111: {  	[tilespmem:s25], [sflag:$0x2] =	stream.indirect_vreg.gather [hbm4b:s1+s3], $0x80, v4, vm0, $0xb8;
	[tilespmem:$0x10100] =	vst v63  }
0x112: {  	s16 =	simm.s32 $0x8900;
	v3 =	vperm.xlane v3, v2  }
0x113: {  	[tilespmem:s16], [sflag:$0x2] =	stream.indirect_vreg.gather [hbm4b:s4+s3], $0x80, v4, vm0, $0xb8;
	[tilespmem:$0x10100] =	vst v63  }
0x114: {  	v3 =	vadd.s32 v1, v3  }
0x115: {  	[tilespmem:s0], [sflag:$0x2] =	stream.indirect_vreg.gather [hbm4b:s5+s3], $0x80, v4, vm0, $0xb8;
	[tilespmem:$0x10100] =	vst v63  }
0x116: {  	s21 =	simm.s32 $0x9900  }
0x117: {  	[tilespmem:s21], [sflag:$0x2] =	stream.indirect_vreg.gather [hbm4b:s6+s3], $0x80, v4, vm0, $0xb8;
	[tilespmem:$0x10100] =	vst v63  }
0x118: {  	s16 =	simm.s32 $0xA100  }
0x119: {  	[tilespmem:s16], [sflag:$0x2] =	stream.indirect_vreg.gather [hbm4b:s1+s3], $0x80, v3, vm0, $0xb8;
	[tilespmem:$0x10100] =	vst v63  }
0x11a: {  	s21 =	simm.s32 $0xA900  }
0x11b: {  	[tilespmem:s21], [sflag:$0x2] =	stream.indirect_vreg.gather [hbm4b:s4+s3], $0x80, v3, vm0, $0xb8;
	[tilespmem:$0x10100] =	vst v63  }
0x11c: {  	s21 =	simm.s32 $0xB100  }
0x11d: {  	[tilespmem:s21], [sflag:$0x2] =	stream.indirect_vreg.gather [hbm4b:s5+s3], $0x80, v3, vm0, $0xb8;
	[tilespmem:$0x10100] =	vst v63  }
0x11e: {  	s21 =	simm.s32 $0xB900  }
0x11f: {  	[tilespmem:s21], [sflag:$0x2] =	stream.indirect_vreg.gather [hbm4b:s6+s3], $0x80, v3, vm0, $0xb8;
	[tilespmem:$0x10100] =	vst v63  }
0x120: {  	v3 =	vld [tilespmem:$0xB0];
	_ =	sdelay $0x4  }
0x121: {  	v59 =	vshll.u32 v3, $0x3  }
0x122: {  	v3 =	vand.u32 $0x7, v3;
	v4 =	vand.u32 $0xFFFFFFC0, v59  }
0x123: {  	v3 =	vor.u32 v3, v4  }
0x124: {  	v4 =	vperm.xlane v3, v0;
	_ =	sdelay $0x1  }
0x125: {  	v4 =	vadd.s32 v1, v4;
	_ =	sdelay $0x3  }
0x126: {  	s21 =	simm.s32 $0xC100  }
0x127: {  	[tilespmem:s21], [sflag:$0x2] =	stream.indirect_vreg.gather [hbm4b:s1+s3], $0x80, v4, vm0, $0xb8;
	[tilespmem:$0x10100] =	vst v63  }
0x128: {  	v3 =	vperm.xlane v3, v2;
	s21 =	simm.s32 $0xC900  }
0x129: {  	[tilespmem:s21], [sflag:$0x2] =	stream.indirect_vreg.gather [hbm4b:s4+s3], $0x80, v4, vm0, $0xb8;
	[tilespmem:$0x10100] =	vst v63  }
0x12a: {  	v3 =	vadd.s32 v1, v3;
	s21 =	simm.s32 $0xD100  }
0x12b: {  	[tilespmem:s21], [sflag:$0x2] =	stream.indirect_vreg.gather [hbm4b:s5+s3], $0x80, v4, vm0, $0xb8;
	[tilespmem:$0x10100] =	vst v63  }
0x12c: {  	s21 =	simm.s32 $0xD900  }
0x12d: {  	[tilespmem:s21], [sflag:$0x2] =	stream.indirect_vreg.gather [hbm4b:s6+s3], $0x80, v4, vm0, $0xb8;
	[tilespmem:$0x10100] =	vst v63  }
0x12e: {  	s21 =	simm.s32 $0xE100  }
0x12f: {  	[tilespmem:s21], [sflag:$0x2] =	stream.indirect_vreg.gather [hbm4b:s1+s3], $0x80, v3, vm0, $0xb8;
	[tilespmem:$0x10100] =	vst v63  }
0x130: {  	s21 =	simm.s32 $0xE900  }
0x131: {  	[tilespmem:s21], [sflag:$0x2] =	stream.indirect_vreg.gather [hbm4b:s4+s3], $0x80, v3, vm0, $0xb8;
	[tilespmem:$0x10100] =	vst v63  }
0x132: {  	s21 =	simm.s32 $0xF100  }
0x133: {  	[tilespmem:s21], [sflag:$0x2] =	stream.indirect_vreg.gather [hbm4b:s5+s3], $0x80, v3, vm0, $0xb8;
	[tilespmem:$0x10100] =	vst v63  }
0x134: {  	s21 =	simm.s32 $0xF900  }
0x135: {  	[tilespmem:s21], [sflag:$0x2] =	stream.indirect_vreg.gather [hbm4b:s6+s3], $0x80, v3, vm0, $0xb8;
	[tilespmem:$0x10100] =	vst v63  }
0x136: {  	_ =	swait.ge [sflag:s17], $0x8000  }
0x137: {  	[sflag:s17] =	ssyncset.done $0x0  }
0x138: {  	s21 =	rddreg [dreg:$0x9];
	[sflag:s17] =	ssyncadd.s32 $0xFFFF8000  }
0x139: {  	[hbm4b:s21+s3] =	stream.linear.scatter [tilespmem:s9], [sflag:$0x3], $0x8000, $0x38;
	[tilespmem:$0x10100] =	vst v63  }
0x13a: {  	_ =	swait.ge [sflag:s18], $0x8000  }
0x13b: {  	[sflag:s18] =	ssyncset.done $0x0  }
0x13c: {  	[sflag:s18] =	ssyncadd.s32 $0xFFFF8000  }
0x13d: {  	v3 =	vld [tilespmem:$0xC0];
	_ =	sdelay $0x4  }
0x13e: {  	v60 =	vshll.u32 v3, $0x3  }
0x13f: {  	v3 =	vand.u32 $0x7, v3;
	v4 =	vand.u32 $0xFFFFFFC0, v60  }
0x140: {  	v3 =	vor.u32 v3, v4  }
0x141: {  	v4 =	vperm.xlane v3, v0;
	_ =	sdelay $0x1  }
0x142: {  	v4 =	vadd.s32 v1, v4;
	_ =	sdelay $0x4  }
0x143: {  	[tilespmem:s9], [sflag:$0x1] =	stream.indirect_vreg.gather [hbm4b:s1+s3], $0x80, v4, vm0, $0xb8;
	[tilespmem:$0x10100] =	vst v63  }
0x144: {  	v3 =	vperm.xlane v3, v2  }
0x145: {  	[tilespmem:s22], [sflag:$0x1] =	stream.indirect_vreg.gather [hbm4b:s4+s3], $0x80, v4, vm0, $0xb8;
	[tilespmem:$0x10100] =	vst v63  }
0x146: {  	v3 =	vadd.s32 v1, v3  }
0x147: {  	[tilespmem:s23], [sflag:$0x1] =	stream.indirect_vreg.gather [hbm4b:s5+s3], $0x80, v4, vm0, $0xb8;
	[tilespmem:$0x10100] =	vst v63  }
0x148: {  	_ = 	snop  }
0x149: {  	[tilespmem:s24], [sflag:$0x1] =	stream.indirect_vreg.gather [hbm4b:s6+s3], $0x80, v4, vm0, $0xb8;
	[tilespmem:$0x10100] =	vst v63  }
0x14a: {  	_ = 	snop  }
0x14b: {  	[tilespmem:s26], [sflag:$0x1] =	stream.indirect_vreg.gather [hbm4b:s1+s3], $0x80, v3, vm0, $0xb8;
	[tilespmem:$0x10100] =	vst v63  }
0x14c: {  	_ = 	snop  }
0x14d: {  	[tilespmem:s28], [sflag:$0x1] =	stream.indirect_vreg.gather [hbm4b:s4+s3], $0x80, v3, vm0, $0xb8;
	[tilespmem:$0x10100] =	vst v63  }
0x14e: {  	_ = 	snop  }
0x14f: {  	[tilespmem:s29], [sflag:$0x1] =	stream.indirect_vreg.gather [hbm4b:s5+s3], $0x80, v3, vm0, $0xb8;
	[tilespmem:$0x10100] =	vst v63  }
0x150: {  	_ = 	snop  }
0x151: {  	[tilespmem:s30], [sflag:$0x1] =	stream.indirect_vreg.gather [hbm4b:s6+s3], $0x80, v3, vm0, $0xb8;
	[tilespmem:$0x10100] =	vst v63  }
0x152: {  	v3 =	vld [tilespmem:$0xD0];
	_ =	sdelay $0x4  }
0x153: {  	v61 =	vshll.u32 v3, $0x3  }
0x154: {  	v3 =	vand.u32 $0x7, v3;
	v4 =	vand.u32 $0xFFFFFFC0, v61  }
0x155: {  	v3 =	vor.u32 v3, v4  }
0x156: {  	v4 =	vperm.xlane v3, v0;
	_ =	sdelay $0x1  }
0x157: {  	v4 =	vadd.s32 v1, v4;
	_ =	sdelay $0x4  }
0x158: {  	[tilespmem:s31], [sflag:$0x1] =	stream.indirect_vreg.gather [hbm4b:s1+s3], $0x80, v4, vm0, $0xb8;
	[tilespmem:$0x10100] =	vst v63  }
0x159: {  	v3 =	vperm.xlane v3, v2  }
0x15a: {  	[tilespmem:s2], [sflag:$0x1] =	stream.indirect_vreg.gather [hbm4b:s4+s3], $0x80, v4, vm0, $0xb8;
	[tilespmem:$0x10100] =	vst v63  }
0x15b: {  	v3 =	vadd.s32 v1, v3  }
0x15c: {  	[tilespmem:s15], [sflag:$0x1] =	stream.indirect_vreg.gather [hbm4b:s5+s3], $0x80, v4, vm0, $0xb8;
	[tilespmem:$0x10100] =	vst v63  }
0x15d: {  	_ = 	snop  }
0x15e: {  	[tilespmem:s8], [sflag:$0x1] =	stream.indirect_vreg.gather [hbm4b:s6+s3], $0x80, v4, vm0, $0xb8;
	[tilespmem:$0x10100] =	vst v63  }
0x15f: {  	_ = 	snop  }
0x160: {  	[tilespmem:s10], [sflag:$0x1] =	stream.indirect_vreg.gather [hbm4b:s1+s3], $0x80, v3, vm0, $0xb8;
	[tilespmem:$0x10100] =	vst v63  }
0x161: {  	_ = 	snop  }
0x162: {  	[tilespmem:s11], [sflag:$0x1] =	stream.indirect_vreg.gather [hbm4b:s4+s3], $0x80, v3, vm0, $0xb8;
	[tilespmem:$0x10100] =	vst v63  }
0x163: {  	_ = 	snop  }
0x164: {  	[tilespmem:s12], [sflag:$0x1] =	stream.indirect_vreg.gather [hbm4b:s5+s3], $0x80, v3, vm0, $0xb8;
	[tilespmem:$0x10100] =	vst v63  }
0x165: {  	_ = 	snop  }
0x166: {  	[tilespmem:s13], [sflag:$0x1] =	stream.indirect_vreg.gather [hbm4b:s6+s3], $0x80, v3, vm0, $0xb8;
	[tilespmem:$0x10100] =	vst v63  }
0x167: {  	_ =	swait.ge [sflag:s19], $0x8000  }
0x168: {  	[sflag:s19] =	ssyncset.done $0x0  }
0x169: {  	s2 =	rddreg [dreg:$0xa];
	[sflag:s19] =	ssyncadd.s32 $0xFFFF8000  }
0x16a: {  	[hbm4b:s2+s3] =	stream.linear.scatter [tilespmem:s25], [sflag:$0x4], $0x8000, $0x38;
	[tilespmem:$0x10100] =	vst v63  }
0x16b: {  	_ =	swait.ge [sflag:s20], $0x8000  }
0x16c: {  	[sflag:s20] =	ssyncset.done $0x0  }
0x16d: {  	[sflag:s20] =	ssyncadd.s32 $0xFFFF8000  }
0x16e: {  	v3 =	vld [tilespmem:$0xE0];
	_ =	sdelay $0x4  }
0x16f: {  	v62 =	vshll.u32 v3, $0x3  }
0x170: {  	v3 =	vand.u32 $0x7, v3;
	v4 =	vand.u32 $0xFFFFFFC0, v62  }
0x171: {  	v3 =	vor.u32 v3, v4  }
0x172: {  	v4 =	vperm.xlane v3, v0;
	_ =	sdelay $0x1  }
0x173: {  	v4 =	vadd.s32 v1, v4;
	_ =	sdelay $0x4  }
0x174: {  	[tilespmem:s25], [sflag:$0x2] =	stream.indirect_vreg.gather [hbm4b:s1+s3], $0x80, v4, vm0, $0xb8;
	[tilespmem:$0x10100] =	vst v63  }
0x175: {  	s21 =	simm.s32 $0x8900;
	v3 =	vperm.xlane v3, v2  }
0x176: {  	[tilespmem:s21], [sflag:$0x2] =	stream.indirect_vreg.gather [hbm4b:s4+s3], $0x80, v4, vm0, $0xb8;
	[tilespmem:$0x10100] =	vst v63  }
0x177: {  	s0 =	simm.s32 $0x9100;
	v3 =	vadd.s32 v1, v3  }
0x178: {  	[tilespmem:s0], [sflag:$0x2] =	stream.indirect_vreg.gather [hbm4b:s5+s3], $0x80, v4, vm0, $0xb8;
	[tilespmem:$0x10100] =	vst v63  }
0x179: {  	s2 =	simm.s32 $0x9900  }
0x17a: {  	[tilespmem:s2], [sflag:$0x2] =	stream.indirect_vreg.gather [hbm4b:s6+s3], $0x80, v4, vm0, $0xb8;
	[tilespmem:$0x10100] =	vst v63  }
0x17b: {  	s14 =	simm.s32 $0xA100  }
0x17c: {  	[tilespmem:s14], [sflag:$0x2] =	stream.indirect_vreg.gather [hbm4b:s1+s3], $0x80, v3, vm0, $0xb8;
	[tilespmem:$0x10100] =	vst v63  }
0x17d: {  	s16 =	simm.s32 $0xA900  }
0x17e: {  	[tilespmem:s16], [sflag:$0x2] =	stream.indirect_vreg.gather [hbm4b:s4+s3], $0x80, v3, vm0, $0xb8;
	[tilespmem:$0x10100] =	vst v63  }
0x17f: {  	s21 =	simm.s32 $0xB100  }
0x180: {  	[tilespmem:s21], [sflag:$0x2] =	stream.indirect_vreg.gather [hbm4b:s5+s3], $0x80, v3, vm0, $0xb8;
	[tilespmem:$0x10100] =	vst v63  }
0x181: {  	s2 =	simm.s32 $0xB900  }
0x182: {  	[tilespmem:s2], [sflag:$0x2] =	stream.indirect_vreg.gather [hbm4b:s6+s3], $0x80, v3, vm0, $0xb8;
	[tilespmem:$0x10100] =	vst v63  }
0x183: {  	v3 =	vld [tilespmem:$0xF0];
	_ =	sdelay $0x4  }
0x184: {  	v63 =	vshll.u32 v3, $0x3  }
0x185: {  	v3 =	vand.u32 $0x7, v3;
	v4 =	vand.u32 $0xFFFFFFC0, v63  }
0x186: {  	v3 =	vor.u32 v3, v4  }
0x187: {  	v4 =	vperm.xlane v3, v0;
	_ =	sdelay $0x1  }
0x188: {  	v4 =	vadd.s32 v1, v4;
	_ =	sdelay $0x3  }
0x189: {  	s14 =	simm.s32 $0xC100  }
0x18a: {  	[tilespmem:s14], [sflag:$0x2] =	stream.indirect_vreg.gather [hbm4b:s1+s3], $0x80, v4, vm0, $0xb8;
	[tilespmem:$0x10100] =	vst v63  }
0x18b: {  	s16 =	simm.s32 $0xC900;
	v3 =	vperm.xlane v3, v2  }
0x18c: {  	[tilespmem:s16], [sflag:$0x2] =	stream.indirect_vreg.gather [hbm4b:s4+s3], $0x80, v4, vm0, $0xb8;
	[tilespmem:$0x10100] =	vst v63  }
0x18d: {  	s21 =	simm.s32 $0xD100;
	v3 =	vadd.s32 v1, v3  }
0x18e: {  	[tilespmem:s21], [sflag:$0x2] =	stream.indirect_vreg.gather [hbm4b:s5+s3], $0x80, v4, vm0, $0xb8;
	[tilespmem:$0x10100] =	vst v63  }
0x18f: {  	s2 =	simm.s32 $0xD900  }
0x190: {  	[tilespmem:s2], [sflag:$0x2] =	stream.indirect_vreg.gather [hbm4b:s6+s3], $0x80, v4, vm0, $0xb8;
	[tilespmem:$0x10100] =	vst v63  }
0x191: {  	s14 =	simm.s32 $0xE100  }
0x192: {  	[tilespmem:s14], [sflag:$0x2] =	stream.indirect_vreg.gather [hbm4b:s1+s3], $0x80, v3, vm0, $0xb8;
	[tilespmem:$0x10100] =	vst v63  }
0x193: {  	s16 =	simm.s32 $0xE900  }
0x194: {  	[tilespmem:s16], [sflag:$0x2] =	stream.indirect_vreg.gather [hbm4b:s4+s3], $0x80, v3, vm0, $0xb8;
	[tilespmem:$0x10100] =	vst v63  }
0x195: {  	s21 =	simm.s32 $0xF100  }
0x196: {  	[tilespmem:s21], [sflag:$0x2] =	stream.indirect_vreg.gather [hbm4b:s5+s3], $0x80, v3, vm0, $0xb8;
	[tilespmem:$0x10100] =	vst v63  }
0x197: {  	s2 =	simm.s32 $0xF900  }
0x198: {  	[tilespmem:s2], [sflag:$0x2] =	stream.indirect_vreg.gather [hbm4b:s6+s3], $0x80, v3, vm0, $0xb8;
	[tilespmem:$0x10100] =	vst v63  }
0x199: {  	_ =	swait.ge [sflag:s17], $0x8000  }
0x19a: {  	[sflag:s17] =	ssyncset.done $0x0  }
0x19b: {  	s14 =	rddreg [dreg:$0xb];
	[sflag:s17] =	ssyncadd.s32 $0xFFFF8000  }
0x19c: {  	[hbm4b:s14+s3] =	stream.linear.scatter [tilespmem:s9], [sflag:$0x3], $0x8000, $0x38;
	[tilespmem:$0x10100] =	vst v63  }
0x19d: {  	_ =	swait.ge [sflag:s19], $0x8000  }
0x19e: {  	[sflag:s19] =	ssyncset.done $0x0  }
0x19f: {  	s16 =	rddreg [dreg:$0xc];
	[sflag:s19] =	ssyncadd.s32 $0xFFFF8000  }
0x1a0: {  	[hbm4b:s16+s3] =	stream.linear.scatter [tilespmem:s25], [sflag:$0x4], $0x8000, $0x38;
	[tilespmem:$0x10100] =	vst v63  }
0x1a1: {  	p0 =	sne.s32 s7, $0x1;
	_ =	swait.ge [sflag:s18], $0x8000  }
.Ltmp0:
0x1a2: {  	[sflag:s18] =	ssyncset.done $0x0;
	(pc) =	sbr.rel @p0 .LBB2_1-.Ltmp0, $4  }
0x1a3: {  	[sflag:s18] =	ssyncadd.s32 $0xFFFF8000  }
0x1a4: {  	_ =	swait.ge [sflag:s20], $0x8000  }
0x1a5: {  	[sflag:s20] =	ssyncset.done $0x0  }
0x1a6: {  	s7 =	sadd.s32 $0xFFFFFFFF, s7;
	[sflag:s20] =	ssyncadd.s32 $0xFFFF8000  }
0x1a7: {  	_ =	sfence.sel $0x180000  }
0x1a8: {  	[bflag:$0x0] =	sbarrier.arrive $0xFFFF  }
0x1a9: {  	_ =	strace $0x90000047  }
0x1aa: {  	s0 =	stileid.u32;
	[bflag:$0x2] =	sbarrier.arrive $0xFFFF  }
0x1ab: {  	p0 =	sne.s32 s0, $0x0;
	s0 =	rddreg [dreg:$0x3]  }
0x1ac: {  	s0 =	sadd.s32 @!p0 $0x100000, s0  }
0x1ad: {  	[sflag:s0] =	ssyncadd.tile.s32 @!p0 $0x1;
	_ =	shalt  }
.Lfunc_end2:
_tile_overlayer_lowered:
.L_overlay_start_2:
0x1ae: {  	(tag) =	ssettag $0x2  }
0x1af: {  	s0 =	rddreg [dreg:$0x0];
	s2 =	stileid.u32  }
0x1b0: {  	s1 =	rddreg [dreg:$0x1];
	p0 =	sne.s32 s2, $0x0  }
0x1b1: {  	s3 =	rddreg [dreg:$0x2];
	[bflag:$0x3] =	sbarrier.arrive $0xFFFF;
	s2 =	simm.s32 @!p0 $0x1C05  }
0x1b2: {  	[timem:s3], [sflag:s2] =	dma.local @!p0 [hbm:s0], s1  }
0x1b3: {  	s0 =	simm.s32 @!p0 $0x5  }
0x1b4: {  	_ =	swait.ge @!p0 [sflag:s0], s1  }
0x1b5: {  	s1 =	ssub.s32 @!p0 $0x0, s1;
	[sflag:s0] =	ssyncset.done @!p0 $0x0  }
0x1b6: {  	[sflag:s0] =	ssyncadd.s32 @!p0 s1  }
0x1b7: {  	[bflag:$0x3] =	sbarrier.arrive $0xFFFF  }
0x1b8: {  	_ =	shalt  }

</sc_bundles>
